<compile_context>
chip_gen: v7x
topology: tpu7x:2x2x1
jax: 0.10.2.dev20260603
libtpu: 0.0.44.dev20260713+nightly
codegen_flags: <defaults>
</compile_context>

<pallas_src>
import functools

import jax
import jax.numpy as jnp
from jax import lax
from jax.experimental import pallas as pl
from jax.experimental.pallas import tpu as pltpu
from jax.experimental.pallas import tpu_sc as plsc

N = 10000
E = 160000
NFEAT = 256
NHID = 1024
NCLASS = 256

NTILES = 16
NCORES = 2
CW = 128


def _make_segsum(nchunks, dtype, chunk, ept_ch, nbuf, npad):
  cp = nchunks // NCORES
  rpt = npad // NTILES
  mesh = plsc.VectorSubcoreMesh(core_axis_name="c", subcore_axis_name="s",
                                num_cores=NCORES, num_subcores=NTILES)

  @functools.partial(
      pl.kernel,
      mesh=mesh,
      out_type=jax.ShapeDtypeStruct((nchunks, npad, CW), dtype),
      scratch_types=[
          pltpu.VMEM((nbuf, 2, chunk), jnp.int32),
          pltpu.VMEM((nbuf, chunk), jnp.int32),
          pltpu.VMEM((nbuf, chunk), jnp.int32),
          [pltpu.VMEM((chunk, CW), dtype) for _ in range(nbuf)],
          pltpu.VMEM_SHARED((npad, CW), dtype),
          [pltpu.SemaphoreType.DMA for _ in range(nbuf)],
          [pltpu.SemaphoreType.DMA for _ in range(nbuf)],
          [pltpu.SemaphoreType.DMA for _ in range(nbuf)],
      ],
  )
  def segsum(table, e4, zrows, out_r, ebuf, gidx_v, dbuf, gbufs, agg_sh,
             se, sg, ss):
    c = lax.axis_index("c")
    s = lax.axis_index("s")

    def start_idx(ch, b):
      pltpu.async_copy(e4.at[s, ch], ebuf.at[b], se[b])

    def wait_idx(ch, b):
      pltpu.make_async_copy(e4.at[s, ch], ebuf.at[b], se[b]).wait()

    def start_gather(b):
      pltpu.async_copy(table.at[gidx_v.at[b]], gbufs[b], sg[b])

    def wait_gather(b):
      pltpu.make_async_copy(table.at[gidx_v.at[b]], gbufs[b], sg[b]).wait()

    def start_scatter(b):
      pltpu.async_copy(gbufs[b], agg_sh.at[dbuf.at[b]], ss[b], add=True)

    def wait_scatter(b):
      pltpu.make_async_copy(gbufs[b], agg_sh.at[dbuf.at[b]], ss[b]).wait()

    def unpack_idx(b, base):
      for k in range(chunk // 16):
        sl = pl.ds(k * 16, 16)
        gidx_v[b, sl] = ebuf[b, 0, sl] + base
        dbuf[b, sl] = ebuf[b, 1, sl]

    for jj in range(cp):
      j = c * cp + jj
      pltpu.sync_copy(zrows, agg_sh.at[pl.ds(s * rpt, rpt)])
      base = j * N
      plsc.subcore_barrier()

      for ch in range(nbuf - 1):
        start_idx(ch, ch)
      wait_idx(0, 0)
      unpack_idx(0, base)
      start_gather(0)

      @pl.loop(0, ept_ch, step=nbuf)
      def chunk_body(chb):
        for bb in range(nbuf):
          ch = chb + bb
          b = bb
          b1 = (bb + 1) % nbuf
          b2 = (bb + nbuf - 1) % nbuf

          @pl.when(ch + 1 < ept_ch)
          def _():
            wait_idx(ch + 1, b1)

            @pl.when(ch >= nbuf - 1)
            def _():
              wait_scatter(b1)

            unpack_idx(b1, base)
            start_gather(b1)

          @pl.when(ch + nbuf - 1 < ept_ch)
          def _():
            start_idx(ch + nbuf - 1, b2)

          wait_gather(b)
          start_scatter(b)

      for ch in range(ept_ch - nbuf, ept_ch):
        wait_scatter(ch % nbuf)
      plsc.subcore_barrier()
      pltpu.sync_copy(
          agg_sh.at[pl.ds(s * rpt, rpt)],
          out_r.at[j, pl.ds(s * rpt, rpt)])

  return segsum


CHUNK1, EPT1, NPAD1 = 112, 90, 10112


@functools.cache
def _segsum2():
  return _make_segsum(2, jnp.float32, CHUNK1, EPT1, 3, NPAD1)


def _pack_edges(src, dst, chunk, ept_ch):
  epad = NTILES * ept_ch * chunk
  src_p = jnp.concatenate([src, jnp.zeros((epad - E,), jnp.int32)])
  dst_p = jnp.concatenate([dst, jnp.full((epad - E,), N, jnp.int32)])
  return jnp.stack([src_p.reshape(NTILES, ept_ch, chunk),
                    dst_p.reshape(NTILES, ept_ch, chunk)], axis=2)


def _tc12_body(x_ref, agg_ref, w1_ref, b1_ref, w2_ref, out_ref):
  a = jnp.concatenate([agg_ref[0], agg_ref[1]], axis=-1)
  xa = (x_ref[...] + a).astype(jnp.bfloat16)
  h = jnp.maximum(
      jnp.dot(xa, w1_ref[...], preferred_element_type=jnp.float32)
      + b1_ref[...], 0.0)
  y = jnp.dot(h.astype(jnp.bfloat16), w2_ref[...],
              preferred_element_type=jnp.float32)
  out_ref[0] = y[:, :CW]
  out_ref[1] = y[:, CW:]


def _tc12(x, agg1, w1, b1r, w2):
  bn = 2000
  grid = (N // bn,)
  return pl.pallas_call(
      _tc12_body,
      grid=grid,
      in_specs=[
          pl.BlockSpec((bn, NFEAT), lambda i: (i, 0)),
          pl.BlockSpec((2, bn, CW), lambda i: (0, i, 0)),
          pl.BlockSpec((NFEAT, NHID), lambda i: (0, 0)),
          pl.BlockSpec((1, NHID), lambda i: (0, 0)),
          pl.BlockSpec((NHID, NCLASS), lambda i: (0, 0)),
      ],
      out_specs=pl.BlockSpec((2, bn, CW), lambda i: (0, i, 0)),
      out_shape=jax.ShapeDtypeStruct((NCLASS // CW, N, CW), jnp.float32),
  )(x, agg1, w1, b1r, w2)


def _tc3_body(y_ref, agg_ref, b_ref, out_ref):
  y = jnp.concatenate([y_ref[0] + agg_ref[0], y_ref[1] + agg_ref[1]],
                      axis=-1)
  out_ref[...] = y + b_ref[...]


def _tc3(y_r, agg2, b2r):
  bn = 2000
  grid = (N // bn,)
  return pl.pallas_call(
      _tc3_body,
      grid=grid,
      in_specs=[
          pl.BlockSpec((2, bn, CW), lambda i: (0, i, 0)),
          pl.BlockSpec((2, bn, CW), lambda i: (0, i, 0)),
          pl.BlockSpec((1, NCLASS), lambda i: (0, 0)),
      ],
      out_specs=pl.BlockSpec((bn, NCLASS), lambda i: (i, 0)),
      out_shape=jax.ShapeDtypeStruct((N, NCLASS), jnp.float32),
  )(y_r, agg2, b2r)


def kernel(x, edge_index, W1, b1, W2, b2):
  src = edge_index[0].astype(jnp.int32)
  dst = edge_index[1].astype(jnp.int32)
  e4a = _pack_edges(src, dst, CHUNK1, EPT1)
  zrows1 = jnp.zeros((NPAD1 // NTILES, CW), jnp.float32)

  x2d = x.reshape(N, 2, CW).transpose(1, 0, 2).reshape(2 * N, CW)
  segsum2 = _segsum2()
  agg1 = segsum2(x2d, e4a, zrows1)
  y_r = _tc12(x, agg1, W1.astype(jnp.bfloat16), b1.reshape(1, NHID),
              W2.astype(jnp.bfloat16))
  agg2 = segsum2(y_r.reshape(2 * N, CW), e4a, zrows1)
  out = _tc3(y_r, agg2, b2.reshape(1, NCLASS))
  return out

# --- scband reference (transcript-rebuilt; emitter-appended) ---
"""Pipeline reference for scband-train-net-85066122265025 (READ-ONLY COPY).

The authoritative reference and input builder live on the scoring server;
editing this copy changes nothing except your own understanding.
"""

import jax, jax.numpy as jnp
import numpy as np

N_NODES = 10000
N_EDGES = 160000
NFEAT = 256
NHID = 1024
NCLASS = 256


def setup_inputs(seed: int = 0) -> dict:
    key = jax.random.key(seed)
    k_x, k_e, k_w1, k_b1, k_w2, k_b2 = jax.random.split(key, 6)
    x = jax.random.normal(k_x, (N_NODES, NFEAT), dtype=jnp.float32)
    edge_index = jax.random.randint(k_e, (2, N_EDGES), 0, N_NODES, dtype=jnp.int64)
    # GIN layer 1 MLP: Linear(nfeat, nhid)
    W1 = jax.random.normal(k_w1, (NFEAT, NHID), dtype=jnp.float32) * (1.0 / np.sqrt(NFEAT))
    b1 = jax.random.normal(k_b1, (NHID,), dtype=jnp.float32) * 0.01
    # GIN layer 2 MLP: Linear(nhid, nclass)
    W2 = jax.random.normal(k_w2, (NHID, NCLASS), dtype=jnp.float32) * (1.0 / np.sqrt(NHID))
    b2 = jax.random.normal(k_b2, (NCLASS,), dtype=jnp.float32) * 0.01
    return {"x": x, "edge_index": edge_index, "W1": W1, "b1": b1, "W2": W2, "b2": b2}


def _gin_conv(x, src, dst, W, b, num_nodes):
    # GINConv with default eps=0: out = MLP((1+eps)*x + sum_{j in N(i)} x_j)
    msgs = jnp.take(x, src, axis=0)                      # gather per-edge source features
    agg = jax.ops.segment_sum(msgs, dst, num_segments=num_nodes)  # scatter-add to dst
    return (x + agg) @ W + b


def reference(x, edge_index, W1, b1, W2, b2):
    src = edge_index[0]
    dst = edge_index[1]
    n = x.shape[0]
    h = jax.nn.relu(_gin_conv(x, src, dst, W1, b1, n))
    # dropout p=0.0 -> identity
    out = _gin_conv(h, src, dst, W2, b2, n)
    return out

if __name__ == "__main__":
    import jax
    _d = setup_inputs()
    print(jax.jit(kernel)(*tuple(_d.values())))

</pallas_src>

<mosaic_0001>
#map = affine_map<(d0, d1) -> (0, 0)>
#map1 = affine_map<(d0, d1) -> (0, 0, 0, 0)>
#map2 = affine_map<(d0, d1) -> (0, 0, 0)>
module attributes {stable_mosaic.version = 14 : i64} {
  func.func @segsum(%arg0: i32, %arg1: i32, %arg2: memref<20000x128xf32, #tpu.memory_space<hbm>>, %arg3: memref<16x90x2x112xi32, #tpu.memory_space<hbm>>, %arg4: memref<632x128xf32, #tpu.memory_space<hbm>>, %arg5: memref<2x10112x128xf32, #tpu.memory_space<hbm>>, %arg6: memref<3x2x112xi32, #tpu.memory_space<vmem>>, %arg7: memref<3x112xi32, #tpu.memory_space<vmem>>, %arg8: memref<3x112xi32, #tpu.memory_space<vmem>>, %arg9: memref<112x128xf32, #tpu.memory_space<vmem>>, %arg10: memref<112x128xf32, #tpu.memory_space<vmem>>, %arg11: memref<112x128xf32, #tpu.memory_space<vmem>>, %arg12: memref<10112x128xf32, #tpu.memory_space<vmem_shared>>, %arg13: memref<!tpu.dma_semaphore, #tpu.memory_space<semaphore_mem>>, %arg14: memref<!tpu.dma_semaphore, #tpu.memory_space<semaphore_mem>>, %arg15: memref<!tpu.dma_semaphore, #tpu.memory_space<semaphore_mem>>, %arg16: memref<!tpu.dma_semaphore, #tpu.memory_space<semaphore_mem>>, %arg17: memref<!tpu.dma_semaphore, #tpu.memory_space<semaphore_mem>>, %arg18: memref<!tpu.dma_semaphore, #tpu.memory_space<semaphore_mem>>, %arg19: memref<!tpu.dma_semaphore, #tpu.memory_space<semaphore_mem>>, %arg20: memref<!tpu.dma_semaphore, #tpu.memory_space<semaphore_mem>>, %arg21: memref<!tpu.dma_semaphore, #tpu.memory_space<semaphore_mem>>) attributes {dimension_semantics = [#tpu.dimension_semantics<core_parallel>, #tpu.dimension_semantics<subcore_parallel>], iteration_bounds = array<i64: 2, 16>, scalar_prefetch = 0 : i64, scratch_operands = 16 : i64, tpu.core_type = #tpu.core_type<sc_vector_subcore>, window_params = [{transform_indices = #map}, {transform_indices = #map1}, {transform_indices = #map}, {transform_indices = #map2}]} {
    %mul3A = arith.constant 1 : i32
    %mul3A_0 = arith.muli %arg0, %mul3A : i32
    %add3A = arith.constant 0 : i32
    %add3A_1 = arith.addi %mul3A_0, %add3A : i32
    %mul3A_2 = arith.constant 632 : i32
    %mul3A_3 = arith.muli %arg1, %mul3A_2 : i32
    "tpu.region"() ({
      %run_scoped3A = tpu.sem_alloc : memref<!tpu.dma_semaphore, #tpu.memory_space<semaphore_mem>>
      %dma_start3A_289 = arith.constant 0 : i32
      %dma_start3A_290 = tpu.memref_slice %arg12[%mul3A_3, %dma_start3A_289] : memref<10112x128xf32, #tpu.memory_space<vmem_shared>> -> memref<632x128xf32, #tpu.memory_space<vmem_shared>>
      tpu.enqueue_dma source(%arg4 : memref<632x128xf32, #tpu.memory_space<hbm>>) target(%dma_start3A_290 : memref<632x128xf32, #tpu.memory_space<vmem_shared>>) target_semaphore(%run_scoped3A : memref<!tpu.dma_semaphore, #tpu.memory_space<semaphore_mem>>)
      %dma_wait3A_291 = arith.constant 0 : i32
      %dma_wait3A_292 = tpu.memref_slice %arg12[%mul3A_3, %dma_wait3A_291] : memref<10112x128xf32, #tpu.memory_space<vmem_shared>> -> memref<632x128xf32, #tpu.memory_space<vmem_shared>>
      tpu.wait_dma2 semaphore(%run_scoped3A : memref<!tpu.dma_semaphore, #tpu.memory_space<semaphore_mem>>) src(%arg4 : memref<632x128xf32, #tpu.memory_space<hbm>>) dst(%dma_wait3A_292 : memref<632x128xf32, #tpu.memory_space<vmem_shared>>)
      tpu.yield
    }) : () -> ()
    %mul3A_4 = arith.constant 10000 : i32
    %mul3A_5 = arith.muli %add3A_1, %mul3A_4 : i32
    %barrier3A = arith.constant 0 : index
    tpu.barrier barrier_id(%barrier3A)
    %dma_start3A = arith.constant 0 : i32
    %dma_start3A_6 = arith.constant 0 : i32
    %dma_start3A_7 = arith.constant 0 : i32
    %dma_start3A_8 = arith.constant 0 : i32
    %dma_start3A_9 = tpu.memref_slice %arg6[%dma_start3A_6, %dma_start3A_7, %dma_start3A_8] : memref<3x2x112xi32, #tpu.memory_space<vmem>> -> memref<1x2x112xi32, #tpu.memory_space<vmem>>
    %dma_start3A_10 = tpu.memref_squeeze %dma_start3A_9 : memref<1x2x112xi32, #tpu.memory_space<vmem>> -> memref<2x112xi32, #tpu.memory_space<vmem>>
    %dma_start3A_11 = arith.constant 0 : i32
    %dma_start3A_12 = arith.constant 0 : i32
    %dma_start3A_13 = tpu.memref_slice %arg3[%arg1, %dma_start3A, %dma_start3A_11, %dma_start3A_12] : memref<16x90x2x112xi32, #tpu.memory_space<hbm>> -> memref<1x1x2x112xi32, #tpu.memory_space<hbm>>
    %dma_start3A_14 = tpu.memref_squeeze %dma_start3A_13 : memref<1x1x2x112xi32, #tpu.memory_space<hbm>> -> memref<2x112xi32, #tpu.memory_space<hbm>>
    %dma_start3A_15 = arith.constant 0 : i32
    %dma_start3A_16 = arith.constant 0 : i32
    %dma_start3A_17 = tpu.memref_slice %arg6[%dma_start3A_6, %dma_start3A_15, %dma_start3A_16] : memref<3x2x112xi32, #tpu.memory_space<vmem>> -> memref<1x2x112xi32, #tpu.memory_space<vmem>>
    %dma_start3A_18 = tpu.memref_squeeze %dma_start3A_17 : memref<1x2x112xi32, #tpu.memory_space<vmem>> -> memref<2x112xi32, #tpu.memory_space<vmem>>
    %dma_start3A_19 = arith.constant 0 : i32
    %dma_start3A_20 = arith.constant 0 : i32
    %dma_start3A_21 = tpu.memref_slice %arg3[%arg1, %dma_start3A, %dma_start3A_19, %dma_start3A_20] : memref<16x90x2x112xi32, #tpu.memory_space<hbm>> -> memref<1x1x2x112xi32, #tpu.memory_space<hbm>>
    %dma_start3A_22 = tpu.memref_squeeze %dma_start3A_21 : memref<1x1x2x112xi32, #tpu.memory_space<hbm>> -> memref<2x112xi32, #tpu.memory_space<hbm>>
    tpu.enqueue_dma source(%dma_start3A_22 : memref<2x112xi32, #tpu.memory_space<hbm>>) target(%dma_start3A_18 : memref<2x112xi32, #tpu.memory_space<vmem>>) target_semaphore(%arg13 : memref<!tpu.dma_semaphore, #tpu.memory_space<semaphore_mem>>)
    %dma_start3A_23 = arith.constant 1 : i32
    %dma_start3A_24 = arith.constant 1 : i32
    %dma_start3A_25 = arith.constant 0 : i32
    %dma_start3A_26 = arith.constant 0 : i32
    %dma_start3A_27 = tpu.memref_slice %arg6[%dma_start3A_24, %dma_start3A_25, %dma_start3A_26] : memref<3x2x112xi32, #tpu.memory_space<vmem>> -> memref<1x2x112xi32, #tpu.memory_space<vmem>>
    %dma_start3A_28 = tpu.memref_squeeze %dma_start3A_27 : memref<1x2x112xi32, #tpu.memory_space<vmem>> -> memref<2x112xi32, #tpu.memory_space<vmem>>
    %dma_start3A_29 = arith.constant 0 : i32
    %dma_start3A_30 = arith.constant 0 : i32
    %dma_start3A_31 = tpu.memref_slice %arg3[%arg1, %dma_start3A_23, %dma_start3A_29, %dma_start3A_30] : memref<16x90x2x112xi32, #tpu.memory_space<hbm>> -> memref<1x1x2x112xi32, #tpu.memory_space<hbm>>
    %dma_start3A_32 = tpu.memref_squeeze %dma_start3A_31 : memref<1x1x2x112xi32, #tpu.memory_space<hbm>> -> memref<2x112xi32, #tpu.memory_space<hbm>>
    %dma_start3A_33 = arith.constant 0 : i32
    %dma_start3A_34 = arith.constant 0 : i32
    %dma_start3A_35 = tpu.memref_slice %arg6[%dma_start3A_24, %dma_start3A_33, %dma_start3A_34] : memref<3x2x112xi32, #tpu.memory_space<vmem>> -> memref<1x2x112xi32, #tpu.memory_space<vmem>>
    %dma_start3A_36 = tpu.memref_squeeze %dma_start3A_35 : memref<1x2x112xi32, #tpu.memory_space<vmem>> -> memref<2x112xi32, #tpu.memory_space<vmem>>
    %dma_start3A_37 = arith.constant 0 : i32
    %dma_start3A_38 = arith.constant 0 : i32
    %dma_start3A_39 = tpu.memref_slice %arg3[%arg1, %dma_start3A_23, %dma_start3A_37, %dma_start3A_38] : memref<16x90x2x112xi32, #tpu.memory_space<hbm>> -> memref<1x1x2x112xi32, #tpu.memory_space<hbm>>
    %dma_start3A_40 = tpu.memref_squeeze %dma_start3A_39 : memref<1x1x2x112xi32, #tpu.memory_space<hbm>> -> memref<2x112xi32, #tpu.memory_space<hbm>>
    tpu.enqueue_dma source(%dma_start3A_40 : memref<2x112xi32, #tpu.memory_space<hbm>>) target(%dma_start3A_36 : memref<2x112xi32, #tpu.memory_space<vmem>>) target_semaphore(%arg14 : memref<!tpu.dma_semaphore, #tpu.memory_space<semaphore_mem>>)
    %dma_wait3A = arith.constant 0 : i32
    %dma_wait3A_41 = arith.constant 0 : i32
    %dma_wait3A_42 = arith.constant 0 : i32
    %dma_wait3A_43 = arith.constant 0 : i32
    %dma_wait3A_44 = tpu.memref_slice %arg6[%dma_wait3A_41, %dma_wait3A_42, %dma_wait3A_43] : memref<3x2x112xi32, #tpu.memory_space<vmem>> -> memref<1x2x112xi32, #tpu.memory_space<vmem>>
    %dma_wait3A_45 = tpu.memref_squeeze %dma_wait3A_44 : memref<1x2x112xi32, #tpu.memory_space<vmem>> -> memref<2x112xi32, #tpu.memory_space<vmem>>
    %dma_wait3A_46 = arith.constant 0 : i32
    %dma_wait3A_47 = arith.constant 0 : i32
    %dma_wait3A_48 = tpu.memref_slice %arg3[%arg1, %dma_wait3A, %dma_wait3A_46, %dma_wait3A_47] : memref<16x90x2x112xi32, #tpu.memory_space<hbm>> -> memref<1x1x2x112xi32, #tpu.memory_space<hbm>>
    %dma_wait3A_49 = tpu.memref_squeeze %dma_wait3A_48 : memref<1x1x2x112xi32, #tpu.memory_space<hbm>> -> memref<2x112xi32, #tpu.memory_space<hbm>>
    %dma_wait3A_50 = arith.constant 0 : i32
    %dma_wait3A_51 = arith.constant 0 : i32
    %dma_wait3A_52 = tpu.memref_slice %arg6[%dma_wait3A_41, %dma_wait3A_50, %dma_wait3A_51] : memref<3x2x112xi32, #tpu.memory_space<vmem>> -> memref<1x2x112xi32, #tpu.memory_space<vmem>>
    %dma_wait3A_53 = tpu.memref_squeeze %dma_wait3A_52 : memref<1x2x112xi32, #tpu.memory_space<vmem>> -> memref<2x112xi32, #tpu.memory_space<vmem>>
    %dma_wait3A_54 = arith.constant 0 : i32
    %dma_wait3A_55 = arith.constant 0 : i32
    %dma_wait3A_56 = tpu.memref_slice %arg3[%arg1, %dma_wait3A, %dma_wait3A_54, %dma_wait3A_55] : memref<16x90x2x112xi32, #tpu.memory_space<hbm>> -> memref<1x1x2x112xi32, #tpu.memory_space<hbm>>
    %dma_wait3A_57 = tpu.memref_squeeze %dma_wait3A_56 : memref<1x1x2x112xi32, #tpu.memory_space<hbm>> -> memref<2x112xi32, #tpu.memory_space<hbm>>
    tpu.wait_dma2 semaphore(%arg13 : memref<!tpu.dma_semaphore, #tpu.memory_space<semaphore_mem>>) src(%dma_wait3A_57 : memref<2x112xi32, #tpu.memory_space<hbm>>) dst(%dma_wait3A_53 : memref<2x112xi32, #tpu.memory_space<vmem>>)
    %get3A = arith.constant 0 : i32
    %get3A_58 = arith.constant 0 : i32
    %get3A_59 = arith.index_cast %get3A : i32 to index
    %get3A_60 = arith.index_cast %get3A_58 : i32 to index
    %get3A_61 = arith.constant 0 : index
    %get3A_62 = tpu.vector_load %arg6[%get3A_59, %get3A_60, %get3A_61] {strides = array<i32>} : memref<3x2x112xi32, #tpu.memory_space<vmem>>, vector<1x1x16xi32>,
    %get3A_63 = vector.shape_cast %get3A_62 : vector<1x1x16xi32> to vector<16xi32>
    %add3A_64 = vector.broadcast %mul3A_5 : i32 to vector<16xi32>
    %add3A_65 = arith.addi %get3A_63, %add3A_64 : vector<16xi32>
    %swap3A = arith.constant 0 : i32
    %swap3A_66 = arith.index_cast %swap3A : i32 to index
    %swap3A_67 = arith.constant 0 : index
    %swap3A_68 = tpu.vector_load %arg7[%swap3A_66, %swap3A_67] {strides = array<i32>} : memref<3x112xi32, #tpu.memory_space<vmem>>, vector<1x16xi32>,
    %swap3A_69 = vector.shape_cast %swap3A_68 : vector<1x16xi32> to vector<16xi32>
    %swap3A_70 = vector.shape_cast %add3A_65 : vector<16xi32> to vector<1x16xi32>
    tpu.vector_store %arg7[%swap3A_66, %swap3A_67], %swap3A_70 {strides = array<i32>} : memref<3x112xi32, #tpu.memory_space<vmem>>, vector<1x16xi32>,
    %get3A_71 = arith.constant 0 : i32
    %get3A_72 = arith.constant 1 : i32
    %get3A_73 = arith.index_cast %get3A_71 : i32 to index
    %get3A_74 = arith.index_cast %get3A_72 : i32 to index
    %get3A_75 = arith.constant 0 : index
    %get3A_76 = tpu.vector_load %arg6[%get3A_73, %get3A_74, %get3A_75] {strides = array<i32>} : memref<3x2x112xi32, #tpu.memory_space<vmem>>, vector<1x1x16xi32>,
    %get3A_77 = vector.shape_cast %get3A_76 : vector<1x1x16xi32> to vector<16xi32>
    %swap3A_78 = arith.constant 0 : i32
    %swap3A_79 = arith.index_cast %swap3A_78 : i32 to index
    %swap3A_80 = arith.constant 0 : index
    %swap3A_81 = tpu.vector_load %arg8[%swap3A_79, %swap3A_80] {strides = array<i32>} : memref<3x112xi32, #tpu.memory_space<vmem>>, vector<1x16xi32>,
    %swap3A_82 = vector.shape_cast %swap3A_81 : vector<1x16xi32> to vector<16xi32>
    %swap3A_83 = vector.shape_cast %get3A_77 : vector<16xi32> to vector<1x16xi32>
    tpu.vector_store %arg8[%swap3A_79, %swap3A_80], %swap3A_83 {strides = array<i32>} : memref<3x112xi32, #tpu.memory_space<vmem>>, vector<1x16xi32>,
    %get3A_84 = arith.constant 0 : i32
    %get3A_85 = arith.constant 0 : i32
    %get3A_86 = arith.index_cast %get3A_84 : i32 to index
    %get3A_87 = arith.index_cast %get3A_85 : i32 to index
    %get3A_88 = arith.constant 16 : index
    %get3A_89 = tpu.vector_load %arg6[%get3A_86, %get3A_87, %get3A_88] {strides = array<i32>} : memref<3x2x112xi32, #tpu.memory_space<vmem>>, vector<1x1x16xi32>,
    %get3A_90 = vector.shape_cast %get3A_89 : vector<1x1x16xi32> to vector<16xi32>
    %add3A_91 = vector.broadcast %mul3A_5 : i32 to vector<16xi32>
    %add3A_92 = arith.addi %get3A_90, %add3A_91 : vector<16xi32>
    %swap3A_93 = arith.constant 0 : i32
    %swap3A_94 = arith.index_cast %swap3A_93 : i32 to index
    %swap3A_95 = arith.constant 16 : index
    %swap3A_96 = tpu.vector_load %arg7[%swap3A_94, %swap3A_95] {strides = array<i32>} : memref<3x112xi32, #tpu.memory_space<vmem>>, vector<1x16xi32>,
    %swap3A_97 = vector.shape_cast %swap3A_96 : vector<1x16xi32> to vector<16xi32>
    %swap3A_98 = vector.shape_cast %add3A_92 : vector<16xi32> to vector<1x16xi32>
    tpu.vector_store %arg7[%swap3A_94, %swap3A_95], %swap3A_98 {strides = array<i32>} : memref<3x112xi32, #tpu.memory_space<vmem>>, vector<1x16xi32>,
    %get3A_99 = arith.constant 0 : i32
    %get3A_100 = arith.constant 1 : i32
    %get3A_101 = arith.index_cast %get3A_99 : i32 to index
    %get3A_102 = arith.index_cast %get3A_100 : i32 to index
    %get3A_103 = arith.constant 16 : index
    %get3A_104 = tpu.vector_load %arg6[%get3A_101, %get3A_102, %get3A_103] {strides = array<i32>} : memref<3x2x112xi32, #tpu.memory_space<vmem>>, vector<1x1x16xi32>,
    %get3A_105 = vector.shape_cast %get3A_104 : vector<1x1x16xi32> to vector<16xi32>
    %swap3A_106 = arith.constant 0 : i32
    %swap3A_107 = arith.index_cast %swap3A_106 : i32 to index
    %swap3A_108 = arith.constant 16 : index
    %swap3A_109 = tpu.vector_load %arg8[%swap3A_107, %swap3A_108] {strides = array<i32>} : memref<3x112xi32, #tpu.memory_space<vmem>>, vector<1x16xi32>,
    %swap3A_110 = vector.shape_cast %swap3A_109 : vector<1x16xi32> to vector<16xi32>
    %swap3A_111 = vector.shape_cast %get3A_105 : vector<16xi32> to vector<1x16xi32>
    tpu.vector_store %arg8[%swap3A_107, %swap3A_108], %swap3A_111 {strides = array<i32>} : memref<3x112xi32, #tpu.memory_space<vmem>>, vector<1x16xi32>,
    %get3A_112 = arith.constant 0 : i32
    %get3A_113 = arith.constant 0 : i32
    %get3A_114 = arith.index_cast %get3A_112 : i32 to index
    %get3A_115 = arith.index_cast %get3A_113 : i32 to index
    %get3A_116 = arith.constant 32 : index
    %get3A_117 = tpu.vector_load %arg6[%get3A_114, %get3A_115, %get3A_116] {strides = array<i32>} : memref<3x2x112xi32, #tpu.memory_space<vmem>>, vector<1x1x16xi32>,
    %get3A_118 = vector.shape_cast %get3A_117 : vector<1x1x16xi32> to vector<16xi32>
    %add3A_119 = vector.broadcast %mul3A_5 : i32 to vector<16xi32>
    %add3A_120 = arith.addi %get3A_118, %add3A_119 : vector<16xi32>
    %swap3A_121 = arith.constant 0 : i32
    %swap3A_122 = arith.index_cast %swap3A_121 : i32 to index
    %swap3A_123 = arith.constant 32 : index
    %swap3A_124 = tpu.vector_load %arg7[%swap3A_122, %swap3A_123] {strides = array<i32>} : memref<3x112xi32, #tpu.memory_space<vmem>>, vector<1x16xi32>,
    %swap3A_125 = vector.shape_cast %swap3A_124 : vector<1x16xi32> to vector<16xi32>
    %swap3A_126 = vector.shape_cast %add3A_120 : vector<16xi32> to vector<1x16xi32>
    tpu.vector_store %arg7[%swap3A_122, %swap3A_123], %swap3A_126 {strides = array<i32>} : memref<3x112xi32, #tpu.memory_space<vmem>>, vector<1x16xi32>,
    %get3A_127 = arith.constant 0 : i32
    %get3A_128 = arith.constant 1 : i32
    %get3A_129 = arith.index_cast %get3A_127 : i32 to index
    %get3A_130 = arith.index_cast %get3A_128 : i32 to index
    %get3A_131 = arith.constant 32 : index
    %get3A_132 = tpu.vector_load %arg6[%get3A_129, %get3A_130, %get3A_131] {strides = array<i32>} : memref<3x2x112xi32, #tpu.memory_space<vmem>>, vector<1x1x16xi32>,
    %get3A_133 = vector.shape_cast %get3A_132 : vector<1x1x16xi32> to vector<16xi32>
    %swap3A_134 = arith.constant 0 : i32
    %swap3A_135 = arith.index_cast %swap3A_134 : i32 to index
    %swap3A_136 = arith.constant 32 : index
    %swap3A_137 = tpu.vector_load %arg8[%swap3A_135, %swap3A_136] {strides = array<i32>} : memref<3x112xi32, #tpu.memory_space<vmem>>, vector<1x16xi32>,
    %swap3A_138 = vector.shape_cast %swap3A_137 : vector<1x16xi32> to vector<16xi32>
    %swap3A_139 = vector.shape_cast %get3A_133 : vector<16xi32> to vector<1x16xi32>
    tpu.vector_store %arg8[%swap3A_135, %swap3A_136], %swap3A_139 {strides = array<i32>} : memref<3x112xi32, #tpu.memory_space<vmem>>, vector<1x16xi32>,
    %get3A_140 = arith.constant 0 : i32
    %get3A_141 = arith.constant 0 : i32
    %get3A_142 = arith.index_cast %get3A_140 : i32 to index
    %get3A_143 = arith.index_cast %get3A_141 : i32 to index
    %get3A_144 = arith.constant 48 : index
    %get3A_145 = tpu.vector_load %arg6[%get3A_142, %get3A_143, %get3A_144] {strides = array<i32>} : memref<3x2x112xi32, #tpu.memory_space<vmem>>, vector<1x1x16xi32>,
    %get3A_146 = vector.shape_cast %get3A_145 : vector<1x1x16xi32> to vector<16xi32>
    %add3A_147 = vector.broadcast %mul3A_5 : i32 to vector<16xi32>
    %add3A_148 = arith.addi %get3A_146, %add3A_147 : vector<16xi32>
    %swap3A_149 = arith.constant 0 : i32
    %swap3A_150 = arith.index_cast %swap3A_149 : i32 to index
    %swap3A_151 = arith.constant 48 : index
    %swap3A_152 = tpu.vector_load %arg7[%swap3A_150, %swap3A_151] {strides = array<i32>} : memref<3x112xi32, #tpu.memory_space<vmem>>, vector<1x16xi32>,
    %swap3A_153 = vector.shape_cast %swap3A_152 : vector<1x16xi32> to vector<16xi32>
    %swap3A_154 = vector.shape_cast %add3A_148 : vector<16xi32> to vector<1x16xi32>
    tpu.vector_store %arg7[%swap3A_150, %swap3A_151], %swap3A_154 {strides = array<i32>} : memref<3x112xi32, #tpu.memory_space<vmem>>, vector<1x16xi32>,
    %get3A_155 = arith.constant 0 : i32
    %get3A_156 = arith.constant 1 : i32
    %get3A_157 = arith.index_cast %get3A_155 : i32 to index
    %get3A_158 = arith.index_cast %get3A_156 : i32 to index
    %get3A_159 = arith.constant 48 : index
    %get3A_160 = tpu.vector_load %arg6[%get3A_157, %get3A_158, %get3A_159] {strides = array<i32>} : memref<3x2x112xi32, #tpu.memory_space<vmem>>, vector<1x1x16xi32>,
    %get3A_161 = vector.shape_cast %get3A_160 : vector<1x1x16xi32> to vector<16xi32>
    %swap3A_162 = arith.constant 0 : i32
    %swap3A_163 = arith.index_cast %swap3A_162 : i32 to index
    %swap3A_164 = arith.constant 48 : index
    %swap3A_165 = tpu.vector_load %arg8[%swap3A_163, %swap3A_164] {strides = array<i32>} : memref<3x112xi32, #tpu.memory_space<vmem>>, vector<1x16xi32>,
    %swap3A_166 = vector.shape_cast %swap3A_165 : vector<1x16xi32> to vector<16xi32>
    %swap3A_167 = vector.shape_cast %get3A_161 : vector<16xi32> to vector<1x16xi32>
    tpu.vector_store %arg8[%swap3A_163, %swap3A_164], %swap3A_167 {strides = array<i32>} : memref<3x112xi32, #tpu.memory_space<vmem>>, vector<1x16xi32>,
    %get3A_168 = arith.constant 0 : i32
    %get3A_169 = arith.constant 0 : i32
    %get3A_170 = arith.index_cast %get3A_168 : i32 to index
    %get3A_171 = arith.index_cast %get3A_169 : i32 to index
    %get3A_172 = arith.constant 64 : index
    %get3A_173 = tpu.vector_load %arg6[%get3A_170, %get3A_171, %get3A_172] {strides = array<i32>} : memref<3x2x112xi32, #tpu.memory_space<vmem>>, vector<1x1x16xi32>,
    %get3A_174 = vector.shape_cast %get3A_173 : vector<1x1x16xi32> to vector<16xi32>
    %add3A_175 = vector.broadcast %mul3A_5 : i32 to vector<16xi32>
    %add3A_176 = arith.addi %get3A_174, %add3A_175 : vector<16xi32>
    %swap3A_177 = arith.constant 0 : i32
    %swap3A_178 = arith.index_cast %swap3A_177 : i32 to index
    %swap3A_179 = arith.constant 64 : index
    %swap3A_180 = tpu.vector_load %arg7[%swap3A_178, %swap3A_179] {strides = array<i32>} : memref<3x112xi32, #tpu.memory_space<vmem>>, vector<1x16xi32>,
    %swap3A_181 = vector.shape_cast %swap3A_180 : vector<1x16xi32> to vector<16xi32>
    %swap3A_182 = vector.shape_cast %add3A_176 : vector<16xi32> to vector<1x16xi32>
    tpu.vector_store %arg7[%swap3A_178, %swap3A_179], %swap3A_182 {strides = array<i32>} : memref<3x112xi32, #tpu.memory_space<vmem>>, vector<1x16xi32>,
    %get3A_183 = arith.constant 0 : i32
    %get3A_184 = arith.constant 1 : i32
    %get3A_185 = arith.index_cast %get3A_183 : i32 to index
    %get3A_186 = arith.index_cast %get3A_184 : i32 to index
    %get3A_187 = arith.constant 64 : index
    %get3A_188 = tpu.vector_load %arg6[%get3A_185, %get3A_186, %get3A_187] {strides = array<i32>} : memref<3x2x112xi32, #tpu.memory_space<vmem>>, vector<1x1x16xi32>,
    %get3A_189 = vector.shape_cast %get3A_188 : vector<1x1x16xi32> to vector<16xi32>
    %swap3A_190 = arith.constant 0 : i32
    %swap3A_191 = arith.index_cast %swap3A_190 : i32 to index
    %swap3A_192 = arith.constant 64 : index
    %swap3A_193 = tpu.vector_load %arg8[%swap3A_191, %swap3A_192] {strides = array<i32>} : memref<3x112xi32, #tpu.memory_space<vmem>>, vector<1x16xi32>,
    %swap3A_194 = vector.shape_cast %swap3A_193 : vector<1x16xi32> to vector<16xi32>
    %swap3A_195 = vector.shape_cast %get3A_189 : vector<16xi32> to vector<1x16xi32>
    tpu.vector_store %arg8[%swap3A_191, %swap3A_192], %swap3A_195 {strides = array<i32>} : memref<3x112xi32, #tpu.memory_space<vmem>>, vector<1x16xi32>,
    %get3A_196 = arith.constant 0 : i32
    %get3A_197 = arith.constant 0 : i32
    %get3A_198 = arith.index_cast %get3A_196 : i32 to index
    %get3A_199 = arith.index_cast %get3A_197 : i32 to index
    %get3A_200 = arith.constant 80 : index
    %get3A_201 = tpu.vector_load %arg6[%get3A_198, %get3A_199, %get3A_200] {strides = array<i32>} : memref<3x2x112xi32, #tpu.memory_space<vmem>>, vector<1x1x16xi32>,
    %get3A_202 = vector.shape_cast %get3A_201 : vector<1x1x16xi32> to vector<16xi32>
    %add3A_203 = vector.broadcast %mul3A_5 : i32 to vector<16xi32>
    %add3A_204 = arith.addi %get3A_202, %add3A_203 : vector<16xi32>
    %swap3A_205 = arith.constant 0 : i32
    %swap3A_206 = arith.index_cast %swap3A_205 : i32 to index
    %swap3A_207 = arith.constant 80 : index
    %swap3A_208 = tpu.vector_load %arg7[%swap3A_206, %swap3A_207] {strides = array<i32>} : memref<3x112xi32, #tpu.memory_space<vmem>>, vector<1x16xi32>,
    %swap3A_209 = vector.shape_cast %swap3A_208 : vector<1x16xi32> to vector<16xi32>
    %swap3A_210 = vector.shape_cast %add3A_204 : vector<16xi32> to vector<1x16xi32>
    tpu.vector_store %arg7[%swap3A_206, %swap3A_207], %swap3A_210 {strides = array<i32>} : memref<3x112xi32, #tpu.memory_space<vmem>>, vector<1x16xi32>,
    %get3A_211 = arith.constant 0 : i32
    %get3A_212 = arith.constant 1 : i32
    %get3A_213 = arith.index_cast %get3A_211 : i32 to index
    %get3A_214 = arith.index_cast %get3A_212 : i32 to index
    %get3A_215 = arith.constant 80 : index
    %get3A_216 = tpu.vector_load %arg6[%get3A_213, %get3A_214, %get3A_215] {strides = array<i32>} : memref<3x2x112xi32, #tpu.memory_space<vmem>>, vector<1x1x16xi32>,
    %get3A_217 = vector.shape_cast %get3A_216 : vector<1x1x16xi32> to vector<16xi32>
    %swap3A_218 = arith.constant 0 : i32
    %swap3A_219 = arith.index_cast %swap3A_218 : i32 to index
    %swap3A_220 = arith.constant 80 : index
    %swap3A_221 = tpu.vector_load %arg8[%swap3A_219, %swap3A_220] {strides = array<i32>} : memref<3x112xi32, #tpu.memory_space<vmem>>, vector<1x16xi32>,
    %swap3A_222 = vector.shape_cast %swap3A_221 : vector<1x16xi32> to vector<16xi32>
    %swap3A_223 = vector.shape_cast %get3A_217 : vector<16xi32> to vector<1x16xi32>
    tpu.vector_store %arg8[%swap3A_219, %swap3A_220], %swap3A_223 {strides = array<i32>} : memref<3x112xi32, #tpu.memory_space<vmem>>, vector<1x16xi32>,
    %get3A_224 = arith.constant 0 : i32
    %get3A_225 = arith.constant 0 : i32
    %get3A_226 = arith.index_cast %get3A_224 : i32 to index
    %get3A_227 = arith.index_cast %get3A_225 : i32 to index
    %get3A_228 = arith.constant 96 : index
    %get3A_229 = tpu.vector_load %arg6[%get3A_226, %get3A_227, %get3A_228] {strides = array<i32>} : memref<3x2x112xi32, #tpu.memory_space<vmem>>, vector<1x1x16xi32>,
    %get3A_230 = vector.shape_cast %get3A_229 : vector<1x1x16xi32> to vector<16xi32>
    %add3A_231 = vector.broadcast %mul3A_5 : i32 to vector<16xi32>
    %add3A_232 = arith.addi %get3A_230, %add3A_231 : vector<16xi32>
    %swap3A_233 = arith.constant 0 : i32
    %swap3A_234 = arith.index_cast %swap3A_233 : i32 to index
    %swap3A_235 = arith.constant 96 : index
    %swap3A_236 = tpu.vector_load %arg7[%swap3A_234, %swap3A_235] {strides = array<i32>} : memref<3x112xi32, #tpu.memory_space<vmem>>, vector<1x16xi32>,
    %swap3A_237 = vector.shape_cast %swap3A_236 : vector<1x16xi32> to vector<16xi32>
    %swap3A_238 = vector.shape_cast %add3A_232 : vector<16xi32> to vector<1x16xi32>
    tpu.vector_store %arg7[%swap3A_234, %swap3A_235], %swap3A_238 {strides = array<i32>} : memref<3x112xi32, #tpu.memory_space<vmem>>, vector<1x16xi32>,
    %get3A_239 = arith.constant 0 : i32
    %get3A_240 = arith.constant 1 : i32
    %get3A_241 = arith.index_cast %get3A_239 : i32 to index
    %get3A_242 = arith.index_cast %get3A_240 : i32 to index
    %get3A_243 = arith.constant 96 : index
    %get3A_244 = tpu.vector_load %arg6[%get3A_241, %get3A_242, %get3A_243] {strides = array<i32>} : memref<3x2x112xi32, #tpu.memory_space<vmem>>, vector<1x1x16xi32>,
    %get3A_245 = vector.shape_cast %get3A_244 : vector<1x1x16xi32> to vector<16xi32>
    %swap3A_246 = arith.constant 0 : i32
    %swap3A_247 = arith.index_cast %swap3A_246 : i32 to index
    %swap3A_248 = arith.constant 96 : index
    %swap3A_249 = tpu.vector_load %arg8[%swap3A_247, %swap3A_248] {strides = array<i32>} : memref<3x112xi32, #tpu.memory_space<vmem>>, vector<1x16xi32>,
    %swap3A_250 = vector.shape_cast %swap3A_249 : vector<1x16xi32> to vector<16xi32>
    %swap3A_251 = vector.shape_cast %get3A_245 : vector<16xi32> to vector<1x16xi32>
    tpu.vector_store %arg8[%swap3A_247, %swap3A_248], %swap3A_251 {strides = array<i32>} : memref<3x112xi32, #tpu.memory_space<vmem>>, vector<1x16xi32>,
    %dma_start3A_252 = arith.constant 0 : i32
    %dma_start3A_253 = arith.constant 0 : i32
    %dma_start3A_254 = tpu.memref_slice %arg7[%dma_start3A_252, %dma_start3A_253] : memref<3x112xi32, #tpu.memory_space<vmem>> -> memref<1x112xi32, #tpu.memory_space<vmem>>
    %dma_start3A_255 = tpu.memref_squeeze %dma_start3A_254 : memref<1x112xi32, #tpu.memory_space<vmem>> -> memref<112xi32, #tpu.memory_space<vmem>>
    %dma_start3A_256 = arith.constant 0 : i32
    %dma_start3A_257 = arith.constant 0 : i32
    %dma_start3A_258 = tpu.memref_slice %arg2[%dma_start3A_256, %dma_start3A_257] : memref<20000x128xf32, #tpu.memory_space<hbm>> -> memref<20000x128xf32, #tpu.memory_space<hbm>>
    tpu.enqueue_indirect_dma source(%dma_start3A_258 : memref<20000x128xf32, #tpu.memory_space<hbm>>) target(%arg9 : memref<112x128xf32, #tpu.memory_space<vmem>>) offsets(%dma_start3A_255 : memref<112xi32, #tpu.memory_space<vmem>>) semaphore(%arg16 : memref<!tpu.dma_semaphore, #tpu.memory_space<semaphore_mem>>)
    %scan3A = arith.constant 0 : i32
    %scan3A_259 = arith.constant 30 : i32
    %scan3A_260 = arith.addi %scan3A, %scan3A_259 : i32
    %scan3A_261 = arith.constant 1 : i32
    scf.for %scan3A_289 = %scan3A to %scan3A_260 step %scan3A_261  : i32 {
      %mul3A_290 = arith.constant 3 : i32
      %mul3A_291 = arith.muli %scan3A_289, %mul3A_290 : i32
      %add3A_292 = arith.constant 0 : i32
      %add3A_293 = arith.addi %add3A_292, %mul3A_291 : i32
      %add3A_294 = arith.constant 0 : i32
      %add3A_295 = arith.addi %add3A_293, %add3A_294 : i32
      %add3A_296 = arith.constant 1 : i32
      %add3A_297 = arith.addi %add3A_295, %add3A_296 : i32
      %lt3A = arith.constant 90 : i32
      %lt3A_298 = arith.cmpi slt, %add3A_297, %lt3A : i32
      %convert_element_type3A = arith.extui %lt3A_298 : i1 to i32
      %cond3A = arith.constant 0 : i32
      %cond3A_299 = arith.cmpi ne, %convert_element_type3A, %cond3A : i32
      scf.if %cond3A_299 {
        %add3A_386 = arith.constant 1 : i32
        %add3A_387 = arith.addi %add3A_295, %add3A_386 : i32
        %dma_wait3A_388 = arith.constant 1 : i32
        %dma_wait3A_389 = arith.constant 0 : i32
        %dma_wait3A_390 = arith.constant 0 : i32
        %dma_wait3A_391 = tpu.memref_slice %arg6[%dma_wait3A_388, %dma_wait3A_389, %dma_wait3A_390] : memref<3x2x112xi32, #tpu.memory_space<vmem>> -> memref<1x2x112xi32, #tpu.memory_space<vmem>>
        %dma_wait3A_392 = tpu.memref_squeeze %dma_wait3A_391 : memref<1x2x112xi32, #tpu.memory_space<vmem>> -> memref<2x112xi32, #tpu.memory_space<vmem>>
        %dma_wait3A_393 = arith.constant 0 : i32
        %dma_wait3A_394 = arith.constant 0 : i32
        %dma_wait3A_395 = tpu.memref_slice %arg3[%arg1, %add3A_387, %dma_wait3A_393, %dma_wait3A_394] : memref<16x90x2x112xi32, #tpu.memory_space<hbm>> -> memref<1x1x2x112xi32, #tpu.memory_space<hbm>>
        %dma_wait3A_396 = tpu.memref_squeeze %dma_wait3A_395 : memref<1x1x2x112xi32, #tpu.memory_space<hbm>> -> memref<2x112xi32, #tpu.memory_space<hbm>>
        %dma_wait3A_397 = arith.constant 0 : i32
        %dma_wait3A_398 = arith.constant 0 : i32
        %dma_wait3A_399 = tpu.memref_slice %arg6[%dma_wait3A_388, %dma_wait3A_397, %dma_wait3A_398] : memref<3x2x112xi32, #tpu.memory_space<vmem>> -> memref<1x2x112xi32, #tpu.memory_space<vmem>>
        %dma_wait3A_400 = tpu.memref_squeeze %dma_wait3A_399 : memref<1x2x112xi32, #tpu.memory_space<vmem>> -> memref<2x112xi32, #tpu.memory_space<vmem>>
        %dma_wait3A_401 = arith.constant 0 : i32
        %dma_wait3A_402 = arith.constant 0 : i32
        %dma_wait3A_403 = tpu.memref_slice %arg3[%arg1, %add3A_387, %dma_wait3A_401, %dma_wait3A_402] : memref<16x90x2x112xi32, #tpu.memory_space<hbm>> -> memref<1x1x2x112xi32, #tpu.memory_space<hbm>>
        %dma_wait3A_404 = tpu.memref_squeeze %dma_wait3A_403 : memref<1x1x2x112xi32, #tpu.memory_space<hbm>> -> memref<2x112xi32, #tpu.memory_space<hbm>>
        tpu.wait_dma2 semaphore(%arg14 : memref<!tpu.dma_semaphore, #tpu.memory_space<semaphore_mem>>) src(%dma_wait3A_404 : memref<2x112xi32, #tpu.memory_space<hbm>>) dst(%dma_wait3A_400 : memref<2x112xi32, #tpu.memory_space<vmem>>)
        %ge3A = arith.constant 2 : i32
        %ge3A_405 = arith.cmpi sge, %add3A_295, %ge3A : i32
        %convert_element_type3A_406 = arith.extui %ge3A_405 : i1 to i32
        %cond3A_407 = arith.constant 0 : i32
        %cond3A_408 = arith.cmpi ne, %convert_element_type3A_406, %cond3A_407 : i32
        scf.if %cond3A_408 {
          %dma_wait3A_612 = arith.constant 1 : i32
          %dma_wait3A_613 = arith.constant 0 : i32
          %dma_wait3A_614 = tpu.memref_slice %arg8[%dma_wait3A_612, %dma_wait3A_613] : memref<3x112xi32, #tpu.memory_space<vmem>> -> memref<1x112xi32, #tpu.memory_space<vmem>>
          %dma_wait3A_615 = tpu.memref_squeeze %dma_wait3A_614 : memref<1x112xi32, #tpu.memory_space<vmem>> -> memref<112xi32, #tpu.memory_space<vmem>>
          %dma_wait3A_616 = arith.constant 0 : i32
          %dma_wait3A_617 = arith.constant 0 : i32
          %dma_wait3A_618 = tpu.memref_slice %arg12[%dma_wait3A_616, %dma_wait3A_617] : memref<10112x128xf32, #tpu.memory_space<vmem_shared>> -> memref<10112x128xf32, #tpu.memory_space<vmem_shared>>
          tpu.wait_indirect_dma semaphore(%arg20 : memref<!tpu.dma_semaphore, #tpu.memory_space<semaphore_mem>>) src(%arg10 : memref<112x128xf32, #tpu.memory_space<vmem>>) dst(%dma_wait3A_618 : memref<10112x128xf32, #tpu.memory_space<vmem_shared>>)
        } else {
        }
        %get3A_409 = arith.constant 1 : i32
        %get3A_410 = arith.constant 0 : i32
        %get3A_411 = arith.index_cast %get3A_409 : i32 to index
        %get3A_412 = arith.index_cast %get3A_410 : i32 to index
        %get3A_413 = arith.constant 0 : index
        %get3A_414 = tpu.vector_load %arg6[%get3A_411, %get3A_412, %get3A_413] {strides = array<i32>} : memref<3x2x112xi32, #tpu.memory_space<vmem>>, vector<1x1x16xi32>,
        %get3A_415 = vector.shape_cast %get3A_414 : vector<1x1x16xi32> to vector<16xi32>
        %add3A_416 = vector.broadcast %mul3A_5 : i32 to vector<16xi32>
        %add3A_417 = arith.addi %get3A_415, %add3A_416 : vector<16xi32>
        %swap3A_418 = arith.constant 1 : i32
        %swap3A_419 = arith.index_cast %swap3A_418 : i32 to index
        %swap3A_420 = arith.constant 0 : index
        %swap3A_421 = tpu.vector_load %arg7[%swap3A_419, %swap3A_420] {strides = array<i32>} : memref<3x112xi32, #tpu.memory_space<vmem>>, vector<1x16xi32>,
        %swap3A_422 = vector.shape_cast %swap3A_421 : vector<1x16xi32> to vector<16xi32>
        %swap3A_423 = vector.shape_cast %add3A_417 : vector<16xi32> to vector<1x16xi32>
        tpu.vector_store %arg7[%swap3A_419, %swap3A_420], %swap3A_423 {strides = array<i32>} : memref<3x112xi32, #tpu.memory_space<vmem>>, vector<1x16xi32>,
        %get3A_424 = arith.constant 1 : i32
        %get3A_425 = arith.constant 1 : i32
        %get3A_426 = arith.index_cast %get3A_424 : i32 to index
        %get3A_427 = arith.index_cast %get3A_425 : i32 to index
        %get3A_428 = arith.constant 0 : index
        %get3A_429 = tpu.vector_load %arg6[%get3A_426, %get3A_427, %get3A_428] {strides = array<i32>} : memref<3x2x112xi32, #tpu.memory_space<vmem>>, vector<1x1x16xi32>,
        %get3A_430 = vector.shape_cast %get3A_429 : vector<1x1x16xi32> to vector<16xi32>
        %swap3A_431 = arith.constant 1 : i32
        %swap3A_432 = arith.index_cast %swap3A_431 : i32 to index
        %swap3A_433 = arith.constant 0 : index
        %swap3A_434 = tpu.vector_load %arg8[%swap3A_432, %swap3A_433] {strides = array<i32>} : memref<3x112xi32, #tpu.memory_space<vmem>>, vector<1x16xi32>,
        %swap3A_435 = vector.shape_cast %swap3A_434 : vector<1x16xi32> to vector<16xi32>
        %swap3A_436 = vector.shape_cast %get3A_430 : vector<16xi32> to vector<1x16xi32>
        tpu.vector_store %arg8[%swap3A_432, %swap3A_433], %swap3A_436 {strides = array<i32>} : memref<3x112xi32, #tpu.memory_space<vmem>>, vector<1x16xi32>,
        %get3A_437 = arith.constant 1 : i32
        %get3A_438 = arith.constant 0 : i32
        %get3A_439 = arith.index_cast %get3A_437 : i32 to index
        %get3A_440 = arith.index_cast %get3A_438 : i32 to index
        %get3A_441 = arith.constant 16 : index
        %get3A_442 = tpu.vector_load %arg6[%get3A_439, %get3A_440, %get3A_441] {strides = array<i32>} : memref<3x2x112xi32, #tpu.memory_space<vmem>>, vector<1x1x16xi32>,
        %get3A_443 = vector.shape_cast %get3A_442 : vector<1x1x16xi32> to vector<16xi32>
        %add3A_444 = vector.broadcast %mul3A_5 : i32 to vector<16xi32>
        %add3A_445 = arith.addi %get3A_443, %add3A_444 : vector<16xi32>
        %swap3A_446 = arith.constant 1 : i32
        %swap3A_447 = arith.index_cast %swap3A_446 : i32 to index
        %swap3A_448 = arith.constant 16 : index
        %swap3A_449 = tpu.vector_load %arg7[%swap3A_447, %swap3A_448] {strides = array<i32>} : memref<3x112xi32, #tpu.memory_space<vmem>>, vector<1x16xi32>,
        %swap3A_450 = vector.shape_cast %swap3A_449 : vector<1x16xi32> to vector<16xi32>
        %swap3A_451 = vector.shape_cast %add3A_445 : vector<16xi32> to vector<1x16xi32>
        tpu.vector_store %arg7[%swap3A_447, %swap3A_448], %swap3A_451 {strides = array<i32>} : memref<3x112xi32, #tpu.memory_space<vmem>>, vector<1x16xi32>,
        %get3A_452 = arith.constant 1 : i32
        %get3A_453 = arith.constant 1 : i32
        %get3A_454 = arith.index_cast %get3A_452 : i32 to index
        %get3A_455 = arith.index_cast %get3A_453 : i32 to index
        %get3A_456 = arith.constant 16 : index
        %get3A_457 = tpu.vector_load %arg6[%get3A_454, %get3A_455, %get3A_456] {strides = array<i32>} : memref<3x2x112xi32, #tpu.memory_space<vmem>>, vector<1x1x16xi32>,
        %get3A_458 = vector.shape_cast %get3A_457 : vector<1x1x16xi32> to vector<16xi32>
        %swap3A_459 = arith.constant 1 : i32
        %swap3A_460 = arith.index_cast %swap3A_459 : i32 to index
        %swap3A_461 = arith.constant 16 : index
        %swap3A_462 = tpu.vector_load %arg8[%swap3A_460, %swap3A_461] {strides = array<i32>} : memref<3x112xi32, #tpu.memory_space<vmem>>, vector<1x16xi32>,
        %swap3A_463 = vector.shape_cast %swap3A_462 : vector<1x16xi32> to vector<16xi32>
        %swap3A_464 = vector.shape_cast %get3A_458 : vector<16xi32> to vector<1x16xi32>
        tpu.vector_store %arg8[%swap3A_460, %swap3A_461], %swap3A_464 {strides = array<i32>} : memref<3x112xi32, #tpu.memory_space<vmem>>, vector<1x16xi32>,
        %get3A_465 = arith.constant 1 : i32
        %get3A_466 = arith.constant 0 : i32
        %get3A_467 = arith.index_cast %get3A_465 : i32 to index
        %get3A_468 = arith.index_cast %get3A_466 : i32 to index
        %get3A_469 = arith.constant 32 : index
        %get3A_470 = tpu.vector_load %arg6[%get3A_467, %get3A_468, %get3A_469] {strides = array<i32>} : memref<3x2x112xi32, #tpu.memory_space<vmem>>, vector<1x1x16xi32>,
        %get3A_471 = vector.shape_cast %get3A_470 : vector<1x1x16xi32> to vector<16xi32>
        %add3A_472 = vector.broadcast %mul3A_5 : i32 to vector<16xi32>
        %add3A_473 = arith.addi %get3A_471, %add3A_472 : vector<16xi32>
        %swap3A_474 = arith.constant 1 : i32
        %swap3A_475 = arith.index_cast %swap3A_474 : i32 to index
        %swap3A_476 = arith.constant 32 : index
        %swap3A_477 = tpu.vector_load %arg7[%swap3A_475, %swap3A_476] {strides = array<i32>} : memref<3x112xi32, #tpu.memory_space<vmem>>, vector<1x16xi32>,
        %swap3A_478 = vector.shape_cast %swap3A_477 : vector<1x16xi32> to vector<16xi32>
        %swap3A_479 = vector.shape_cast %add3A_473 : vector<16xi32> to vector<1x16xi32>
        tpu.vector_store %arg7[%swap3A_475, %swap3A_476], %swap3A_479 {strides = array<i32>} : memref<3x112xi32, #tpu.memory_space<vmem>>, vector<1x16xi32>,
        %get3A_480 = arith.constant 1 : i32
        %get3A_481 = arith.constant 1 : i32
        %get3A_482 = arith.index_cast %get3A_480 : i32 to index
        %get3A_483 = arith.index_cast %get3A_481 : i32 to index
        %get3A_484 = arith.constant 32 : index
        %get3A_485 = tpu.vector_load %arg6[%get3A_482, %get3A_483, %get3A_484] {strides = array<i32>} : memref<3x2x112xi32, #tpu.memory_space<vmem>>, vector<1x1x16xi32>,
        %get3A_486 = vector.shape_cast %get3A_485 : vector<1x1x16xi32> to vector<16xi32>
        %swap3A_487 = arith.constant 1 : i32
        %swap3A_488 = arith.index_cast %swap3A_487 : i32 to index
        %swap3A_489 = arith.constant 32 : index
        %swap3A_490 = tpu.vector_load %arg8[%swap3A_488, %swap3A_489] {strides = array<i32>} : memref<3x112xi32, #tpu.memory_space<vmem>>, vector<1x16xi32>,
        %swap3A_491 = vector.shape_cast %swap3A_490 : vector<1x16xi32> to vector<16xi32>
        %swap3A_492 = vector.shape_cast %get3A_486 : vector<16xi32> to vector<1x16xi32>
        tpu.vector_store %arg8[%swap3A_488, %swap3A_489], %swap3A_492 {strides = array<i32>} : memref<3x112xi32, #tpu.memory_space<vmem>>, vector<1x16xi32>,
        %get3A_493 = arith.constant 1 : i32
        %get3A_494 = arith.constant 0 : i32
        %get3A_495 = arith.index_cast %get3A_493 : i32 to index
        %get3A_496 = arith.index_cast %get3A_494 : i32 to index
        %get3A_497 = arith.constant 48 : index
        %get3A_498 = tpu.vector_load %arg6[%get3A_495, %get3A_496, %get3A_497] {strides = array<i32>} : memref<3x2x112xi32, #tpu.memory_space<vmem>>, vector<1x1x16xi32>,
        %get3A_499 = vector.shape_cast %get3A_498 : vector<1x1x16xi32> to vector<16xi32>
        %add3A_500 = vector.broadcast %mul3A_5 : i32 to vector<16xi32>
        %add3A_501 = arith.addi %get3A_499, %add3A_500 : vector<16xi32>
        %swap3A_502 = arith.constant 1 : i32
        %swap3A_503 = arith.index_cast %swap3A_502 : i32 to index
        %swap3A_504 = arith.constant 48 : index
        %swap3A_505 = tpu.vector_load %arg7[%swap3A_503, %swap3A_504] {strides = array<i32>} : memref<3x112xi32, #tpu.memory_space<vmem>>, vector<1x16xi32>,
        %swap3A_506 = vector.shape_cast %swap3A_505 : vector<1x16xi32> to vector<16xi32>
        %swap3A_507 = vector.shape_cast %add3A_501 : vector<16xi32> to vector<1x16xi32>
        tpu.vector_store %arg7[%swap3A_503, %swap3A_504], %swap3A_507 {strides = array<i32>} : memref<3x112xi32, #tpu.memory_space<vmem>>, vector<1x16xi32>,
        %get3A_508 = arith.constant 1 : i32
        %get3A_509 = arith.constant 1 : i32
        %get3A_510 = arith.index_cast %get3A_508 : i32 to index
        %get3A_511 = arith.index_cast %get3A_509 : i32 to index
        %get3A_512 = arith.constant 48 : index
        %get3A_513 = tpu.vector_load %arg6[%get3A_510, %get3A_511, %get3A_512] {strides = array<i32>} : memref<3x2x112xi32, #tpu.memory_space<vmem>>, vector<1x1x16xi32>,
        %get3A_514 = vector.shape_cast %get3A_513 : vector<1x1x16xi32> to vector<16xi32>
        %swap3A_515 = arith.constant 1 : i32
        %swap3A_516 = arith.index_cast %swap3A_515 : i32 to index
        %swap3A_517 = arith.constant 48 : index
        %swap3A_518 = tpu.vector_load %arg8[%swap3A_516, %swap3A_517] {strides = array<i32>} : memref<3x112xi32, #tpu.memory_space<vmem>>, vector<1x16xi32>,
        %swap3A_519 = vector.shape_cast %swap3A_518 : vector<1x16xi32> to vector<16xi32>
        %swap3A_520 = vector.shape_cast %get3A_514 : vector<16xi32> to vector<1x16xi32>
        tpu.vector_store %arg8[%swap3A_516, %swap3A_517], %swap3A_520 {strides = array<i32>} : memref<3x112xi32, #tpu.memory_space<vmem>>, vector<1x16xi32>,
        %get3A_521 = arith.constant 1 : i32
        %get3A_522 = arith.constant 0 : i32
        %get3A_523 = arith.index_cast %get3A_521 : i32 to index
        %get3A_524 = arith.index_cast %get3A_522 : i32 to index
        %get3A_525 = arith.constant 64 : index
        %get3A_526 = tpu.vector_load %arg6[%get3A_523, %get3A_524, %get3A_525] {strides = array<i32>} : memref<3x2x112xi32, #tpu.memory_space<vmem>>, vector<1x1x16xi32>,
        %get3A_527 = vector.shape_cast %get3A_526 : vector<1x1x16xi32> to vector<16xi32>
        %add3A_528 = vector.broadcast %mul3A_5 : i32 to vector<16xi32>
        %add3A_529 = arith.addi %get3A_527, %add3A_528 : vector<16xi32>
        %swap3A_530 = arith.constant 1 : i32
        %swap3A_531 = arith.index_cast %swap3A_530 : i32 to index
        %swap3A_532 = arith.constant 64 : index
        %swap3A_533 = tpu.vector_load %arg7[%swap3A_531, %swap3A_532] {strides = array<i32>} : memref<3x112xi32, #tpu.memory_space<vmem>>, vector<1x16xi32>,
        %swap3A_534 = vector.shape_cast %swap3A_533 : vector<1x16xi32> to vector<16xi32>
        %swap3A_535 = vector.shape_cast %add3A_529 : vector<16xi32> to vector<1x16xi32>
        tpu.vector_store %arg7[%swap3A_531, %swap3A_532], %swap3A_535 {strides = array<i32>} : memref<3x112xi32, #tpu.memory_space<vmem>>, vector<1x16xi32>,
        %get3A_536 = arith.constant 1 : i32
        %get3A_537 = arith.constant 1 : i32
        %get3A_538 = arith.index_cast %get3A_536 : i32 to index
        %get3A_539 = arith.index_cast %get3A_537 : i32 to index
        %get3A_540 = arith.constant 64 : index
        %get3A_541 = tpu.vector_load %arg6[%get3A_538, %get3A_539, %get3A_540] {strides = array<i32>} : memref<3x2x112xi32, #tpu.memory_space<vmem>>, vector<1x1x16xi32>,
        %get3A_542 = vector.shape_cast %get3A_541 : vector<1x1x16xi32> to vector<16xi32>
        %swap3A_543 = arith.constant 1 : i32
        %swap3A_544 = arith.index_cast %swap3A_543 : i32 to index
        %swap3A_545 = arith.constant 64 : index
        %swap3A_546 = tpu.vector_load %arg8[%swap3A_544, %swap3A_545] {strides = array<i32>} : memref<3x112xi32, #tpu.memory_space<vmem>>, vector<1x16xi32>,
        %swap3A_547 = vector.shape_cast %swap3A_546 : vector<1x16xi32> to vector<16xi32>
        %swap3A_548 = vector.shape_cast %get3A_542 : vector<16xi32> to vector<1x16xi32>
        tpu.vector_store %arg8[%swap3A_544, %swap3A_545], %swap3A_548 {strides = array<i32>} : memref<3x112xi32, #tpu.memory_space<vmem>>, vector<1x16xi32>,
        %get3A_549 = arith.constant 1 : i32
        %get3A_550 = arith.constant 0 : i32
        %get3A_551 = arith.index_cast %get3A_549 : i32 to index
        %get3A_552 = arith.index_cast %get3A_550 : i32 to index
        %get3A_553 = arith.constant 80 : index
        %get3A_554 = tpu.vector_load %arg6[%get3A_551, %get3A_552, %get3A_553] {strides = array<i32>} : memref<3x2x112xi32, #tpu.memory_space<vmem>>, vector<1x1x16xi32>,
        %get3A_555 = vector.shape_cast %get3A_554 : vector<1x1x16xi32> to vector<16xi32>
        %add3A_556 = vector.broadcast %mul3A_5 : i32 to vector<16xi32>
        %add3A_557 = arith.addi %get3A_555, %add3A_556 : vector<16xi32>
        %swap3A_558 = arith.constant 1 : i32
        %swap3A_559 = arith.index_cast %swap3A_558 : i32 to index
        %swap3A_560 = arith.constant 80 : index
        %swap3A_561 = tpu.vector_load %arg7[%swap3A_559, %swap3A_560] {strides = array<i32>} : memref<3x112xi32, #tpu.memory_space<vmem>>, vector<1x16xi32>,
        %swap3A_562 = vector.shape_cast %swap3A_561 : vector<1x16xi32> to vector<16xi32>
        %swap3A_563 = vector.shape_cast %add3A_557 : vector<16xi32> to vector<1x16xi32>
        tpu.vector_store %arg7[%swap3A_559, %swap3A_560], %swap3A_563 {strides = array<i32>} : memref<3x112xi32, #tpu.memory_space<vmem>>, vector<1x16xi32>,
        %get3A_564 = arith.constant 1 : i32
        %get3A_565 = arith.constant 1 : i32
        %get3A_566 = arith.index_cast %get3A_564 : i32 to index
        %get3A_567 = arith.index_cast %get3A_565 : i32 to index
        %get3A_568 = arith.constant 80 : index
        %get3A_569 = tpu.vector_load %arg6[%get3A_566, %get3A_567, %get3A_568] {strides = array<i32>} : memref<3x2x112xi32, #tpu.memory_space<vmem>>, vector<1x1x16xi32>,
        %get3A_570 = vector.shape_cast %get3A_569 : vector<1x1x16xi32> to vector<16xi32>
        %swap3A_571 = arith.constant 1 : i32
        %swap3A_572 = arith.index_cast %swap3A_571 : i32 to index
        %swap3A_573 = arith.constant 80 : index
        %swap3A_574 = tpu.vector_load %arg8[%swap3A_572, %swap3A_573] {strides = array<i32>} : memref<3x112xi32, #tpu.memory_space<vmem>>, vector<1x16xi32>,
        %swap3A_575 = vector.shape_cast %swap3A_574 : vector<1x16xi32> to vector<16xi32>
        %swap3A_576 = vector.shape_cast %get3A_570 : vector<16xi32> to vector<1x16xi32>
        tpu.vector_store %arg8[%swap3A_572, %swap3A_573], %swap3A_576 {strides = array<i32>} : memref<3x112xi32, #tpu.memory_space<vmem>>, vector<1x16xi32>,
        %get3A_577 = arith.constant 1 : i32
        %get3A_578 = arith.constant 0 : i32
        %get3A_579 = arith.index_cast %get3A_577 : i32 to index
        %get3A_580 = arith.index_cast %get3A_578 : i32 to index
        %get3A_581 = arith.constant 96 : index
        %get3A_582 = tpu.vector_load %arg6[%get3A_579, %get3A_580, %get3A_581] {strides = array<i32>} : memref<3x2x112xi32, #tpu.memory_space<vmem>>, vector<1x1x16xi32>,
        %get3A_583 = vector.shape_cast %get3A_582 : vector<1x1x16xi32> to vector<16xi32>
        %add3A_584 = vector.broadcast %mul3A_5 : i32 to vector<16xi32>
        %add3A_585 = arith.addi %get3A_583, %add3A_584 : vector<16xi32>
        %swap3A_586 = arith.constant 1 : i32
        %swap3A_587 = arith.index_cast %swap3A_586 : i32 to index
        %swap3A_588 = arith.constant 96 : index
        %swap3A_589 = tpu.vector_load %arg7[%swap3A_587, %swap3A_588] {strides = array<i32>} : memref<3x112xi32, #tpu.memory_space<vmem>>, vector<1x16xi32>,
        %swap3A_590 = vector.shape_cast %swap3A_589 : vector<1x16xi32> to vector<16xi32>
        %swap3A_591 = vector.shape_cast %add3A_585 : vector<16xi32> to vector<1x16xi32>
        tpu.vector_store %arg7[%swap3A_587, %swap3A_588], %swap3A_591 {strides = array<i32>} : memref<3x112xi32, #tpu.memory_space<vmem>>, vector<1x16xi32>,
        %get3A_592 = arith.constant 1 : i32
        %get3A_593 = arith.constant 1 : i32
        %get3A_594 = arith.index_cast %get3A_592 : i32 to index
        %get3A_595 = arith.index_cast %get3A_593 : i32 to index
        %get3A_596 = arith.constant 96 : index
        %get3A_597 = tpu.vector_load %arg6[%get3A_594, %get3A_595, %get3A_596] {strides = array<i32>} : memref<3x2x112xi32, #tpu.memory_space<vmem>>, vector<1x1x16xi32>,
        %get3A_598 = vector.shape_cast %get3A_597 : vector<1x1x16xi32> to vector<16xi32>
        %swap3A_599 = arith.constant 1 : i32
        %swap3A_600 = arith.index_cast %swap3A_599 : i32 to index
        %swap3A_601 = arith.constant 96 : index
        %swap3A_602 = tpu.vector_load %arg8[%swap3A_600, %swap3A_601] {strides = array<i32>} : memref<3x112xi32, #tpu.memory_space<vmem>>, vector<1x16xi32>,
        %swap3A_603 = vector.shape_cast %swap3A_602 : vector<1x16xi32> to vector<16xi32>
        %swap3A_604 = vector.shape_cast %get3A_598 : vector<16xi32> to vector<1x16xi32>
        tpu.vector_store %arg8[%swap3A_600, %swap3A_601], %swap3A_604 {strides = array<i32>} : memref<3x112xi32, #tpu.memory_space<vmem>>, vector<1x16xi32>,
        %dma_start3A_605 = arith.constant 1 : i32
        %dma_start3A_606 = arith.constant 0 : i32
        %dma_start3A_607 = tpu.memref_slice %arg7[%dma_start3A_605, %dma_start3A_606] : memref<3x112xi32, #tpu.memory_space<vmem>> -> memref<1x112xi32, #tpu.memory_space<vmem>>
        %dma_start3A_608 = tpu.memref_squeeze %dma_start3A_607 : memref<1x112xi32, #tpu.memory_space<vmem>> -> memref<112xi32, #tpu.memory_space<vmem>>
        %dma_start3A_609 = arith.constant 0 : i32
        %dma_start3A_610 = arith.constant 0 : i32
        %dma_start3A_611 = tpu.memref_slice %arg2[%dma_start3A_609, %dma_start3A_610] : memref<20000x128xf32, #tpu.memory_space<hbm>> -> memref<20000x128xf32, #tpu.memory_space<hbm>>
        tpu.enqueue_indirect_dma source(%dma_start3A_611 : memref<20000x128xf32, #tpu.memory_space<hbm>>) target(%arg10 : memref<112x128xf32, #tpu.memory_space<vmem>>) offsets(%dma_start3A_608 : memref<112xi32, #tpu.memory_space<vmem>>) semaphore(%arg17 : memref<!tpu.dma_semaphore, #tpu.memory_space<semaphore_mem>>)
      } else {
      }
      %add3A_300 = arith.constant 3 : i32
      %add3A_301 = arith.addi %add3A_295, %add3A_300 : i32
      %sub3A = arith.constant 1 : i32
      %sub3A_302 = arith.subi %add3A_301, %sub3A : i32
      %lt3A_303 = arith.constant 90 : i32
      %lt3A_304 = arith.cmpi slt, %sub3A_302, %lt3A_303 : i32
      %convert_element_type3A_305 = arith.extui %lt3A_304 : i1 to i32
      %cond3A_306 = arith.constant 0 : i32
      %cond3A_307 = arith.cmpi ne, %convert_element_type3A_305, %cond3A_306 : i32
      scf.if %cond3A_307 {
        %add3A_386 = arith.constant 3 : i32
        %add3A_387 = arith.addi %add3A_295, %add3A_386 : i32
        %sub3A_388 = arith.constant 1 : i32
        %sub3A_389 = arith.subi %add3A_387, %sub3A_388 : i32
        %dma_start3A_390 = arith.constant 2 : i32
        %dma_start3A_391 = arith.constant 0 : i32
        %dma_start3A_392 = arith.constant 0 : i32
        %dma_start3A_393 = tpu.memref_slice %arg6[%dma_start3A_390, %dma_start3A_391, %dma_start3A_392] : memref<3x2x112xi32, #tpu.memory_space<vmem>> -> memref<1x2x112xi32, #tpu.memory_space<vmem>>
        %dma_start3A_394 = tpu.memref_squeeze %dma_start3A_393 : memref<1x2x112xi32, #tpu.memory_space<vmem>> -> memref<2x112xi32, #tpu.memory_space<vmem>>
        %dma_start3A_395 = arith.constant 0 : i32
        %dma_start3A_396 = arith.constant 0 : i32
        %dma_start3A_397 = tpu.memref_slice %arg3[%arg1, %sub3A_389, %dma_start3A_395, %dma_start3A_396] : memref<16x90x2x112xi32, #tpu.memory_space<hbm>> -> memref<1x1x2x112xi32, #tpu.memory_space<hbm>>
        %dma_start3A_398 = tpu.memref_squeeze %dma_start3A_397 : memref<1x1x2x112xi32, #tpu.memory_space<hbm>> -> memref<2x112xi32, #tpu.memory_space<hbm>>
        %dma_start3A_399 = arith.constant 0 : i32
        %dma_start3A_400 = arith.constant 0 : i32
        %dma_start3A_401 = tpu.memref_slice %arg6[%dma_start3A_390, %dma_start3A_399, %dma_start3A_400] : memref<3x2x112xi32, #tpu.memory_space<vmem>> -> memref<1x2x112xi32, #tpu.memory_space<vmem>>
        %dma_start3A_402 = tpu.memref_squeeze %dma_start3A_401 : memref<1x2x112xi32, #tpu.memory_space<vmem>> -> memref<2x112xi32, #tpu.memory_space<vmem>>
        %dma_start3A_403 = arith.constant 0 : i32
        %dma_start3A_404 = arith.constant 0 : i32
        %dma_start3A_405 = tpu.memref_slice %arg3[%arg1, %sub3A_389, %dma_start3A_403, %dma_start3A_404] : memref<16x90x2x112xi32, #tpu.memory_space<hbm>> -> memref<1x1x2x112xi32, #tpu.memory_space<hbm>>
        %dma_start3A_406 = tpu.memref_squeeze %dma_start3A_405 : memref<1x1x2x112xi32, #tpu.memory_space<hbm>> -> memref<2x112xi32, #tpu.memory_space<hbm>>
        tpu.enqueue_dma source(%dma_start3A_406 : memref<2x112xi32, #tpu.memory_space<hbm>>) target(%dma_start3A_402 : memref<2x112xi32, #tpu.memory_space<vmem>>) target_semaphore(%arg15 : memref<!tpu.dma_semaphore, #tpu.memory_space<semaphore_mem>>)
      } else {
      }
      %dma_wait3A_308 = arith.constant 0 : i32
      %dma_wait3A_309 = arith.constant 0 : i32
      %dma_wait3A_310 = tpu.memref_slice %arg7[%dma_wait3A_308, %dma_wait3A_309] : memref<3x112xi32, #tpu.memory_space<vmem>> -> memref<1x112xi32, #tpu.memory_space<vmem>>
      %dma_wait3A_311 = tpu.memref_squeeze %dma_wait3A_310 : memref<1x112xi32, #tpu.memory_space<vmem>> -> memref<112xi32, #tpu.memory_space<vmem>>
      %dma_wait3A_312 = arith.constant 0 : i32
      %dma_wait3A_313 = arith.constant 0 : i32
      %dma_wait3A_314 = tpu.memref_slice %arg2[%dma_wait3A_312, %dma_wait3A_313] : memref<20000x128xf32, #tpu.memory_space<hbm>> -> memref<20000x128xf32, #tpu.memory_space<hbm>>
      tpu.wait_indirect_dma semaphore(%arg16 : memref<!tpu.dma_semaphore, #tpu.memory_space<semaphore_mem>>) src(%dma_wait3A_314 : memref<20000x128xf32, #tpu.memory_space<hbm>>) dst(%arg9 : memref<112x128xf32, #tpu.memory_space<vmem>>)
      %dma_start3A_315 = arith.constant 0 : i32
      %dma_start3A_316 = arith.constant 0 : i32
      %dma_start3A_317 = tpu.memref_slice %arg8[%dma_start3A_315, %dma_start3A_316] : memref<3x112xi32, #tpu.memory_space<vmem>> -> memref<1x112xi32, #tpu.memory_space<vmem>>
      %dma_start3A_318 = tpu.memref_squeeze %dma_start3A_317 : memref<1x112xi32, #tpu.memory_space<vmem>> -> memref<112xi32, #tpu.memory_space<vmem>>
      %dma_start3A_319 = arith.constant 0 : i32
      %dma_start3A_320 = arith.constant 0 : i32
      %dma_start3A_321 = tpu.memref_slice %arg12[%dma_start3A_319, %dma_start3A_320] : memref<10112x128xf32, #tpu.memory_space<vmem_shared>> -> memref<10112x128xf32, #tpu.memory_space<vmem_shared>>
      tpu.enqueue_indirect_dma source(%arg9 : memref<112x128xf32, #tpu.memory_space<vmem>>) target(%dma_start3A_321 : memref<10112x128xf32, #tpu.memory_space<vmem_shared>>) offsets(%dma_start3A_318 : memref<112xi32, #tpu.memory_space<vmem>>) semaphore(%arg19 : memref<!tpu.dma_semaphore, #tpu.memory_space<semaphore_mem>>) {add = true}
      %add3A_322 = arith.constant 1 : i32
      %add3A_323 = arith.addi %add3A_293, %add3A_322 : i32
      %add3A_324 = arith.constant 1 : i32
      %add3A_325 = arith.addi %add3A_323, %add3A_324 : i32
      %lt3A_326 = arith.constant 90 : i32
      %lt3A_327 = arith.cmpi slt, %add3A_325, %lt3A_326 : i32
      %convert_element_type3A_328 = arith.extui %lt3A_327 : i1 to i32
      %cond3A_329 = arith.constant 0 : i32
      %cond3A_330 = arith.cmpi ne, %convert_element_type3A_328, %cond3A_329 : i32
      scf.if %cond3A_330 {
        %add3A_386 = arith.constant 1 : i32
        %add3A_387 = arith.addi %add3A_323, %add3A_386 : i32
        %dma_wait3A_388 = arith.constant 2 : i32
        %dma_wait3A_389 = arith.constant 0 : i32
        %dma_wait3A_390 = arith.constant 0 : i32
        %dma_wait3A_391 = tpu.memref_slice %arg6[%dma_wait3A_388, %dma_wait3A_389, %dma_wait3A_390] : memref<3x2x112xi32, #tpu.memory_space<vmem>> -> memref<1x2x112xi32, #tpu.memory_space<vmem>>
        %dma_wait3A_392 = tpu.memref_squeeze %dma_wait3A_391 : memref<1x2x112xi32, #tpu.memory_space<vmem>> -> memref<2x112xi32, #tpu.memory_space<vmem>>
        %dma_wait3A_393 = arith.constant 0 : i32
        %dma_wait3A_394 = arith.constant 0 : i32
        %dma_wait3A_395 = tpu.memref_slice %arg3[%arg1, %add3A_387, %dma_wait3A_393, %dma_wait3A_394] : memref<16x90x2x112xi32, #tpu.memory_space<hbm>> -> memref<1x1x2x112xi32, #tpu.memory_space<hbm>>
        %dma_wait3A_396 = tpu.memref_squeeze %dma_wait3A_395 : memref<1x1x2x112xi32, #tpu.memory_space<hbm>> -> memref<2x112xi32, #tpu.memory_space<hbm>>
        %dma_wait3A_397 = arith.constant 0 : i32
        %dma_wait3A_398 = arith.constant 0 : i32
        %dma_wait3A_399 = tpu.memref_slice %arg6[%dma_wait3A_388, %dma_wait3A_397, %dma_wait3A_398] : memref<3x2x112xi32, #tpu.memory_space<vmem>> -> memref<1x2x112xi32, #tpu.memory_space<vmem>>
        %dma_wait3A_400 = tpu.memref_squeeze %dma_wait3A_399 : memref<1x2x112xi32, #tpu.memory_space<vmem>> -> memref<2x112xi32, #tpu.memory_space<vmem>>
        %dma_wait3A_401 = arith.constant 0 : i32
        %dma_wait3A_402 = arith.constant 0 : i32
        %dma_wait3A_403 = tpu.memref_slice %arg3[%arg1, %add3A_387, %dma_wait3A_401, %dma_wait3A_402] : memref<16x90x2x112xi32, #tpu.memory_space<hbm>> -> memref<1x1x2x112xi32, #tpu.memory_space<hbm>>
        %dma_wait3A_404 = tpu.memref_squeeze %dma_wait3A_403 : memref<1x1x2x112xi32, #tpu.memory_space<hbm>> -> memref<2x112xi32, #tpu.memory_space<hbm>>
        tpu.wait_dma2 semaphore(%arg15 : memref<!tpu.dma_semaphore, #tpu.memory_space<semaphore_mem>>) src(%dma_wait3A_404 : memref<2x112xi32, #tpu.memory_space<hbm>>) dst(%dma_wait3A_400 : memref<2x112xi32, #tpu.memory_space<vmem>>)
        %ge3A = arith.constant 2 : i32
        %ge3A_405 = arith.cmpi sge, %add3A_323, %ge3A : i32
        %convert_element_type3A_406 = arith.extui %ge3A_405 : i1 to i32
        %cond3A_407 = arith.constant 0 : i32
        %cond3A_408 = arith.cmpi ne, %convert_element_type3A_406, %cond3A_407 : i32
        scf.if %cond3A_408 {
          %dma_wait3A_612 = arith.constant 2 : i32
          %dma_wait3A_613 = arith.constant 0 : i32
          %dma_wait3A_614 = tpu.memref_slice %arg8[%dma_wait3A_612, %dma_wait3A_613] : memref<3x112xi32, #tpu.memory_space<vmem>> -> memref<1x112xi32, #tpu.memory_space<vmem>>
          %dma_wait3A_615 = tpu.memref_squeeze %dma_wait3A_614 : memref<1x112xi32, #tpu.memory_space<vmem>> -> memref<112xi32, #tpu.memory_space<vmem>>
          %dma_wait3A_616 = arith.constant 0 : i32
          %dma_wait3A_617 = arith.constant 0 : i32
          %dma_wait3A_618 = tpu.memref_slice %arg12[%dma_wait3A_616, %dma_wait3A_617] : memref<10112x128xf32, #tpu.memory_space<vmem_shared>> -> memref<10112x128xf32, #tpu.memory_space<vmem_shared>>
          tpu.wait_indirect_dma semaphore(%arg21 : memref<!tpu.dma_semaphore, #tpu.memory_space<semaphore_mem>>) src(%arg11 : memref<112x128xf32, #tpu.memory_space<vmem>>) dst(%dma_wait3A_618 : memref<10112x128xf32, #tpu.memory_space<vmem_shared>>)
        } else {
        }
        %get3A_409 = arith.constant 2 : i32
        %get3A_410 = arith.constant 0 : i32
        %get3A_411 = arith.index_cast %get3A_409 : i32 to index
        %get3A_412 = arith.index_cast %get3A_410 : i32 to index
        %get3A_413 = arith.constant 0 : index
        %get3A_414 = tpu.vector_load %arg6[%get3A_411, %get3A_412, %get3A_413] {strides = array<i32>} : memref<3x2x112xi32, #tpu.memory_space<vmem>>, vector<1x1x16xi32>,
        %get3A_415 = vector.shape_cast %get3A_414 : vector<1x1x16xi32> to vector<16xi32>
        %add3A_416 = vector.broadcast %mul3A_5 : i32 to vector<16xi32>
        %add3A_417 = arith.addi %get3A_415, %add3A_416 : vector<16xi32>
        %swap3A_418 = arith.constant 2 : i32
        %swap3A_419 = arith.index_cast %swap3A_418 : i32 to index
        %swap3A_420 = arith.constant 0 : index
        %swap3A_421 = tpu.vector_load %arg7[%swap3A_419, %swap3A_420] {strides = array<i32>} : memref<3x112xi32, #tpu.memory_space<vmem>>, vector<1x16xi32>,
        %swap3A_422 = vector.shape_cast %swap3A_421 : vector<1x16xi32> to vector<16xi32>
        %swap3A_423 = vector.shape_cast %add3A_417 : vector<16xi32> to vector<1x16xi32>
        tpu.vector_store %arg7[%swap3A_419, %swap3A_420], %swap3A_423 {strides = array<i32>} : memref<3x112xi32, #tpu.memory_space<vmem>>, vector<1x16xi32>,
        %get3A_424 = arith.constant 2 : i32
        %get3A_425 = arith.constant 1 : i32
        %get3A_426 = arith.index_cast %get3A_424 : i32 to index
        %get3A_427 = arith.index_cast %get3A_425 : i32 to index
        %get3A_428 = arith.constant 0 : index
        %get3A_429 = tpu.vector_load %arg6[%get3A_426, %get3A_427, %get3A_428] {strides = array<i32>} : memref<3x2x112xi32, #tpu.memory_space<vmem>>, vector<1x1x16xi32>,
        %get3A_430 = vector.shape_cast %get3A_429 : vector<1x1x16xi32> to vector<16xi32>
        %swap3A_431 = arith.constant 2 : i32
        %swap3A_432 = arith.index_cast %swap3A_431 : i32 to index
        %swap3A_433 = arith.constant 0 : index
        %swap3A_434 = tpu.vector_load %arg8[%swap3A_432, %swap3A_433] {strides = array<i32>} : memref<3x112xi32, #tpu.memory_space<vmem>>, vector<1x16xi32>,
        %swap3A_435 = vector.shape_cast %swap3A_434 : vector<1x16xi32> to vector<16xi32>
        %swap3A_436 = vector.shape_cast %get3A_430 : vector<16xi32> to vector<1x16xi32>
        tpu.vector_store %arg8[%swap3A_432, %swap3A_433], %swap3A_436 {strides = array<i32>} : memref<3x112xi32, #tpu.memory_space<vmem>>, vector<1x16xi32>,
        %get3A_437 = arith.constant 2 : i32
        %get3A_438 = arith.constant 0 : i32
        %get3A_439 = arith.index_cast %get3A_437 : i32 to index
        %get3A_440 = arith.index_cast %get3A_438 : i32 to index
        %get3A_441 = arith.constant 16 : index
        %get3A_442 = tpu.vector_load %arg6[%get3A_439, %get3A_440, %get3A_441] {strides = array<i32>} : memref<3x2x112xi32, #tpu.memory_space<vmem>>, vector<1x1x16xi32>,
        %get3A_443 = vector.shape_cast %get3A_442 : vector<1x1x16xi32> to vector<16xi32>
        %add3A_444 = vector.broadcast %mul3A_5 : i32 to vector<16xi32>
        %add3A_445 = arith.addi %get3A_443, %add3A_444 : vector<16xi32>
        %swap3A_446 = arith.constant 2 : i32
        %swap3A_447 = arith.index_cast %swap3A_446 : i32 to index
        %swap3A_448 = arith.constant 16 : index
        %swap3A_449 = tpu.vector_load %arg7[%swap3A_447, %swap3A_448] {strides = array<i32>} : memref<3x112xi32, #tpu.memory_space<vmem>>, vector<1x16xi32>,
        %swap3A_450 = vector.shape_cast %swap3A_449 : vector<1x16xi32> to vector<16xi32>
        %swap3A_451 = vector.shape_cast %add3A_445 : vector<16xi32> to vector<1x16xi32>
        tpu.vector_store %arg7[%swap3A_447, %swap3A_448], %swap3A_451 {strides = array<i32>} : memref<3x112xi32, #tpu.memory_space<vmem>>, vector<1x16xi32>,
        %get3A_452 = arith.constant 2 : i32
        %get3A_453 = arith.constant 1 : i32
        %get3A_454 = arith.index_cast %get3A_452 : i32 to index
        %get3A_455 = arith.index_cast %get3A_453 : i32 to index
        %get3A_456 = arith.constant 16 : index
        %get3A_457 = tpu.vector_load %arg6[%get3A_454, %get3A_455, %get3A_456] {strides = array<i32>} : memref<3x2x112xi32, #tpu.memory_space<vmem>>, vector<1x1x16xi32>,
        %get3A_458 = vector.shape_cast %get3A_457 : vector<1x1x16xi32> to vector<16xi32>
        %swap3A_459 = arith.constant 2 : i32
        %swap3A_460 = arith.index_cast %swap3A_459 : i32 to index
        %swap3A_461 = arith.constant 16 : index
        %swap3A_462 = tpu.vector_load %arg8[%swap3A_460, %swap3A_461] {strides = array<i32>} : memref<3x112xi32, #tpu.memory_space<vmem>>, vector<1x16xi32>,
        %swap3A_463 = vector.shape_cast %swap3A_462 : vector<1x16xi32> to vector<16xi32>
        %swap3A_464 = vector.shape_cast %get3A_458 : vector<16xi32> to vector<1x16xi32>
        tpu.vector_store %arg8[%swap3A_460, %swap3A_461], %swap3A_464 {strides = array<i32>} : memref<3x112xi32, #tpu.memory_space<vmem>>, vector<1x16xi32>,
        %get3A_465 = arith.constant 2 : i32
        %get3A_466 = arith.constant 0 : i32
        %get3A_467 = arith.index_cast %get3A_465 : i32 to index
        %get3A_468 = arith.index_cast %get3A_466 : i32 to index
        %get3A_469 = arith.constant 32 : index
        %get3A_470 = tpu.vector_load %arg6[%get3A_467, %get3A_468, %get3A_469] {strides = array<i32>} : memref<3x2x112xi32, #tpu.memory_space<vmem>>, vector<1x1x16xi32>,
        %get3A_471 = vector.shape_cast %get3A_470 : vector<1x1x16xi32> to vector<16xi32>
        %add3A_472 = vector.broadcast %mul3A_5 : i32 to vector<16xi32>
        %add3A_473 = arith.addi %get3A_471, %add3A_472 : vector<16xi32>
        %swap3A_474 = arith.constant 2 : i32
        %swap3A_475 = arith.index_cast %swap3A_474 : i32 to index
        %swap3A_476 = arith.constant 32 : index
        %swap3A_477 = tpu.vector_load %arg7[%swap3A_475, %swap3A_476] {strides = array<i32>} : memref<3x112xi32, #tpu.memory_space<vmem>>, vector<1x16xi32>,
        %swap3A_478 = vector.shape_cast %swap3A_477 : vector<1x16xi32> to vector<16xi32>
        %swap3A_479 = vector.shape_cast %add3A_473 : vector<16xi32> to vector<1x16xi32>
        tpu.vector_store %arg7[%swap3A_475, %swap3A_476], %swap3A_479 {strides = array<i32>} : memref<3x112xi32, #tpu.memory_space<vmem>>, vector<1x16xi32>,
        %get3A_480 = arith.constant 2 : i32
        %get3A_481 = arith.constant 1 : i32
        %get3A_482 = arith.index_cast %get3A_480 : i32 to index
        %get3A_483 = arith.index_cast %get3A_481 : i32 to index
        %get3A_484 = arith.constant 32 : index
        %get3A_485 = tpu.vector_load %arg6[%get3A_482, %get3A_483, %get3A_484] {strides = array<i32>} : memref<3x2x112xi32, #tpu.memory_space<vmem>>, vector<1x1x16xi32>,
        %get3A_486 = vector.shape_cast %get3A_485 : vector<1x1x16xi32> to vector<16xi32>
        %swap3A_487 = arith.constant 2 : i32
        %swap3A_488 = arith.index_cast %swap3A_487 : i32 to index
        %swap3A_489 = arith.constant 32 : index
        %swap3A_490 = tpu.vector_load %arg8[%swap3A_488, %swap3A_489] {strides = array<i32>} : memref<3x112xi32, #tpu.memory_space<vmem>>, vector<1x16xi32>,
        %swap3A_491 = vector.shape_cast %swap3A_490 : vector<1x16xi32> to vector<16xi32>
        %swap3A_492 = vector.shape_cast %get3A_486 : vector<16xi32> to vector<1x16xi32>
        tpu.vector_store %arg8[%swap3A_488, %swap3A_489], %swap3A_492 {strides = array<i32>} : memref<3x112xi32, #tpu.memory_space<vmem>>, vector<1x16xi32>,
        %get3A_493 = arith.constant 2 : i32
        %get3A_494 = arith.constant 0 : i32
        %get3A_495 = arith.index_cast %get3A_493 : i32 to index
        %get3A_496 = arith.index_cast %get3A_494 : i32 to index
        %get3A_497 = arith.constant 48 : index
        %get3A_498 = tpu.vector_load %arg6[%get3A_495, %get3A_496, %get3A_497] {strides = array<i32>} : memref<3x2x112xi32, #tpu.memory_space<vmem>>, vector<1x1x16xi32>,
        %get3A_499 = vector.shape_cast %get3A_498 : vector<1x1x16xi32> to vector<16xi32>
        %add3A_500 = vector.broadcast %mul3A_5 : i32 to vector<16xi32>
        %add3A_501 = arith.addi %get3A_499, %add3A_500 : vector<16xi32>
        %swap3A_502 = arith.constant 2 : i32
        %swap3A_503 = arith.index_cast %swap3A_502 : i32 to index
        %swap3A_504 = arith.constant 48 : index
        %swap3A_505 = tpu.vector_load %arg7[%swap3A_503, %swap3A_504] {strides = array<i32>} : memref<3x112xi32, #tpu.memory_space<vmem>>, vector<1x16xi32>,
        %swap3A_506 = vector.shape_cast %swap3A_505 : vector<1x16xi32> to vector<16xi32>
        %swap3A_507 = vector.shape_cast %add3A_501 : vector<16xi32> to vector<1x16xi32>
        tpu.vector_store %arg7[%swap3A_503, %swap3A_504], %swap3A_507 {strides = array<i32>} : memref<3x112xi32, #tpu.memory_space<vmem>>, vector<1x16xi32>,
        %get3A_508 = arith.constant 2 : i32
        %get3A_509 = arith.constant 1 : i32
        %get3A_510 = arith.index_cast %get3A_508 : i32 to index
        %get3A_511 = arith.index_cast %get3A_509 : i32 to index
        %get3A_512 = arith.constant 48 : index
        %get3A_513 = tpu.vector_load %arg6[%get3A_510, %get3A_511, %get3A_512] {strides = array<i32>} : memref<3x2x112xi32, #tpu.memory_space<vmem>>, vector<1x1x16xi32>,
        %get3A_514 = vector.shape_cast %get3A_513 : vector<1x1x16xi32> to vector<16xi32>
        %swap3A_515 = arith.constant 2 : i32
        %swap3A_516 = arith.index_cast %swap3A_515 : i32 to index
        %swap3A_517 = arith.constant 48 : index
        %swap3A_518 = tpu.vector_load %arg8[%swap3A_516, %swap3A_517] {strides = array<i32>} : memref<3x112xi32, #tpu.memory_space<vmem>>, vector<1x16xi32>,
        %swap3A_519 = vector.shape_cast %swap3A_518 : vector<1x16xi32> to vector<16xi32>
        %swap3A_520 = vector.shape_cast %get3A_514 : vector<16xi32> to vector<1x16xi32>
        tpu.vector_store %arg8[%swap3A_516, %swap3A_517], %swap3A_520 {strides = array<i32>} : memref<3x112xi32, #tpu.memory_space<vmem>>, vector<1x16xi32>,
        %get3A_521 = arith.constant 2 : i32
        %get3A_522 = arith.constant 0 : i32
        %get3A_523 = arith.index_cast %get3A_521 : i32 to index
        %get3A_524 = arith.index_cast %get3A_522 : i32 to index
        %get3A_525 = arith.constant 64 : index
        %get3A_526 = tpu.vector_load %arg6[%get3A_523, %get3A_524, %get3A_525] {strides = array<i32>} : memref<3x2x112xi32, #tpu.memory_space<vmem>>, vector<1x1x16xi32>,
        %get3A_527 = vector.shape_cast %get3A_526 : vector<1x1x16xi32> to vector<16xi32>
        %add3A_528 = vector.broadcast %mul3A_5 : i32 to vector<16xi32>
        %add3A_529 = arith.addi %get3A_527, %add3A_528 : vector<16xi32>
        %swap3A_530 = arith.constant 2 : i32
        %swap3A_531 = arith.index_cast %swap3A_530 : i32 to index
        %swap3A_532 = arith.constant 64 : index
        %swap3A_533 = tpu.vector_load %arg7[%swap3A_531, %swap3A_532] {strides = array<i32>} : memref<3x112xi32, #tpu.memory_space<vmem>>, vector<1x16xi32>,
        %swap3A_534 = vector.shape_cast %swap3A_533 : vector<1x16xi32> to vector<16xi32>
        %swap3A_535 = vector.shape_cast %add3A_529 : vector<16xi32> to vector<1x16xi32>
        tpu.vector_store %arg7[%swap3A_531, %swap3A_532], %swap3A_535 {strides = array<i32>} : memref<3x112xi32, #tpu.memory_space<vmem>>, vector<1x16xi32>,
        %get3A_536 = arith.constant 2 : i32
        %get3A_537 = arith.constant 1 : i32
        %get3A_538 = arith.index_cast %get3A_536 : i32 to index
        %get3A_539 = arith.index_cast %get3A_537 : i32 to index
        %get3A_540 = arith.constant 64 : index
        %get3A_541 = tpu.vector_load %arg6[%get3A_538, %get3A_539, %get3A_540] {strides = array<i32>} : memref<3x2x112xi32, #tpu.memory_space<vmem>>, vector<1x1x16xi32>,
        %get3A_542 = vector.shape_cast %get3A_541 : vector<1x1x16xi32> to vector<16xi32>
        %swap3A_543 = arith.constant 2 : i32
        %swap3A_544 = arith.index_cast %swap3A_543 : i32 to index
        %swap3A_545 = arith.constant 64 : index
        %swap3A_546 = tpu.vector_load %arg8[%swap3A_544, %swap3A_545] {strides = array<i32>} : memref<3x112xi32, #tpu.memory_space<vmem>>, vector<1x16xi32>,
        %swap3A_547 = vector.shape_cast %swap3A_546 : vector<1x16xi32> to vector<16xi32>
        %swap3A_548 = vector.shape_cast %get3A_542 : vector<16xi32> to vector<1x16xi32>
        tpu.vector_store %arg8[%swap3A_544, %swap3A_545], %swap3A_548 {strides = array<i32>} : memref<3x112xi32, #tpu.memory_space<vmem>>, vector<1x16xi32>,
        %get3A_549 = arith.constant 2 : i32
        %get3A_550 = arith.constant 0 : i32
        %get3A_551 = arith.index_cast %get3A_549 : i32 to index
        %get3A_552 = arith.index_cast %get3A_550 : i32 to index
        %get3A_553 = arith.constant 80 : index
        %get3A_554 = tpu.vector_load %arg6[%get3A_551, %get3A_552, %get3A_553] {strides = array<i32>} : memref<3x2x112xi32, #tpu.memory_space<vmem>>, vector<1x1x16xi32>,
        %get3A_555 = vector.shape_cast %get3A_554 : vector<1x1x16xi32> to vector<16xi32>
        %add3A_556 = vector.broadcast %mul3A_5 : i32 to vector<16xi32>
        %add3A_557 = arith.addi %get3A_555, %add3A_556 : vector<16xi32>
        %swap3A_558 = arith.constant 2 : i32
        %swap3A_559 = arith.index_cast %swap3A_558 : i32 to index
        %swap3A_560 = arith.constant 80 : index
        %swap3A_561 = tpu.vector_load %arg7[%swap3A_559, %swap3A_560] {strides = array<i32>} : memref<3x112xi32, #tpu.memory_space<vmem>>, vector<1x16xi32>,
        %swap3A_562 = vector.shape_cast %swap3A_561 : vector<1x16xi32> to vector<16xi32>
        %swap3A_563 = vector.shape_cast %add3A_557 : vector<16xi32> to vector<1x16xi32>
        tpu.vector_store %arg7[%swap3A_559, %swap3A_560], %swap3A_563 {strides = array<i32>} : memref<3x112xi32, #tpu.memory_space<vmem>>, vector<1x16xi32>,
        %get3A_564 = arith.constant 2 : i32
        %get3A_565 = arith.constant 1 : i32
        %get3A_566 = arith.index_cast %get3A_564 : i32 to index
        %get3A_567 = arith.index_cast %get3A_565 : i32 to index
        %get3A_568 = arith.constant 80 : index
        %get3A_569 = tpu.vector_load %arg6[%get3A_566, %get3A_567, %get3A_568] {strides = array<i32>} : memref<3x2x112xi32, #tpu.memory_space<vmem>>, vector<1x1x16xi32>,
        %get3A_570 = vector.shape_cast %get3A_569 : vector<1x1x16xi32> to vector<16xi32>
        %swap3A_571 = arith.constant 2 : i32
        %swap3A_572 = arith.index_cast %swap3A_571 : i32 to index
        %swap3A_573 = arith.constant 80 : index
        %swap3A_574 = tpu.vector_load %arg8[%swap3A_572, %swap3A_573] {strides = array<i32>} : memref<3x112xi32, #tpu.memory_space<vmem>>, vector<1x16xi32>,
        %swap3A_575 = vector.shape_cast %swap3A_574 : vector<1x16xi32> to vector<16xi32>
        %swap3A_576 = vector.shape_cast %get3A_570 : vector<16xi32> to vector<1x16xi32>
        tpu.vector_store %arg8[%swap3A_572, %swap3A_573], %swap3A_576 {strides = array<i32>} : memref<3x112xi32, #tpu.memory_space<vmem>>, vector<1x16xi32>,
        %get3A_577 = arith.constant 2 : i32
        %get3A_578 = arith.constant 0 : i32
        %get3A_579 = arith.index_cast %get3A_577 : i32 to index
        %get3A_580 = arith.index_cast %get3A_578 : i32 to index
        %get3A_581 = arith.constant 96 : index
        %get3A_582 = tpu.vector_load %arg6[%get3A_579, %get3A_580, %get3A_581] {strides = array<i32>} : memref<3x2x112xi32, #tpu.memory_space<vmem>>, vector<1x1x16xi32>,
        %get3A_583 = vector.shape_cast %get3A_582 : vector<1x1x16xi32> to vector<16xi32>
        %add3A_584 = vector.broadcast %mul3A_5 : i32 to vector<16xi32>
        %add3A_585 = arith.addi %get3A_583, %add3A_584 : vector<16xi32>
        %swap3A_586 = arith.constant 2 : i32
        %swap3A_587 = arith.index_cast %swap3A_586 : i32 to index
        %swap3A_588 = arith.constant 96 : index
        %swap3A_589 = tpu.vector_load %arg7[%swap3A_587, %swap3A_588] {strides = array<i32>} : memref<3x112xi32, #tpu.memory_space<vmem>>, vector<1x16xi32>,
        %swap3A_590 = vector.shape_cast %swap3A_589 : vector<1x16xi32> to vector<16xi32>
        %swap3A_591 = vector.shape_cast %add3A_585 : vector<16xi32> to vector<1x16xi32>
        tpu.vector_store %arg7[%swap3A_587, %swap3A_588], %swap3A_591 {strides = array<i32>} : memref<3x112xi32, #tpu.memory_space<vmem>>, vector<1x16xi32>,
        %get3A_592 = arith.constant 2 : i32
        %get3A_593 = arith.constant 1 : i32
        %get3A_594 = arith.index_cast %get3A_592 : i32 to index
        %get3A_595 = arith.index_cast %get3A_593 : i32 to index
        %get3A_596 = arith.constant 96 : index
        %get3A_597 = tpu.vector_load %arg6[%get3A_594, %get3A_595, %get3A_596] {strides = array<i32>} : memref<3x2x112xi32, #tpu.memory_space<vmem>>, vector<1x1x16xi32>,
        %get3A_598 = vector.shape_cast %get3A_597 : vector<1x1x16xi32> to vector<16xi32>
        %swap3A_599 = arith.constant 2 : i32
        %swap3A_600 = arith.index_cast %swap3A_599 : i32 to index
        %swap3A_601 = arith.constant 96 : index
        %swap3A_602 = tpu.vector_load %arg8[%swap3A_600, %swap3A_601] {strides = array<i32>} : memref<3x112xi32, #tpu.memory_space<vmem>>, vector<1x16xi32>,
        %swap3A_603 = vector.shape_cast %swap3A_602 : vector<1x16xi32> to vector<16xi32>
        %swap3A_604 = vector.shape_cast %get3A_598 : vector<16xi32> to vector<1x16xi32>
        tpu.vector_store %arg8[%swap3A_600, %swap3A_601], %swap3A_604 {strides = array<i32>} : memref<3x112xi32, #tpu.memory_space<vmem>>, vector<1x16xi32>,
        %dma_start3A_605 = arith.constant 2 : i32
        %dma_start3A_606 = arith.constant 0 : i32
        %dma_start3A_607 = tpu.memref_slice %arg7[%dma_start3A_605, %dma_start3A_606] : memref<3x112xi32, #tpu.memory_space<vmem>> -> memref<1x112xi32, #tpu.memory_space<vmem>>
        %dma_start3A_608 = tpu.memref_squeeze %dma_start3A_607 : memref<1x112xi32, #tpu.memory_space<vmem>> -> memref<112xi32, #tpu.memory_space<vmem>>
        %dma_start3A_609 = arith.constant 0 : i32
        %dma_start3A_610 = arith.constant 0 : i32
        %dma_start3A_611 = tpu.memref_slice %arg2[%dma_start3A_609, %dma_start3A_610] : memref<20000x128xf32, #tpu.memory_space<hbm>> -> memref<20000x128xf32, #tpu.memory_space<hbm>>
        tpu.enqueue_indirect_dma source(%dma_start3A_611 : memref<20000x128xf32, #tpu.memory_space<hbm>>) target(%arg11 : memref<112x128xf32, #tpu.memory_space<vmem>>) offsets(%dma_start3A_608 : memref<112xi32, #tpu.memory_space<vmem>>) semaphore(%arg18 : memref<!tpu.dma_semaphore, #tpu.memory_space<semaphore_mem>>)
      } else {
      }
      %add3A_331 = arith.constant 3 : i32
      %add3A_332 = arith.addi %add3A_323, %add3A_331 : i32
      %sub3A_333 = arith.constant 1 : i32
      %sub3A_334 = arith.subi %add3A_332, %sub3A_333 : i32
      %lt3A_335 = arith.constant 90 : i32
      %lt3A_336 = arith.cmpi slt, %sub3A_334, %lt3A_335 : i32
      %convert_element_type3A_337 = arith.extui %lt3A_336 : i1 to i32
      %cond3A_338 = arith.constant 0 : i32
      %cond3A_339 = arith.cmpi ne, %convert_element_type3A_337, %cond3A_338 : i32
      scf.if %cond3A_339 {
        %add3A_386 = arith.constant 3 : i32
        %add3A_387 = arith.addi %add3A_323, %add3A_386 : i32
        %sub3A_388 = arith.constant 1 : i32
        %sub3A_389 = arith.subi %add3A_387, %sub3A_388 : i32
        %dma_start3A_390 = arith.constant 0 : i32
        %dma_start3A_391 = arith.constant 0 : i32
        %dma_start3A_392 = arith.constant 0 : i32
        %dma_start3A_393 = tpu.memref_slice %arg6[%dma_start3A_390, %dma_start3A_391, %dma_start3A_392] : memref<3x2x112xi32, #tpu.memory_space<vmem>> -> memref<1x2x112xi32, #tpu.memory_space<vmem>>
        %dma_start3A_394 = tpu.memref_squeeze %dma_start3A_393 : memref<1x2x112xi32, #tpu.memory_space<vmem>> -> memref<2x112xi32, #tpu.memory_space<vmem>>
        %dma_start3A_395 = arith.constant 0 : i32
        %dma_start3A_396 = arith.constant 0 : i32
        %dma_start3A_397 = tpu.memref_slice %arg3[%arg1, %sub3A_389, %dma_start3A_395, %dma_start3A_396] : memref<16x90x2x112xi32, #tpu.memory_space<hbm>> -> memref<1x1x2x112xi32, #tpu.memory_space<hbm>>
        %dma_start3A_398 = tpu.memref_squeeze %dma_start3A_397 : memref<1x1x2x112xi32, #tpu.memory_space<hbm>> -> memref<2x112xi32, #tpu.memory_space<hbm>>
        %dma_start3A_399 = arith.constant 0 : i32
        %dma_start3A_400 = arith.constant 0 : i32
        %dma_start3A_401 = tpu.memref_slice %arg6[%dma_start3A_390, %dma_start3A_399, %dma_start3A_400] : memref<3x2x112xi32, #tpu.memory_space<vmem>> -> memref<1x2x112xi32, #tpu.memory_space<vmem>>
        %dma_start3A_402 = tpu.memref_squeeze %dma_start3A_401 : memref<1x2x112xi32, #tpu.memory_space<vmem>> -> memref<2x112xi32, #tpu.memory_space<vmem>>
        %dma_start3A_403 = arith.constant 0 : i32
        %dma_start3A_404 = arith.constant 0 : i32
        %dma_start3A_405 = tpu.memref_slice %arg3[%arg1, %sub3A_389, %dma_start3A_403, %dma_start3A_404] : memref<16x90x2x112xi32, #tpu.memory_space<hbm>> -> memref<1x1x2x112xi32, #tpu.memory_space<hbm>>
        %dma_start3A_406 = tpu.memref_squeeze %dma_start3A_405 : memref<1x1x2x112xi32, #tpu.memory_space<hbm>> -> memref<2x112xi32, #tpu.memory_space<hbm>>
        tpu.enqueue_dma source(%dma_start3A_406 : memref<2x112xi32, #tpu.memory_space<hbm>>) target(%dma_start3A_402 : memref<2x112xi32, #tpu.memory_space<vmem>>) target_semaphore(%arg13 : memref<!tpu.dma_semaphore, #tpu.memory_space<semaphore_mem>>)
      } else {
      }
      %dma_wait3A_340 = arith.constant 1 : i32
      %dma_wait3A_341 = arith.constant 0 : i32
      %dma_wait3A_342 = tpu.memref_slice %arg7[%dma_wait3A_340, %dma_wait3A_341] : memref<3x112xi32, #tpu.memory_space<vmem>> -> memref<1x112xi32, #tpu.memory_space<vmem>>
      %dma_wait3A_343 = tpu.memref_squeeze %dma_wait3A_342 : memref<1x112xi32, #tpu.memory_space<vmem>> -> memref<112xi32, #tpu.memory_space<vmem>>
      %dma_wait3A_344 = arith.constant 0 : i32
      %dma_wait3A_345 = arith.constant 0 : i32
      %dma_wait3A_346 = tpu.memref_slice %arg2[%dma_wait3A_344, %dma_wait3A_345] : memref<20000x128xf32, #tpu.memory_space<hbm>> -> memref<20000x128xf32, #tpu.memory_space<hbm>>
      tpu.wait_indirect_dma semaphore(%arg17 : memref<!tpu.dma_semaphore, #tpu.memory_space<semaphore_mem>>) src(%dma_wait3A_346 : memref<20000x128xf32, #tpu.memory_space<hbm>>) dst(%arg10 : memref<112x128xf32, #tpu.memory_space<vmem>>)
      %dma_start3A_347 = arith.constant 1 : i32
      %dma_start3A_348 = arith.constant 0 : i32
      %dma_start3A_349 = tpu.memref_slice %arg8[%dma_start3A_347, %dma_start3A_348] : memref<3x112xi32, #tpu.memory_space<vmem>> -> memref<1x112xi32, #tpu.memory_space<vmem>>
      %dma_start3A_350 = tpu.memref_squeeze %dma_start3A_349 : memref<1x112xi32, #tpu.memory_space<vmem>> -> memref<112xi32, #tpu.memory_space<vmem>>
      %dma_start3A_351 = arith.constant 0 : i32
      %dma_start3A_352 = arith.constant 0 : i32
      %dma_start3A_353 = tpu.memref_slice %arg12[%dma_start3A_351, %dma_start3A_352] : memref<10112x128xf32, #tpu.memory_space<vmem_shared>> -> memref<10112x128xf32, #tpu.memory_space<vmem_shared>>
      tpu.enqueue_indirect_dma source(%arg10 : memref<112x128xf32, #tpu.memory_space<vmem>>) target(%dma_start3A_353 : memref<10112x128xf32, #tpu.memory_space<vmem_shared>>) offsets(%dma_start3A_350 : memref<112xi32, #tpu.memory_space<vmem>>) semaphore(%arg20 : memref<!tpu.dma_semaphore, #tpu.memory_space<semaphore_mem>>) {add = true}
      %add3A_354 = arith.constant 2 : i32
      %add3A_355 = arith.addi %add3A_293, %add3A_354 : i32
      %add3A_356 = arith.constant 1 : i32
      %add3A_357 = arith.addi %add3A_355, %add3A_356 : i32
      %lt3A_358 = arith.constant 90 : i32
      %lt3A_359 = arith.cmpi slt, %add3A_357, %lt3A_358 : i32
      %convert_element_type3A_360 = arith.extui %lt3A_359 : i1 to i32
      %cond3A_361 = arith.constant 0 : i32
      %cond3A_362 = arith.cmpi ne, %convert_element_type3A_360, %cond3A_361 : i32
      scf.if %cond3A_362 {
        %add3A_386 = arith.constant 1 : i32
        %add3A_387 = arith.addi %add3A_355, %add3A_386 : i32
        %dma_wait3A_388 = arith.constant 0 : i32
        %dma_wait3A_389 = arith.constant 0 : i32
        %dma_wait3A_390 = arith.constant 0 : i32
        %dma_wait3A_391 = tpu.memref_slice %arg6[%dma_wait3A_388, %dma_wait3A_389, %dma_wait3A_390] : memref<3x2x112xi32, #tpu.memory_space<vmem>> -> memref<1x2x112xi32, #tpu.memory_space<vmem>>
        %dma_wait3A_392 = tpu.memref_squeeze %dma_wait3A_391 : memref<1x2x112xi32, #tpu.memory_space<vmem>> -> memref<2x112xi32, #tpu.memory_space<vmem>>
        %dma_wait3A_393 = arith.constant 0 : i32
        %dma_wait3A_394 = arith.constant 0 : i32
        %dma_wait3A_395 = tpu.memref_slice %arg3[%arg1, %add3A_387, %dma_wait3A_393, %dma_wait3A_394] : memref<16x90x2x112xi32, #tpu.memory_space<hbm>> -> memref<1x1x2x112xi32, #tpu.memory_space<hbm>>
        %dma_wait3A_396 = tpu.memref_squeeze %dma_wait3A_395 : memref<1x1x2x112xi32, #tpu.memory_space<hbm>> -> memref<2x112xi32, #tpu.memory_space<hbm>>
        %dma_wait3A_397 = arith.constant 0 : i32
        %dma_wait3A_398 = arith.constant 0 : i32
        %dma_wait3A_399 = tpu.memref_slice %arg6[%dma_wait3A_388, %dma_wait3A_397, %dma_wait3A_398] : memref<3x2x112xi32, #tpu.memory_space<vmem>> -> memref<1x2x112xi32, #tpu.memory_space<vmem>>
        %dma_wait3A_400 = tpu.memref_squeeze %dma_wait3A_399 : memref<1x2x112xi32, #tpu.memory_space<vmem>> -> memref<2x112xi32, #tpu.memory_space<vmem>>
        %dma_wait3A_401 = arith.constant 0 : i32
        %dma_wait3A_402 = arith.constant 0 : i32
        %dma_wait3A_403 = tpu.memref_slice %arg3[%arg1, %add3A_387, %dma_wait3A_401, %dma_wait3A_402] : memref<16x90x2x112xi32, #tpu.memory_space<hbm>> -> memref<1x1x2x112xi32, #tpu.memory_space<hbm>>
        %dma_wait3A_404 = tpu.memref_squeeze %dma_wait3A_403 : memref<1x1x2x112xi32, #tpu.memory_space<hbm>> -> memref<2x112xi32, #tpu.memory_space<hbm>>
        tpu.wait_dma2 semaphore(%arg13 : memref<!tpu.dma_semaphore, #tpu.memory_space<semaphore_mem>>) src(%dma_wait3A_404 : memref<2x112xi32, #tpu.memory_space<hbm>>) dst(%dma_wait3A_400 : memref<2x112xi32, #tpu.memory_space<vmem>>)
        %ge3A = arith.constant 2 : i32
        %ge3A_405 = arith.cmpi sge, %add3A_355, %ge3A : i32
        %convert_element_type3A_406 = arith.extui %ge3A_405 : i1 to i32
        %cond3A_407 = arith.constant 0 : i32
        %cond3A_408 = arith.cmpi ne, %convert_element_type3A_406, %cond3A_407 : i32
        scf.if %cond3A_408 {
          %dma_wait3A_612 = arith.constant 0 : i32
          %dma_wait3A_613 = arith.constant 0 : i32
          %dma_wait3A_614 = tpu.memref_slice %arg8[%dma_wait3A_612, %dma_wait3A_613] : memref<3x112xi32, #tpu.memory_space<vmem>> -> memref<1x112xi32, #tpu.memory_space<vmem>>
          %dma_wait3A_615 = tpu.memref_squeeze %dma_wait3A_614 : memref<1x112xi32, #tpu.memory_space<vmem>> -> memref<112xi32, #tpu.memory_space<vmem>>
          %dma_wait3A_616 = arith.constant 0 : i32
          %dma_wait3A_617 = arith.constant 0 : i32
          %dma_wait3A_618 = tpu.memref_slice %arg12[%dma_wait3A_616, %dma_wait3A_617] : memref<10112x128xf32, #tpu.memory_space<vmem_shared>> -> memref<10112x128xf32, #tpu.memory_space<vmem_shared>>
          tpu.wait_indirect_dma semaphore(%arg19 : memref<!tpu.dma_semaphore, #tpu.memory_space<semaphore_mem>>) src(%arg9 : memref<112x128xf32, #tpu.memory_space<vmem>>) dst(%dma_wait3A_618 : memref<10112x128xf32, #tpu.memory_space<vmem_shared>>)
        } else {
        }
        %get3A_409 = arith.constant 0 : i32
        %get3A_410 = arith.constant 0 : i32
        %get3A_411 = arith.index_cast %get3A_409 : i32 to index
        %get3A_412 = arith.index_cast %get3A_410 : i32 to index
        %get3A_413 = arith.constant 0 : index
        %get3A_414 = tpu.vector_load %arg6[%get3A_411, %get3A_412, %get3A_413] {strides = array<i32>} : memref<3x2x112xi32, #tpu.memory_space<vmem>>, vector<1x1x16xi32>,
        %get3A_415 = vector.shape_cast %get3A_414 : vector<1x1x16xi32> to vector<16xi32>
        %add3A_416 = vector.broadcast %mul3A_5 : i32 to vector<16xi32>
        %add3A_417 = arith.addi %get3A_415, %add3A_416 : vector<16xi32>
        %swap3A_418 = arith.constant 0 : i32
        %swap3A_419 = arith.index_cast %swap3A_418 : i32 to index
        %swap3A_420 = arith.constant 0 : index
        %swap3A_421 = tpu.vector_load %arg7[%swap3A_419, %swap3A_420] {strides = array<i32>} : memref<3x112xi32, #tpu.memory_space<vmem>>, vector<1x16xi32>,
        %swap3A_422 = vector.shape_cast %swap3A_421 : vector<1x16xi32> to vector<16xi32>
        %swap3A_423 = vector.shape_cast %add3A_417 : vector<16xi32> to vector<1x16xi32>
        tpu.vector_store %arg7[%swap3A_419, %swap3A_420], %swap3A_423 {strides = array<i32>} : memref<3x112xi32, #tpu.memory_space<vmem>>, vector<1x16xi32>,
        %get3A_424 = arith.constant 0 : i32
        %get3A_425 = arith.constant 1 : i32
        %get3A_426 = arith.index_cast %get3A_424 : i32 to index
        %get3A_427 = arith.index_cast %get3A_425 : i32 to index
        %get3A_428 = arith.constant 0 : index
        %get3A_429 = tpu.vector_load %arg6[%get3A_426, %get3A_427, %get3A_428] {strides = array<i32>} : memref<3x2x112xi32, #tpu.memory_space<vmem>>, vector<1x1x16xi32>,
        %get3A_430 = vector.shape_cast %get3A_429 : vector<1x1x16xi32> to vector<16xi32>
        %swap3A_431 = arith.constant 0 : i32
        %swap3A_432 = arith.index_cast %swap3A_431 : i32 to index
        %swap3A_433 = arith.constant 0 : index
        %swap3A_434 = tpu.vector_load %arg8[%swap3A_432, %swap3A_433] {strides = array<i32>} : memref<3x112xi32, #tpu.memory_space<vmem>>, vector<1x16xi32>,
        %swap3A_435 = vector.shape_cast %swap3A_434 : vector<1x16xi32> to vector<16xi32>
        %swap3A_436 = vector.shape_cast %get3A_430 : vector<16xi32> to vector<1x16xi32>
        tpu.vector_store %arg8[%swap3A_432, %swap3A_433], %swap3A_436 {strides = array<i32>} : memref<3x112xi32, #tpu.memory_space<vmem>>, vector<1x16xi32>,
        %get3A_437 = arith.constant 0 : i32
        %get3A_438 = arith.constant 0 : i32
        %get3A_439 = arith.index_cast %get3A_437 : i32 to index
        %get3A_440 = arith.index_cast %get3A_438 : i32 to index
        %get3A_441 = arith.constant 16 : index
        %get3A_442 = tpu.vector_load %arg6[%get3A_439, %get3A_440, %get3A_441] {strides = array<i32>} : memref<3x2x112xi32, #tpu.memory_space<vmem>>, vector<1x1x16xi32>,
        %get3A_443 = vector.shape_cast %get3A_442 : vector<1x1x16xi32> to vector<16xi32>
        %add3A_444 = vector.broadcast %mul3A_5 : i32 to vector<16xi32>
        %add3A_445 = arith.addi %get3A_443, %add3A_444 : vector<16xi32>
        %swap3A_446 = arith.constant 0 : i32
        %swap3A_447 = arith.index_cast %swap3A_446 : i32 to index
        %swap3A_448 = arith.constant 16 : index
        %swap3A_449 = tpu.vector_load %arg7[%swap3A_447, %swap3A_448] {strides = array<i32>} : memref<3x112xi32, #tpu.memory_space<vmem>>, vector<1x16xi32>,
        %swap3A_450 = vector.shape_cast %swap3A_449 : vector<1x16xi32> to vector<16xi32>
        %swap3A_451 = vector.shape_cast %add3A_445 : vector<16xi32> to vector<1x16xi32>
        tpu.vector_store %arg7[%swap3A_447, %swap3A_448], %swap3A_451 {strides = array<i32>} : memref<3x112xi32, #tpu.memory_space<vmem>>, vector<1x16xi32>,
        %get3A_452 = arith.constant 0 : i32
        %get3A_453 = arith.constant 1 : i32
        %get3A_454 = arith.index_cast %get3A_452 : i32 to index
        %get3A_455 = arith.index_cast %get3A_453 : i32 to index
        %get3A_456 = arith.constant 16 : index
        %get3A_457 = tpu.vector_load %arg6[%get3A_454, %get3A_455, %get3A_456] {strides = array<i32>} : memref<3x2x112xi32, #tpu.memory_space<vmem>>, vector<1x1x16xi32>,
        %get3A_458 = vector.shape_cast %get3A_457 : vector<1x1x16xi32> to vector<16xi32>
        %swap3A_459 = arith.constant 0 : i32
        %swap3A_460 = arith.index_cast %swap3A_459 : i32 to index
        %swap3A_461 = arith.constant 16 : index
        %swap3A_462 = tpu.vector_load %arg8[%swap3A_460, %swap3A_461] {strides = array<i32>} : memref<3x112xi32, #tpu.memory_space<vmem>>, vector<1x16xi32>,
        %swap3A_463 = vector.shape_cast %swap3A_462 : vector<1x16xi32> to vector<16xi32>
        %swap3A_464 = vector.shape_cast %get3A_458 : vector<16xi32> to vector<1x16xi32>
        tpu.vector_store %arg8[%swap3A_460, %swap3A_461], %swap3A_464 {strides = array<i32>} : memref<3x112xi32, #tpu.memory_space<vmem>>, vector<1x16xi32>,
        %get3A_465 = arith.constant 0 : i32
        %get3A_466 = arith.constant 0 : i32
        %get3A_467 = arith.index_cast %get3A_465 : i32 to index
        %get3A_468 = arith.index_cast %get3A_466 : i32 to index
        %get3A_469 = arith.constant 32 : index
        %get3A_470 = tpu.vector_load %arg6[%get3A_467, %get3A_468, %get3A_469] {strides = array<i32>} : memref<3x2x112xi32, #tpu.memory_space<vmem>>, vector<1x1x16xi32>,
        %get3A_471 = vector.shape_cast %get3A_470 : vector<1x1x16xi32> to vector<16xi32>
        %add3A_472 = vector.broadcast %mul3A_5 : i32 to vector<16xi32>
        %add3A_473 = arith.addi %get3A_471, %add3A_472 : vector<16xi32>
        %swap3A_474 = arith.constant 0 : i32
        %swap3A_475 = arith.index_cast %swap3A_474 : i32 to index
        %swap3A_476 = arith.constant 32 : index
        %swap3A_477 = tpu.vector_load %arg7[%swap3A_475, %swap3A_476] {strides = array<i32>} : memref<3x112xi32, #tpu.memory_space<vmem>>, vector<1x16xi32>,
        %swap3A_478 = vector.shape_cast %swap3A_477 : vector<1x16xi32> to vector<16xi32>
        %swap3A_479 = vector.shape_cast %add3A_473 : vector<16xi32> to vector<1x16xi32>
        tpu.vector_store %arg7[%swap3A_475, %swap3A_476], %swap3A_479 {strides = array<i32>} : memref<3x112xi32, #tpu.memory_space<vmem>>, vector<1x16xi32>,
        %get3A_480 = arith.constant 0 : i32
        %get3A_481 = arith.constant 1 : i32
        %get3A_482 = arith.index_cast %get3A_480 : i32 to index
        %get3A_483 = arith.index_cast %get3A_481 : i32 to index
        %get3A_484 = arith.constant 32 : index
        %get3A_485 = tpu.vector_load %arg6[%get3A_482, %get3A_483, %get3A_484] {strides = array<i32>} : memref<3x2x112xi32, #tpu.memory_space<vmem>>, vector<1x1x16xi32>,
        %get3A_486 = vector.shape_cast %get3A_485 : vector<1x1x16xi32> to vector<16xi32>
        %swap3A_487 = arith.constant 0 : i32
        %swap3A_488 = arith.index_cast %swap3A_487 : i32 to index
        %swap3A_489 = arith.constant 32 : index
        %swap3A_490 = tpu.vector_load %arg8[%swap3A_488, %swap3A_489] {strides = array<i32>} : memref<3x112xi32, #tpu.memory_space<vmem>>, vector<1x16xi32>,
        %swap3A_491 = vector.shape_cast %swap3A_490 : vector<1x16xi32> to vector<16xi32>
        %swap3A_492 = vector.shape_cast %get3A_486 : vector<16xi32> to vector<1x16xi32>
        tpu.vector_store %arg8[%swap3A_488, %swap3A_489], %swap3A_492 {strides = array<i32>} : memref<3x112xi32, #tpu.memory_space<vmem>>, vector<1x16xi32>,
        %get3A_493 = arith.constant 0 : i32
        %get3A_494 = arith.constant 0 : i32
        %get3A_495 = arith.index_cast %get3A_493 : i32 to index
        %get3A_496 = arith.index_cast %get3A_494 : i32 to index
        %get3A_497 = arith.constant 48 : index
        %get3A_498 = tpu.vector_load %arg6[%get3A_495, %get3A_496, %get3A_497] {strides = array<i32>} : memref<3x2x112xi32, #tpu.memory_space<vmem>>, vector<1x1x16xi32>,
        %get3A_499 = vector.shape_cast %get3A_498 : vector<1x1x16xi32> to vector<16xi32>
        %add3A_500 = vector.broadcast %mul3A_5 : i32 to vector<16xi32>
        %add3A_501 = arith.addi %get3A_499, %add3A_500 : vector<16xi32>
        %swap3A_502 = arith.constant 0 : i32
        %swap3A_503 = arith.index_cast %swap3A_502 : i32 to index
        %swap3A_504 = arith.constant 48 : index
        %swap3A_505 = tpu.vector_load %arg7[%swap3A_503, %swap3A_504] {strides = array<i32>} : memref<3x112xi32, #tpu.memory_space<vmem>>, vector<1x16xi32>,
        %swap3A_506 = vector.shape_cast %swap3A_505 : vector<1x16xi32> to vector<16xi32>
        %swap3A_507 = vector.shape_cast %add3A_501 : vector<16xi32> to vector<1x16xi32>
        tpu.vector_store %arg7[%swap3A_503, %swap3A_504], %swap3A_507 {strides = array<i32>} : memref<3x112xi32, #tpu.memory_space<vmem>>, vector<1x16xi32>,
        %get3A_508 = arith.constant 0 : i32
        %get3A_509 = arith.constant 1 : i32
        %get3A_510 = arith.index_cast %get3A_508 : i32 to index
        %get3A_511 = arith.index_cast %get3A_509 : i32 to index
        %get3A_512 = arith.constant 48 : index
        %get3A_513 = tpu.vector_load %arg6[%get3A_510, %get3A_511, %get3A_512] {strides = array<i32>} : memref<3x2x112xi32, #tpu.memory_space<vmem>>, vector<1x1x16xi32>,
        %get3A_514 = vector.shape_cast %get3A_513 : vector<1x1x16xi32> to vector<16xi32>
        %swap3A_515 = arith.constant 0 : i32
        %swap3A_516 = arith.index_cast %swap3A_515 : i32 to index
        %swap3A_517 = arith.constant 48 : index
        %swap3A_518 = tpu.vector_load %arg8[%swap3A_516, %swap3A_517] {strides = array<i32>} : memref<3x112xi32, #tpu.memory_space<vmem>>, vector<1x16xi32>,
        %swap3A_519 = vector.shape_cast %swap3A_518 : vector<1x16xi32> to vector<16xi32>
        %swap3A_520 = vector.shape_cast %get3A_514 : vector<16xi32> to vector<1x16xi32>
        tpu.vector_store %arg8[%swap3A_516, %swap3A_517], %swap3A_520 {strides = array<i32>} : memref<3x112xi32, #tpu.memory_space<vmem>>, vector<1x16xi32>,
        %get3A_521 = arith.constant 0 : i32
        %get3A_522 = arith.constant 0 : i32
        %get3A_523 = arith.index_cast %get3A_521 : i32 to index
        %get3A_524 = arith.index_cast %get3A_522 : i32 to index
        %get3A_525 = arith.constant 64 : index
        %get3A_526 = tpu.vector_load %arg6[%get3A_523, %get3A_524, %get3A_525] {strides = array<i32>} : memref<3x2x112xi32, #tpu.memory_space<vmem>>, vector<1x1x16xi32>,
        %get3A_527 = vector.shape_cast %get3A_526 : vector<1x1x16xi32> to vector<16xi32>
        %add3A_528 = vector.broadcast %mul3A_5 : i32 to vector<16xi32>
        %add3A_529 = arith.addi %get3A_527, %add3A_528 : vector<16xi32>
        %swap3A_530 = arith.constant 0 : i32
        %swap3A_531 = arith.index_cast %swap3A_530 : i32 to index
        %swap3A_532 = arith.constant 64 : index
        %swap3A_533 = tpu.vector_load %arg7[%swap3A_531, %swap3A_532] {strides = array<i32>} : memref<3x112xi32, #tpu.memory_space<vmem>>, vector<1x16xi32>,
        %swap3A_534 = vector.shape_cast %swap3A_533 : vector<1x16xi32> to vector<16xi32>
        %swap3A_535 = vector.shape_cast %add3A_529 : vector<16xi32> to vector<1x16xi32>
        tpu.vector_store %arg7[%swap3A_531, %swap3A_532], %swap3A_535 {strides = array<i32>} : memref<3x112xi32, #tpu.memory_space<vmem>>, vector<1x16xi32>,
        %get3A_536 = arith.constant 0 : i32
        %get3A_537 = arith.constant 1 : i32
        %get3A_538 = arith.index_cast %get3A_536 : i32 to index
        %get3A_539 = arith.index_cast %get3A_537 : i32 to index
        %get3A_540 = arith.constant 64 : index
        %get3A_541 = tpu.vector_load %arg6[%get3A_538, %get3A_539, %get3A_540] {strides = array<i32>} : memref<3x2x112xi32, #tpu.memory_space<vmem>>, vector<1x1x16xi32>,
        %get3A_542 = vector.shape_cast %get3A_541 : vector<1x1x16xi32> to vector<16xi32>
        %swap3A_543 = arith.constant 0 : i32
        %swap3A_544 = arith.index_cast %swap3A_543 : i32 to index
        %swap3A_545 = arith.constant 64 : index
        %swap3A_546 = tpu.vector_load %arg8[%swap3A_544, %swap3A_545] {strides = array<i32>} : memref<3x112xi32, #tpu.memory_space<vmem>>, vector<1x16xi32>,
        %swap3A_547 = vector.shape_cast %swap3A_546 : vector<1x16xi32> to vector<16xi32>
        %swap3A_548 = vector.shape_cast %get3A_542 : vector<16xi32> to vector<1x16xi32>
        tpu.vector_store %arg8[%swap3A_544, %swap3A_545], %swap3A_548 {strides = array<i32>} : memref<3x112xi32, #tpu.memory_space<vmem>>, vector<1x16xi32>,
        %get3A_549 = arith.constant 0 : i32
        %get3A_550 = arith.constant 0 : i32
        %get3A_551 = arith.index_cast %get3A_549 : i32 to index
        %get3A_552 = arith.index_cast %get3A_550 : i32 to index
        %get3A_553 = arith.constant 80 : index
        %get3A_554 = tpu.vector_load %arg6[%get3A_551, %get3A_552, %get3A_553] {strides = array<i32>} : memref<3x2x112xi32, #tpu.memory_space<vmem>>, vector<1x1x16xi32>,
        %get3A_555 = vector.shape_cast %get3A_554 : vector<1x1x16xi32> to vector<16xi32>
        %add3A_556 = vector.broadcast %mul3A_5 : i32 to vector<16xi32>
        %add3A_557 = arith.addi %get3A_555, %add3A_556 : vector<16xi32>
        %swap3A_558 = arith.constant 0 : i32
        %swap3A_559 = arith.index_cast %swap3A_558 : i32 to index
        %swap3A_560 = arith.constant 80 : index
        %swap3A_561 = tpu.vector_load %arg7[%swap3A_559, %swap3A_560] {strides = array<i32>} : memref<3x112xi32, #tpu.memory_space<vmem>>, vector<1x16xi32>,
        %swap3A_562 = vector.shape_cast %swap3A_561 : vector<1x16xi32> to vector<16xi32>
        %swap3A_563 = vector.shape_cast %add3A_557 : vector<16xi32> to vector<1x16xi32>
        tpu.vector_store %arg7[%swap3A_559, %swap3A_560], %swap3A_563 {strides = array<i32>} : memref<3x112xi32, #tpu.memory_space<vmem>>, vector<1x16xi32>,
        %get3A_564 = arith.constant 0 : i32
        %get3A_565 = arith.constant 1 : i32
        %get3A_566 = arith.index_cast %get3A_564 : i32 to index
        %get3A_567 = arith.index_cast %get3A_565 : i32 to index
        %get3A_568 = arith.constant 80 : index
        %get3A_569 = tpu.vector_load %arg6[%get3A_566, %get3A_567, %get3A_568] {strides = array<i32>} : memref<3x2x112xi32, #tpu.memory_space<vmem>>, vector<1x1x16xi32>,
        %get3A_570 = vector.shape_cast %get3A_569 : vector<1x1x16xi32> to vector<16xi32>
        %swap3A_571 = arith.constant 0 : i32
        %swap3A_572 = arith.index_cast %swap3A_571 : i32 to index
        %swap3A_573 = arith.constant 80 : index
        %swap3A_574 = tpu.vector_load %arg8[%swap3A_572, %swap3A_573] {strides = array<i32>} : memref<3x112xi32, #tpu.memory_space<vmem>>, vector<1x16xi32>,
        %swap3A_575 = vector.shape_cast %swap3A_574 : vector<1x16xi32> to vector<16xi32>
        %swap3A_576 = vector.shape_cast %get3A_570 : vector<16xi32> to vector<1x16xi32>
        tpu.vector_store %arg8[%swap3A_572, %swap3A_573], %swap3A_576 {strides = array<i32>} : memref<3x112xi32, #tpu.memory_space<vmem>>, vector<1x16xi32>,
        %get3A_577 = arith.constant 0 : i32
        %get3A_578 = arith.constant 0 : i32
        %get3A_579 = arith.index_cast %get3A_577 : i32 to index
        %get3A_580 = arith.index_cast %get3A_578 : i32 to index
        %get3A_581 = arith.constant 96 : index
        %get3A_582 = tpu.vector_load %arg6[%get3A_579, %get3A_580, %get3A_581] {strides = array<i32>} : memref<3x2x112xi32, #tpu.memory_space<vmem>>, vector<1x1x16xi32>,
        %get3A_583 = vector.shape_cast %get3A_582 : vector<1x1x16xi32> to vector<16xi32>
        %add3A_584 = vector.broadcast %mul3A_5 : i32 to vector<16xi32>
        %add3A_585 = arith.addi %get3A_583, %add3A_584 : vector<16xi32>
        %swap3A_586 = arith.constant 0 : i32
        %swap3A_587 = arith.index_cast %swap3A_586 : i32 to index
        %swap3A_588 = arith.constant 96 : index
        %swap3A_589 = tpu.vector_load %arg7[%swap3A_587, %swap3A_588] {strides = array<i32>} : memref<3x112xi32, #tpu.memory_space<vmem>>, vector<1x16xi32>,
        %swap3A_590 = vector.shape_cast %swap3A_589 : vector<1x16xi32> to vector<16xi32>
        %swap3A_591 = vector.shape_cast %add3A_585 : vector<16xi32> to vector<1x16xi32>
        tpu.vector_store %arg7[%swap3A_587, %swap3A_588], %swap3A_591 {strides = array<i32>} : memref<3x112xi32, #tpu.memory_space<vmem>>, vector<1x16xi32>,
        %get3A_592 = arith.constant 0 : i32
        %get3A_593 = arith.constant 1 : i32
        %get3A_594 = arith.index_cast %get3A_592 : i32 to index
        %get3A_595 = arith.index_cast %get3A_593 : i32 to index
        %get3A_596 = arith.constant 96 : index
        %get3A_597 = tpu.vector_load %arg6[%get3A_594, %get3A_595, %get3A_596] {strides = array<i32>} : memref<3x2x112xi32, #tpu.memory_space<vmem>>, vector<1x1x16xi32>,
        %get3A_598 = vector.shape_cast %get3A_597 : vector<1x1x16xi32> to vector<16xi32>
        %swap3A_599 = arith.constant 0 : i32
        %swap3A_600 = arith.index_cast %swap3A_599 : i32 to index
        %swap3A_601 = arith.constant 96 : index
        %swap3A_602 = tpu.vector_load %arg8[%swap3A_600, %swap3A_601] {strides = array<i32>} : memref<3x112xi32, #tpu.memory_space<vmem>>, vector<1x16xi32>,
        %swap3A_603 = vector.shape_cast %swap3A_602 : vector<1x16xi32> to vector<16xi32>
        %swap3A_604 = vector.shape_cast %get3A_598 : vector<16xi32> to vector<1x16xi32>
        tpu.vector_store %arg8[%swap3A_600, %swap3A_601], %swap3A_604 {strides = array<i32>} : memref<3x112xi32, #tpu.memory_space<vmem>>, vector<1x16xi32>,
        %dma_start3A_605 = arith.constant 0 : i32
        %dma_start3A_606 = arith.constant 0 : i32
        %dma_start3A_607 = tpu.memref_slice %arg7[%dma_start3A_605, %dma_start3A_606] : memref<3x112xi32, #tpu.memory_space<vmem>> -> memref<1x112xi32, #tpu.memory_space<vmem>>
        %dma_start3A_608 = tpu.memref_squeeze %dma_start3A_607 : memref<1x112xi32, #tpu.memory_space<vmem>> -> memref<112xi32, #tpu.memory_space<vmem>>
        %dma_start3A_609 = arith.constant 0 : i32
        %dma_start3A_610 = arith.constant 0 : i32
        %dma_start3A_611 = tpu.memref_slice %arg2[%dma_start3A_609, %dma_start3A_610] : memref<20000x128xf32, #tpu.memory_space<hbm>> -> memref<20000x128xf32, #tpu.memory_space<hbm>>
        tpu.enqueue_indirect_dma source(%dma_start3A_611 : memref<20000x128xf32, #tpu.memory_space<hbm>>) target(%arg9 : memref<112x128xf32, #tpu.memory_space<vmem>>) offsets(%dma_start3A_608 : memref<112xi32, #tpu.memory_space<vmem>>) semaphore(%arg16 : memref<!tpu.dma_semaphore, #tpu.memory_space<semaphore_mem>>)
      } else {
      }
      %add3A_363 = arith.constant 3 : i32
      %add3A_364 = arith.addi %add3A_355, %add3A_363 : i32
      %sub3A_365 = arith.constant 1 : i32
      %sub3A_366 = arith.subi %add3A_364, %sub3A_365 : i32
      %lt3A_367 = arith.constant 90 : i32
      %lt3A_368 = arith.cmpi slt, %sub3A_366, %lt3A_367 : i32
      %convert_element_type3A_369 = arith.extui %lt3A_368 : i1 to i32
      %cond3A_370 = arith.constant 0 : i32
      %cond3A_371 = arith.cmpi ne, %convert_element_type3A_369, %cond3A_370 : i32
      scf.if %cond3A_371 {
        %add3A_386 = arith.constant 3 : i32
        %add3A_387 = arith.addi %add3A_355, %add3A_386 : i32
        %sub3A_388 = arith.constant 1 : i32
        %sub3A_389 = arith.subi %add3A_387, %sub3A_388 : i32
        %dma_start3A_390 = arith.constant 1 : i32
        %dma_start3A_391 = arith.constant 0 : i32
        %dma_start3A_392 = arith.constant 0 : i32
        %dma_start3A_393 = tpu.memref_slice %arg6[%dma_start3A_390, %dma_start3A_391, %dma_start3A_392] : memref<3x2x112xi32, #tpu.memory_space<vmem>> -> memref<1x2x112xi32, #tpu.memory_space<vmem>>
        %dma_start3A_394 = tpu.memref_squeeze %dma_start3A_393 : memref<1x2x112xi32, #tpu.memory_space<vmem>> -> memref<2x112xi32, #tpu.memory_space<vmem>>
        %dma_start3A_395 = arith.constant 0 : i32
        %dma_start3A_396 = arith.constant 0 : i32
        %dma_start3A_397 = tpu.memref_slice %arg3[%arg1, %sub3A_389, %dma_start3A_395, %dma_start3A_396] : memref<16x90x2x112xi32, #tpu.memory_space<hbm>> -> memref<1x1x2x112xi32, #tpu.memory_space<hbm>>
        %dma_start3A_398 = tpu.memref_squeeze %dma_start3A_397 : memref<1x1x2x112xi32, #tpu.memory_space<hbm>> -> memref<2x112xi32, #tpu.memory_space<hbm>>
        %dma_start3A_399 = arith.constant 0 : i32
        %dma_start3A_400 = arith.constant 0 : i32
        %dma_start3A_401 = tpu.memref_slice %arg6[%dma_start3A_390, %dma_start3A_399, %dma_start3A_400] : memref<3x2x112xi32, #tpu.memory_space<vmem>> -> memref<1x2x112xi32, #tpu.memory_space<vmem>>
        %dma_start3A_402 = tpu.memref_squeeze %dma_start3A_401 : memref<1x2x112xi32, #tpu.memory_space<vmem>> -> memref<2x112xi32, #tpu.memory_space<vmem>>
        %dma_start3A_403 = arith.constant 0 : i32
        %dma_start3A_404 = arith.constant 0 : i32
        %dma_start3A_405 = tpu.memref_slice %arg3[%arg1, %sub3A_389, %dma_start3A_403, %dma_start3A_404] : memref<16x90x2x112xi32, #tpu.memory_space<hbm>> -> memref<1x1x2x112xi32, #tpu.memory_space<hbm>>
        %dma_start3A_406 = tpu.memref_squeeze %dma_start3A_405 : memref<1x1x2x112xi32, #tpu.memory_space<hbm>> -> memref<2x112xi32, #tpu.memory_space<hbm>>
        tpu.enqueue_dma source(%dma_start3A_406 : memref<2x112xi32, #tpu.memory_space<hbm>>) target(%dma_start3A_402 : memref<2x112xi32, #tpu.memory_space<vmem>>) target_semaphore(%arg14 : memref<!tpu.dma_semaphore, #tpu.memory_space<semaphore_mem>>)
      } else {
      }
      %dma_wait3A_372 = arith.constant 2 : i32
      %dma_wait3A_373 = arith.constant 0 : i32
      %dma_wait3A_374 = tpu.memref_slice %arg7[%dma_wait3A_372, %dma_wait3A_373] : memref<3x112xi32, #tpu.memory_space<vmem>> -> memref<1x112xi32, #tpu.memory_space<vmem>>
      %dma_wait3A_375 = tpu.memref_squeeze %dma_wait3A_374 : memref<1x112xi32, #tpu.memory_space<vmem>> -> memref<112xi32, #tpu.memory_space<vmem>>
      %dma_wait3A_376 = arith.constant 0 : i32
      %dma_wait3A_377 = arith.constant 0 : i32
      %dma_wait3A_378 = tpu.memref_slice %arg2[%dma_wait3A_376, %dma_wait3A_377] : memref<20000x128xf32, #tpu.memory_space<hbm>> -> memref<20000x128xf32, #tpu.memory_space<hbm>>
      tpu.wait_indirect_dma semaphore(%arg18 : memref<!tpu.dma_semaphore, #tpu.memory_space<semaphore_mem>>) src(%dma_wait3A_378 : memref<20000x128xf32, #tpu.memory_space<hbm>>) dst(%arg11 : memref<112x128xf32, #tpu.memory_space<vmem>>)
      %dma_start3A_379 = arith.constant 2 : i32
      %dma_start3A_380 = arith.constant 0 : i32
      %dma_start3A_381 = tpu.memref_slice %arg8[%dma_start3A_379, %dma_start3A_380] : memref<3x112xi32, #tpu.memory_space<vmem>> -> memref<1x112xi32, #tpu.memory_space<vmem>>
      %dma_start3A_382 = tpu.memref_squeeze %dma_start3A_381 : memref<1x112xi32, #tpu.memory_space<vmem>> -> memref<112xi32, #tpu.memory_space<vmem>>
      %dma_start3A_383 = arith.constant 0 : i32
      %dma_start3A_384 = arith.constant 0 : i32
      %dma_start3A_385 = tpu.memref_slice %arg12[%dma_start3A_383, %dma_start3A_384] : memref<10112x128xf32, #tpu.memory_space<vmem_shared>> -> memref<10112x128xf32, #tpu.memory_space<vmem_shared>>
      tpu.enqueue_indirect_dma source(%arg11 : memref<112x128xf32, #tpu.memory_space<vmem>>) target(%dma_start3A_385 : memref<10112x128xf32, #tpu.memory_space<vmem_shared>>) offsets(%dma_start3A_382 : memref<112xi32, #tpu.memory_space<vmem>>) semaphore(%arg21 : memref<!tpu.dma_semaphore, #tpu.memory_space<semaphore_mem>>) {add = true}
    }
    %scan3A_262 = arith.constant 30 : i32
    %dma_wait3A_263 = arith.constant 0 : i32
    %dma_wait3A_264 = arith.constant 0 : i32
    %dma_wait3A_265 = tpu.memref_slice %arg8[%dma_wait3A_263, %dma_wait3A_264] : memref<3x112xi32, #tpu.memory_space<vmem>> -> memref<1x112xi32, #tpu.memory_space<vmem>>
    %dma_wait3A_266 = tpu.memref_squeeze %dma_wait3A_265 : memref<1x112xi32, #tpu.memory_space<vmem>> -> memref<112xi32, #tpu.memory_space<vmem>>
    %dma_wait3A_267 = arith.constant 0 : i32
    %dma_wait3A_268 = arith.constant 0 : i32
    %dma_wait3A_269 = tpu.memref_slice %arg12[%dma_wait3A_267, %dma_wait3A_268] : memref<10112x128xf32, #tpu.memory_space<vmem_shared>> -> memref<10112x128xf32, #tpu.memory_space<vmem_shared>>
    tpu.wait_indirect_dma semaphore(%arg19 : memref<!tpu.dma_semaphore, #tpu.memory_space<semaphore_mem>>) src(%arg9 : memref<112x128xf32, #tpu.memory_space<vmem>>) dst(%dma_wait3A_269 : memref<10112x128xf32, #tpu.memory_space<vmem_shared>>)
    %dma_wait3A_270 = arith.constant 1 : i32
    %dma_wait3A_271 = arith.constant 0 : i32
    %dma_wait3A_272 = tpu.memref_slice %arg8[%dma_wait3A_270, %dma_wait3A_271] : memref<3x112xi32, #tpu.memory_space<vmem>> -> memref<1x112xi32, #tpu.memory_space<vmem>>
    %dma_wait3A_273 = tpu.memref_squeeze %dma_wait3A_272 : memref<1x112xi32, #tpu.memory_space<vmem>> -> memref<112xi32, #tpu.memory_space<vmem>>
    %dma_wait3A_274 = arith.constant 0 : i32
    %dma_wait3A_275 = arith.constant 0 : i32
    %dma_wait3A_276 = tpu.memref_slice %arg12[%dma_wait3A_274, %dma_wait3A_275] : memref<10112x128xf32, #tpu.memory_space<vmem_shared>> -> memref<10112x128xf32, #tpu.memory_space<vmem_shared>>
    tpu.wait_indirect_dma semaphore(%arg20 : memref<!tpu.dma_semaphore, #tpu.memory_space<semaphore_mem>>) src(%arg10 : memref<112x128xf32, #tpu.memory_space<vmem>>) dst(%dma_wait3A_276 : memref<10112x128xf32, #tpu.memory_space<vmem_shared>>)
    %dma_wait3A_277 = arith.constant 2 : i32
    %dma_wait3A_278 = arith.constant 0 : i32
    %dma_wait3A_279 = tpu.memref_slice %arg8[%dma_wait3A_277, %dma_wait3A_278] : memref<3x112xi32, #tpu.memory_space<vmem>> -> memref<1x112xi32, #tpu.memory_space<vmem>>
    %dma_wait3A_280 = tpu.memref_squeeze %dma_wait3A_279 : memref<1x112xi32, #tpu.memory_space<vmem>> -> memref<112xi32, #tpu.memory_space<vmem>>
    %dma_wait3A_281 = arith.constant 0 : i32
    %dma_wait3A_282 = arith.constant 0 : i32
    %dma_wait3A_283 = tpu.memref_slice %arg12[%dma_wait3A_281, %dma_wait3A_282] : memref<10112x128xf32, #tpu.memory_space<vmem_shared>> -> memref<10112x128xf32, #tpu.memory_space<vmem_shared>>
    tpu.wait_indirect_dma semaphore(%arg21 : memref<!tpu.dma_semaphore, #tpu.memory_space<semaphore_mem>>) src(%arg11 : memref<112x128xf32, #tpu.memory_space<vmem>>) dst(%dma_wait3A_283 : memref<10112x128xf32, #tpu.memory_space<vmem_shared>>)
    %barrier3A_284 = arith.constant 0 : index
    tpu.barrier barrier_id(%barrier3A_284)
    %mul3A_285 = arith.constant 632 : i32
    %mul3A_286 = arith.muli %arg1, %mul3A_285 : i32
    %mul3A_287 = arith.constant 632 : i32
    %mul3A_288 = arith.muli %arg1, %mul3A_287 : i32
    "tpu.region"() ({
      %run_scoped3A = tpu.sem_alloc : memref<!tpu.dma_semaphore, #tpu.memory_space<semaphore_mem>>
      %dma_start3A_289 = arith.constant 0 : i32
      %dma_start3A_290 = tpu.memref_slice %arg5[%add3A_1, %mul3A_288, %dma_start3A_289] : memref<2x10112x128xf32, #tpu.memory_space<hbm>> -> memref<1x632x128xf32, #tpu.memory_space<hbm>>
      %dma_start3A_291 = tpu.memref_squeeze %dma_start3A_290 : memref<1x632x128xf32, #tpu.memory_space<hbm>> -> memref<632x128xf32, #tpu.memory_space<hbm>>
      %dma_start3A_292 = arith.constant 0 : i32
      %dma_start3A_293 = tpu.memref_slice %arg12[%mul3A_286, %dma_start3A_292] : memref<10112x128xf32, #tpu.memory_space<vmem_shared>> -> memref<632x128xf32, #tpu.memory_space<vmem_shared>>
      tpu.enqueue_dma source(%dma_start3A_293 : memref<632x128xf32, #tpu.memory_space<vmem_shared>>) target(%dma_start3A_291 : memref<632x128xf32, #tpu.memory_space<hbm>>) target_semaphore(%run_scoped3A : memref<!tpu.dma_semaphore, #tpu.memory_space<semaphore_mem>>)
      %dma_wait3A_294 = arith.constant 0 : i32
      %dma_wait3A_295 = tpu.memref_slice %arg5[%add3A_1, %mul3A_288, %dma_wait3A_294] : memref<2x10112x128xf32, #tpu.memory_space<hbm>> -> memref<1x632x128xf32, #tpu.memory_space<hbm>>
      %dma_wait3A_296 = tpu.memref_squeeze %dma_wait3A_295 : memref<1x632x128xf32, #tpu.memory_space<hbm>> -> memref<632x128xf32, #tpu.memory_space<hbm>>
      %dma_wait3A_297 = arith.constant 0 : i32
      %dma_wait3A_298 = tpu.memref_slice %arg12[%mul3A_286, %dma_wait3A_297] : memref<10112x128xf32, #tpu.memory_space<vmem_shared>> -> memref<632x128xf32, #tpu.memory_space<vmem_shared>>
      tpu.wait_dma2 semaphore(%run_scoped3A : memref<!tpu.dma_semaphore, #tpu.memory_space<semaphore_mem>>) src(%dma_wait3A_298 : memref<632x128xf32, #tpu.memory_space<vmem_shared>>) dst(%dma_wait3A_296 : memref<632x128xf32, #tpu.memory_space<hbm>>)
      tpu.yield
    }) : () -> ()
    return
  }
}

#map = affine_map<(d0, d1) -> (0, 0)>
#map1 = affine_map<(d0, d1) -> (0, 0, 0, 0)>
#map2 = affine_map<(d0, d1) -> (0, 0, 0)>
module attributes {stable_mosaic.version = 14 : i64} {
  func.func @segsum(%arg0: i32, %arg1: i32, %arg2: memref<20000x128xf32, #tpu.memory_space<hbm>>, %arg3: memref<16x90x2x112xi32, #tpu.memory_space<hbm>>, %arg4: memref<632x128xf32, #tpu.memory_space<hbm>>, %arg5: memref<2x10112x128xf32, #tpu.memory_space<hbm>>, %arg6: memref<3x2x112xi32, #tpu.memory_space<vmem>>, %arg7: memref<3x112xi32, #tpu.memory_space<vmem>>, %arg8: memref<3x112xi32, #tpu.memory_space<vmem>>, %arg9: memref<112x128xf32, #tpu.memory_space<vmem>>, %arg10: memref<112x128xf32, #tpu.memory_space<vmem>>, %arg11: memref<112x128xf32, #tpu.memory_space<vmem>>, %arg12: memref<10112x128xf32, #tpu.memory_space<vmem_shared>>, %arg13: memref<!tpu.dma_semaphore, #tpu.memory_space<semaphore_mem>>, %arg14: memref<!tpu.dma_semaphore, #tpu.memory_space<semaphore_mem>>, %arg15: memref<!tpu.dma_semaphore, #tpu.memory_space<semaphore_mem>>, %arg16: memref<!tpu.dma_semaphore, #tpu.memory_space<semaphore_mem>>, %arg17: memref<!tpu.dma_semaphore, #tpu.memory_space<semaphore_mem>>, %arg18: memref<!tpu.dma_semaphore, #tpu.memory_space<semaphore_mem>>, %arg19: memref<!tpu.dma_semaphore, #tpu.memory_space<semaphore_mem>>, %arg20: memref<!tpu.dma_semaphore, #tpu.memory_space<semaphore_mem>>, %arg21: memref<!tpu.dma_semaphore, #tpu.memory_space<semaphore_mem>>) attributes {dimension_semantics = [#tpu.dimension_semantics<core_parallel>, #tpu.dimension_semantics<subcore_parallel>], iteration_bounds = array<i64: 2, 16>, scalar_prefetch = 0 : i64, scratch_operands = 16 : i64, tpu.core_type = #tpu.core_type<sc_vector_subcore>, window_params = [{transform_indices = #map}, {transform_indices = #map1}, {transform_indices = #map}, {transform_indices = #map2}]} {
    %mul3A = arith.constant 1 : i32
    %mul3A_0 = arith.muli %arg0, %mul3A : i32
    %add3A = arith.constant 0 : i32
    %add3A_1 = arith.addi %mul3A_0, %add3A : i32
    %mul3A_2 = arith.constant 632 : i32
    %mul3A_3 = arith.muli %arg1, %mul3A_2 : i32
    "tpu.region"() ({
      %run_scoped3A = tpu.sem_alloc : memref<!tpu.dma_semaphore, #tpu.memory_space<semaphore_mem>>
      %dma_start3A_289 = arith.constant 0 : i32
      %dma_start3A_290 = tpu.memref_slice %arg12[%mul3A_3, %dma_start3A_289] : memref<10112x128xf32, #tpu.memory_space<vmem_shared>> -> memref<632x128xf32, #tpu.memory_space<vmem_shared>>
      tpu.enqueue_dma source(%arg4 : memref<632x128xf32, #tpu.memory_space<hbm>>) target(%dma_start3A_290 : memref<632x128xf32, #tpu.memory_space<vmem_shared>>) target_semaphore(%run_scoped3A : memref<!tpu.dma_semaphore, #tpu.memory_space<semaphore_mem>>)
      %dma_wait3A_291 = arith.constant 0 : i32
      %dma_wait3A_292 = tpu.memref_slice %arg12[%mul3A_3, %dma_wait3A_291] : memref<10112x128xf32, #tpu.memory_space<vmem_shared>> -> memref<632x128xf32, #tpu.memory_space<vmem_shared>>
      tpu.wait_dma2 semaphore(%run_scoped3A : memref<!tpu.dma_semaphore, #tpu.memory_space<semaphore_mem>>) src(%arg4 : memref<632x128xf32, #tpu.memory_space<hbm>>) dst(%dma_wait3A_292 : memref<632x128xf32, #tpu.memory_space<vmem_shared>>)
      tpu.yield
    }) : () -> ()
    %mul3A_4 = arith.constant 10000 : i32
    %mul3A_5 = arith.muli %add3A_1, %mul3A_4 : i32
    %barrier3A = arith.constant 0 : index
    tpu.barrier barrier_id(%barrier3A)
    %dma_start3A = arith.constant 0 : i32
    %dma_start3A_6 = arith.constant 0 : i32
    %dma_start3A_7 = arith.constant 0 : i32
    %dma_start3A_8 = arith.constant 0 : i32
    %dma_start3A_9 = tpu.memref_slice %arg6[%dma_start3A_6, %dma_start3A_7, %dma_start3A_8] : memref<3x2x112xi32, #tpu.memory_space<vmem>> -> memref<1x2x112xi32, #tpu.memory_space<vmem>>
    %dma_start3A_10 = tpu.memref_squeeze %dma_start3A_9 : memref<1x2x112xi32, #tpu.memory_space<vmem>> -> memref<2x112xi32, #tpu.memory_space<vmem>>
    %dma_start3A_11 = arith.constant 0 : i32
    %dma_start3A_12 = arith.constant 0 : i32
    %dma_start3A_13 = tpu.memref_slice %arg3[%arg1, %dma_start3A, %dma_start3A_11, %dma_start3A_12] : memref<16x90x2x112xi32, #tpu.memory_space<hbm>> -> memref<1x1x2x112xi32, #tpu.memory_space<hbm>>
    %dma_start3A_14 = tpu.memref_squeeze %dma_start3A_13 : memref<1x1x2x112xi32, #tpu.memory_space<hbm>> -> memref<2x112xi32, #tpu.memory_space<hbm>>
    %dma_start3A_15 = arith.constant 0 : i32
    %dma_start3A_16 = arith.constant 0 : i32
    %dma_start3A_17 = tpu.memref_slice %arg6[%dma_start3A_6, %dma_start3A_15, %dma_start3A_16] : memref<3x2x112xi32, #tpu.memory_space<vmem>> -> memref<1x2x112xi32, #tpu.memory_space<vmem>>
    %dma_start3A_18 = tpu.memref_squeeze %dma_start3A_17 : memref<1x2x112xi32, #tpu.memory_space<vmem>> -> memref<2x112xi32, #tpu.memory_space<vmem>>
    %dma_start3A_19 = arith.constant 0 : i32
    %dma_start3A_20 = arith.constant 0 : i32
    %dma_start3A_21 = tpu.memref_slice %arg3[%arg1, %dma_start3A, %dma_start3A_19, %dma_start3A_20] : memref<16x90x2x112xi32, #tpu.memory_space<hbm>> -> memref<1x1x2x112xi32, #tpu.memory_space<hbm>>
    %dma_start3A_22 = tpu.memref_squeeze %dma_start3A_21 : memref<1x1x2x112xi32, #tpu.memory_space<hbm>> -> memref<2x112xi32, #tpu.memory_space<hbm>>
    tpu.enqueue_dma source(%dma_start3A_22 : memref<2x112xi32, #tpu.memory_space<hbm>>) target(%dma_start3A_18 : memref<2x112xi32, #tpu.memory_space<vmem>>) target_semaphore(%arg13 : memref<!tpu.dma_semaphore, #tpu.memory_space<semaphore_mem>>)
    %dma_start3A_23 = arith.constant 1 : i32
    %dma_start3A_24 = arith.constant 1 : i32
    %dma_start3A_25 = arith.constant 0 : i32
    %dma_start3A_26 = arith.constant 0 : i32
    %dma_start3A_27 = tpu.memref_slice %arg6[%dma_start3A_24, %dma_start3A_25, %dma_start3A_26] : memref<3x2x112xi32, #tpu.memory_space<vmem>> -> memref<1x2x112xi32, #tpu.memory_space<vmem>>
    %dma_start3A_28 = tpu.memref_squeeze %dma_start3A_27 : memref<1x2x112xi32, #tpu.memory_space<vmem>> -> memref<2x112xi32, #tpu.memory_space<vmem>>
    %dma_start3A_29 = arith.constant 0 : i32
    %dma_start3A_30 = arith.constant 0 : i32
    %dma_start3A_31 = tpu.memref_slice %arg3[%arg1, %dma_start3A_23, %dma_start3A_29, %dma_start3A_30] : memref<16x90x2x112xi32, #tpu.memory_space<hbm>> -> memref<1x1x2x112xi32, #tpu.memory_space<hbm>>
    %dma_start3A_32 = tpu.memref_squeeze %dma_start3A_31 : memref<1x1x2x112xi32, #tpu.memory_space<hbm>> -> memref<2x112xi32, #tpu.memory_space<hbm>>
    %dma_start3A_33 = arith.constant 0 : i32
    %dma_start3A_34 = arith.constant 0 : i32
    %dma_start3A_35 = tpu.memref_slice %arg6[%dma_start3A_24, %dma_start3A_33, %dma_start3A_34] : memref<3x2x112xi32, #tpu.memory_space<vmem>> -> memref<1x2x112xi32, #tpu.memory_space<vmem>>
    %dma_start3A_36 = tpu.memref_squeeze %dma_start3A_35 : memref<1x2x112xi32, #tpu.memory_space<vmem>> -> memref<2x112xi32, #tpu.memory_space<vmem>>
    %dma_start3A_37 = arith.constant 0 : i32
    %dma_start3A_38 = arith.constant 0 : i32
    %dma_start3A_39 = tpu.memref_slice %arg3[%arg1, %dma_start3A_23, %dma_start3A_37, %dma_start3A_38] : memref<16x90x2x112xi32, #tpu.memory_space<hbm>> -> memref<1x1x2x112xi32, #tpu.memory_space<hbm>>
    %dma_start3A_40 = tpu.memref_squeeze %dma_start3A_39 : memref<1x1x2x112xi32, #tpu.memory_space<hbm>> -> memref<2x112xi32, #tpu.memory_space<hbm>>
    tpu.enqueue_dma source(%dma_start3A_40 : memref<2x112xi32, #tpu.memory_space<hbm>>) target(%dma_start3A_36 : memref<2x112xi32, #tpu.memory_space<vmem>>) target_semaphore(%arg14 : memref<!tpu.dma_semaphore, #tpu.memory_space<semaphore_mem>>)
    %dma_wait3A = arith.constant 0 : i32
    %dma_wait3A_41 = arith.constant 0 : i32
    %dma_wait3A_42 = arith.constant 0 : i32
    %dma_wait3A_43 = arith.constant 0 : i32
    %dma_wait3A_44 = tpu.memref_slice %arg6[%dma_wait3A_41, %dma_wait3A_42, %dma_wait3A_43] : memref<3x2x112xi32, #tpu.memory_space<vmem>> -> memref<1x2x112xi32, #tpu.memory_space<vmem>>
    %dma_wait3A_45 = tpu.memref_squeeze %dma_wait3A_44 : memref<1x2x112xi32, #tpu.memory_space<vmem>> -> memref<2x112xi32, #tpu.memory_space<vmem>>
    %dma_wait3A_46 = arith.constant 0 : i32
    %dma_wait3A_47 = arith.constant 0 : i32
    %dma_wait3A_48 = tpu.memref_slice %arg3[%arg1, %dma_wait3A, %dma_wait3A_46, %dma_wait3A_47] : memref<16x90x2x112xi32, #tpu.memory_space<hbm>> -> memref<1x1x2x112xi32, #tpu.memory_space<hbm>>
    %dma_wait3A_49 = tpu.memref_squeeze %dma_wait3A_48 : memref<1x1x2x112xi32, #tpu.memory_space<hbm>> -> memref<2x112xi32, #tpu.memory_space<hbm>>
    %dma_wait3A_50 = arith.constant 0 : i32
    %dma_wait3A_51 = arith.constant 0 : i32
    %dma_wait3A_52 = tpu.memref_slice %arg6[%dma_wait3A_41, %dma_wait3A_50, %dma_wait3A_51] : memref<3x2x112xi32, #tpu.memory_space<vmem>> -> memref<1x2x112xi32, #tpu.memory_space<vmem>>
    %dma_wait3A_53 = tpu.memref_squeeze %dma_wait3A_52 : memref<1x2x112xi32, #tpu.memory_space<vmem>> -> memref<2x112xi32, #tpu.memory_space<vmem>>
    %dma_wait3A_54 = arith.constant 0 : i32
    %dma_wait3A_55 = arith.constant 0 : i32
    %dma_wait3A_56 = tpu.memref_slice %arg3[%arg1, %dma_wait3A, %dma_wait3A_54, %dma_wait3A_55] : memref<16x90x2x112xi32, #tpu.memory_space<hbm>> -> memref<1x1x2x112xi32, #tpu.memory_space<hbm>>
    %dma_wait3A_57 = tpu.memref_squeeze %dma_wait3A_56 : memref<1x1x2x112xi32, #tpu.memory_space<hbm>> -> memref<2x112xi32, #tpu.memory_space<hbm>>
    tpu.wait_dma2 semaphore(%arg13 : memref<!tpu.dma_semaphore, #tpu.memory_space<semaphore_mem>>) src(%dma_wait3A_57 : memref<2x112xi32, #tpu.memory_space<hbm>>) dst(%dma_wait3A_53 : memref<2x112xi32, #tpu.memory_space<vmem>>)
    %get3A = arith.constant 0 : i32
    %get3A_58 = arith.constant 0 : i32
    %get3A_59 = arith.index_cast %get3A : i32 to index
    %get3A_60 = arith.index_cast %get3A_58 : i32 to index
    %get3A_61 = arith.constant 0 : index
    %get3A_62 = tpu.vector_load %arg6[%get3A_59, %get3A_60, %get3A_61] {strides = array<i32>} : memref<3x2x112xi32, #tpu.memory_space<vmem>>, vector<1x1x16xi32>,
    %get3A_63 = vector.shape_cast %get3A_62 : vector<1x1x16xi32> to vector<16xi32>
    %add3A_64 = vector.broadcast %mul3A_5 : i32 to vector<16xi32>
    %add3A_65 = arith.addi %get3A_63, %add3A_64 : vector<16xi32>
    %swap3A = arith.constant 0 : i32
    %swap3A_66 = arith.index_cast %swap3A : i32 to index
    %swap3A_67 = arith.constant 0 : index
    %swap3A_68 = tpu.vector_load %arg7[%swap3A_66, %swap3A_67] {strides = array<i32>} : memref<3x112xi32, #tpu.memory_space<vmem>>, vector<1x16xi32>,
    %swap3A_69 = vector.shape_cast %swap3A_68 : vector<1x16xi32> to vector<16xi32>
    %swap3A_70 = vector.shape_cast %add3A_65 : vector<16xi32> to vector<1x16xi32>
    tpu.vector_store %arg7[%swap3A_66, %swap3A_67], %swap3A_70 {strides = array<i32>} : memref<3x112xi32, #tpu.memory_space<vmem>>, vector<1x16xi32>,
    %get3A_71 = arith.constant 0 : i32
    %get3A_72 = arith.constant 1 : i32
    %get3A_73 = arith.index_cast %get3A_71 : i32 to index
    %get3A_74 = arith.index_cast %get3A_72 : i32 to index
    %get3A_75 = arith.constant 0 : index
    %get3A_76 = tpu.vector_load %arg6[%get3A_73, %get3A_74, %get3A_75] {strides = array<i32>} : memref<3x2x112xi32, #tpu.memory_space<vmem>>, vector<1x1x16xi32>,
    %get3A_77 = vector.shape_cast %get3A_76 : vector<1x1x16xi32> to vector<16xi32>
    %swap3A_78 = arith.constant 0 : i32
    %swap3A_79 = arith.index_cast %swap3A_78 : i32 to index
    %swap3A_80 = arith.constant 0 : index
    %swap3A_81 = tpu.vector_load %arg8[%swap3A_79, %swap3A_80] {strides = array<i32>} : memref<3x112xi32, #tpu.memory_space<vmem>>, vector<1x16xi32>,
    %swap3A_82 = vector.shape_cast %swap3A_81 : vector<1x16xi32> to vector<16xi32>
    %swap3A_83 = vector.shape_cast %get3A_77 : vector<16xi32> to vector<1x16xi32>
    tpu.vector_store %arg8[%swap3A_79, %swap3A_80], %swap3A_83 {strides = array<i32>} : memref<3x112xi32, #tpu.memory_space<vmem>>, vector<1x16xi32>,
    %get3A_84 = arith.constant 0 : i32
    %get3A_85 = arith.constant 0 : i32
    %get3A_86 = arith.index_cast %get3A_84 : i32 to index
    %get3A_87 = arith.index_cast %get3A_85 : i32 to index
    %get3A_88 = arith.constant 16 : index
    %get3A_89 = tpu.vector_load %arg6[%get3A_86, %get3A_87, %get3A_88] {strides = array<i32>} : memref<3x2x112xi32, #tpu.memory_space<vmem>>, vector<1x1x16xi32>,
    %get3A_90 = vector.shape_cast %get3A_89 : vector<1x1x16xi32> to vector<16xi32>
    %add3A_91 = vector.broadcast %mul3A_5 : i32 to vector<16xi32>
    %add3A_92 = arith.addi %get3A_90, %add3A_91 : vector<16xi32>
    %swap3A_93 = arith.constant 0 : i32
    %swap3A_94 = arith.index_cast %swap3A_93 : i32 to index
    %swap3A_95 = arith.constant 16 : index
    %swap3A_96 = tpu.vector_load %arg7[%swap3A_94, %swap3A_95] {strides = array<i32>} : memref<3x112xi32, #tpu.memory_space<vmem>>, vector<1x16xi32>,
    %swap3A_97 = vector.shape_cast %swap3A_96 : vector<1x16xi32> to vector<16xi32>
    %swap3A_98 = vector.shape_cast %add3A_92 : vector<16xi32> to vector<1x16xi32>
    tpu.vector_store %arg7[%swap3A_94, %swap3A_95], %swap3A_98 {strides = array<i32>} : memref<3x112xi32, #tpu.memory_space<vmem>>, vector<1x16xi32>,
    %get3A_99 = arith.constant 0 : i32
    %get3A_100 = arith.constant 1 : i32
    %get3A_101 = arith.index_cast %get3A_99 : i32 to index
    %get3A_102 = arith.index_cast %get3A_100 : i32 to index
    %get3A_103 = arith.constant 16 : index
    %get3A_104 = tpu.vector_load %arg6[%get3A_101, %get3A_102, %get3A_103] {strides = array<i32>} : memref<3x2x112xi32, #tpu.memory_space<vmem>>, vector<1x1x16xi32>,
    %get3A_105 = vector.shape_cast %get3A_104 : vector<1x1x16xi32> to vector<16xi32>
    %swap3A_106 = arith.constant 0 : i32
    %swap3A_107 = arith.index_cast %swap3A_106 : i32 to index
    %swap3A_108 = arith.constant 16 : index
    %swap3A_109 = tpu.vector_load %arg8[%swap3A_107, %swap3A_108] {strides = array<i32>} : memref<3x112xi32, #tpu.memory_space<vmem>>, vector<1x16xi32>,
    %swap3A_110 = vector.shape_cast %swap3A_109 : vector<1x16xi32> to vector<16xi32>
    %swap3A_111 = vector.shape_cast %get3A_105 : vector<16xi32> to vector<1x16xi32>
    tpu.vector_store %arg8[%swap3A_107, %swap3A_108], %swap3A_111 {strides = array<i32>} : memref<3x112xi32, #tpu.memory_space<vmem>>, vector<1x16xi32>,
    %get3A_112 = arith.constant 0 : i32
    %get3A_113 = arith.constant 0 : i32
    %get3A_114 = arith.index_cast %get3A_112 : i32 to index
    %get3A_115 = arith.index_cast %get3A_113 : i32 to index
    %get3A_116 = arith.constant 32 : index
    %get3A_117 = tpu.vector_load %arg6[%get3A_114, %get3A_115, %get3A_116] {strides = array<i32>} : memref<3x2x112xi32, #tpu.memory_space<vmem>>, vector<1x1x16xi32>,
    %get3A_118 = vector.shape_cast %get3A_117 : vector<1x1x16xi32> to vector<16xi32>
    %add3A_119 = vector.broadcast %mul3A_5 : i32 to vector<16xi32>
    %add3A_120 = arith.addi %get3A_118, %add3A_119 : vector<16xi32>
    %swap3A_121 = arith.constant 0 : i32
    %swap3A_122 = arith.index_cast %swap3A_121 : i32 to index
    %swap3A_123 = arith.constant 32 : index
    %swap3A_124 = tpu.vector_load %arg7[%swap3A_122, %swap3A_123] {strides = array<i32>} : memref<3x112xi32, #tpu.memory_space<vmem>>, vector<1x16xi32>,
    %swap3A_125 = vector.shape_cast %swap3A_124 : vector<1x16xi32> to vector<16xi32>
    %swap3A_126 = vector.shape_cast %add3A_120 : vector<16xi32> to vector<1x16xi32>
    tpu.vector_store %arg7[%swap3A_122, %swap3A_123], %swap3A_126 {strides = array<i32>} : memref<3x112xi32, #tpu.memory_space<vmem>>, vector<1x16xi32>,
    %get3A_127 = arith.constant 0 : i32
    %get3A_128 = arith.constant 1 : i32
    %get3A_129 = arith.index_cast %get3A_127 : i32 to index
    %get3A_130 = arith.index_cast %get3A_128 : i32 to index
    %get3A_131 = arith.constant 32 : index
    %get3A_132 = tpu.vector_load %arg6[%get3A_129, %get3A_130, %get3A_131] {strides = array<i32>} : memref<3x2x112xi32, #tpu.memory_space<vmem>>, vector<1x1x16xi32>,
    %get3A_133 = vector.shape_cast %get3A_132 : vector<1x1x16xi32> to vector<16xi32>
    %swap3A_134 = arith.constant 0 : i32
    %swap3A_135 = arith.index_cast %swap3A_134 : i32 to index
    %swap3A_136 = arith.constant 32 : index
    %swap3A_137 = tpu.vector_load %arg8[%swap3A_135, %swap3A_136] {strides = array<i32>} : memref<3x112xi32, #tpu.memory_space<vmem>>, vector<1x16xi32>,
    %swap3A_138 = vector.shape_cast %swap3A_137 : vector<1x16xi32> to vector<16xi32>
    %swap3A_139 = vector.shape_cast %get3A_133 : vector<16xi32> to vector<1x16xi32>
    tpu.vector_store %arg8[%swap3A_135, %swap3A_136], %swap3A_139 {strides = array<i32>} : memref<3x112xi32, #tpu.memory_space<vmem>>, vector<1x16xi32>,
    %get3A_140 = arith.constant 0 : i32
    %get3A_141 = arith.constant 0 : i32
    %get3A_142 = arith.index_cast %get3A_140 : i32 to index
    %get3A_143 = arith.index_cast %get3A_141 : i32 to index
    %get3A_144 = arith.constant 48 : index
    %get3A_145 = tpu.vector_load %arg6[%get3A_142, %get3A_143, %get3A_144] {strides = array<i32>} : memref<3x2x112xi32, #tpu.memory_space<vmem>>, vector<1x1x16xi32>,
    %get3A_146 = vector.shape_cast %get3A_145 : vector<1x1x16xi32> to vector<16xi32>
    %add3A_147 = vector.broadcast %mul3A_5 : i32 to vector<16xi32>
    %add3A_148 = arith.addi %get3A_146, %add3A_147 : vector<16xi32>
    %swap3A_149 = arith.constant 0 : i32
    %swap3A_150 = arith.index_cast %swap3A_149 : i32 to index
    %swap3A_151 = arith.constant 48 : index
    %swap3A_152 = tpu.vector_load %arg7[%swap3A_150, %swap3A_151] {strides = array<i32>} : memref<3x112xi32, #tpu.memory_space<vmem>>, vector<1x16xi32>,
    %swap3A_153 = vector.shape_cast %swap3A_152 : vector<1x16xi32> to vector<16xi32>
    %swap3A_154 = vector.shape_cast %add3A_148 : vector<16xi32> to vector<1x16xi32>
    tpu.vector_store %arg7[%swap3A_150, %swap3A_151], %swap3A_154 {strides = array<i32>} : memref<3x112xi32, #tpu.memory_space<vmem>>, vector<1x16xi32>,
    %get3A_155 = arith.constant 0 : i32
    %get3A_156 = arith.constant 1 : i32
    %get3A_157 = arith.index_cast %get3A_155 : i32 to index
    %get3A_158 = arith.index_cast %get3A_156 : i32 to index
    %get3A_159 = arith.constant 48 : index
    %get3A_160 = tpu.vector_load %arg6[%get3A_157, %get3A_158, %get3A_159] {strides = array<i32>} : memref<3x2x112xi32, #tpu.memory_space<vmem>>, vector<1x1x16xi32>,
    %get3A_161 = vector.shape_cast %get3A_160 : vector<1x1x16xi32> to vector<16xi32>
    %swap3A_162 = arith.constant 0 : i32
    %swap3A_163 = arith.index_cast %swap3A_162 : i32 to index
    %swap3A_164 = arith.constant 48 : index
    %swap3A_165 = tpu.vector_load %arg8[%swap3A_163, %swap3A_164] {strides = array<i32>} : memref<3x112xi32, #tpu.memory_space<vmem>>, vector<1x16xi32>,
    %swap3A_166 = vector.shape_cast %swap3A_165 : vector<1x16xi32> to vector<16xi32>
    %swap3A_167 = vector.shape_cast %get3A_161 : vector<16xi32> to vector<1x16xi32>
    tpu.vector_store %arg8[%swap3A_163, %swap3A_164], %swap3A_167 {strides = array<i32>} : memref<3x112xi32, #tpu.memory_space<vmem>>, vector<1x16xi32>,
    %get3A_168 = arith.constant 0 : i32
    %get3A_169 = arith.constant 0 : i32
    %get3A_170 = arith.index_cast %get3A_168 : i32 to index
    %get3A_171 = arith.index_cast %get3A_169 : i32 to index
    %get3A_172 = arith.constant 64 : index
    %get3A_173 = tpu.vector_load %arg6[%get3A_170, %get3A_171, %get3A_172] {strides = array<i32>} : memref<3x2x112xi32, #tpu.memory_space<vmem>>, vector<1x1x16xi32>,
    %get3A_174 = vector.shape_cast %get3A_173 : vector<1x1x16xi32> to vector<16xi32>
    %add3A_175 = vector.broadcast %mul3A_5 : i32 to vector<16xi32>
    %add3A_176 = arith.addi %get3A_174, %add3A_175 : vector<16xi32>
    %swap3A_177 = arith.constant 0 : i32
    %swap3A_178 = arith.index_cast %swap3A_177 : i32 to index
    %swap3A_179 = arith.constant 64 : index
    %swap3A_180 = tpu.vector_load %arg7[%swap3A_178, %swap3A_179] {strides = array<i32>} : memref<3x112xi32, #tpu.memory_space<vmem>>, vector<1x16xi32>,
    %swap3A_181 = vector.shape_cast %swap3A_180 : vector<1x16xi32> to vector<16xi32>
    %swap3A_182 = vector.shape_cast %add3A_176 : vector<16xi32> to vector<1x16xi32>
    tpu.vector_store %arg7[%swap3A_178, %swap3A_179], %swap3A_182 {strides = array<i32>} : memref<3x112xi32, #tpu.memory_space<vmem>>, vector<1x16xi32>,
    %get3A_183 = arith.constant 0 : i32
    %get3A_184 = arith.constant 1 : i32
    %get3A_185 = arith.index_cast %get3A_183 : i32 to index
    %get3A_186 = arith.index_cast %get3A_184 : i32 to index
    %get3A_187 = arith.constant 64 : index
    %get3A_188 = tpu.vector_load %arg6[%get3A_185, %get3A_186, %get3A_187] {strides = array<i32>} : memref<3x2x112xi32, #tpu.memory_space<vmem>>, vector<1x1x16xi32>,
    %get3A_189 = vector.shape_cast %get3A_188 : vector<1x1x16xi32> to vector<16xi32>
    %swap3A_190 = arith.constant 0 : i32
    %swap3A_191 = arith.index_cast %swap3A_190 : i32 to index
    %swap3A_192 = arith.constant 64 : index
    %swap3A_193 = tpu.vector_load %arg8[%swap3A_191, %swap3A_192] {strides = array<i32>} : memref<3x112xi32, #tpu.memory_space<vmem>>, vector<1x16xi32>,
    %swap3A_194 = vector.shape_cast %swap3A_193 : vector<1x16xi32> to vector<16xi32>
    %swap3A_195 = vector.shape_cast %get3A_189 : vector<16xi32> to vector<1x16xi32>
    tpu.vector_store %arg8[%swap3A_191, %swap3A_192], %swap3A_195 {strides = array<i32>} : memref<3x112xi32, #tpu.memory_space<vmem>>, vector<1x16xi32>,
    %get3A_196 = arith.constant 0 : i32
    %get3A_197 = arith.constant 0 : i32
    %get3A_198 = arith.index_cast %get3A_196 : i32 to index
    %get3A_199 = arith.index_cast %get3A_197 : i32 to index
    %get3A_200 = arith.constant 80 : index
    %get3A_201 = tpu.vector_load %arg6[%get3A_198, %get3A_199, %get3A_200] {strides = array<i32>} : memref<3x2x112xi32, #tpu.memory_space<vmem>>, vector<1x1x16xi32>,
    %get3A_202 = vector.shape_cast %get3A_201 : vector<1x1x16xi32> to vector<16xi32>
    %add3A_203 = vector.broadcast %mul3A_5 : i32 to vector<16xi32>
    %add3A_204 = arith.addi %get3A_202, %add3A_203 : vector<16xi32>
    %swap3A_205 = arith.constant 0 : i32
    %swap3A_206 = arith.index_cast %swap3A_205 : i32 to index
    %swap3A_207 = arith.constant 80 : index
    %swap3A_208 = tpu.vector_load %arg7[%swap3A_206, %swap3A_207] {strides = array<i32>} : memref<3x112xi32, #tpu.memory_space<vmem>>, vector<1x16xi32>,
    %swap3A_209 = vector.shape_cast %swap3A_208 : vector<1x16xi32> to vector<16xi32>
    %swap3A_210 = vector.shape_cast %add3A_204 : vector<16xi32> to vector<1x16xi32>
    tpu.vector_store %arg7[%swap3A_206, %swap3A_207], %swap3A_210 {strides = array<i32>} : memref<3x112xi32, #tpu.memory_space<vmem>>, vector<1x16xi32>,
    %get3A_211 = arith.constant 0 : i32
    %get3A_212 = arith.constant 1 : i32
    %get3A_213 = arith.index_cast %get3A_211 : i32 to index
    %get3A_214 = arith.index_cast %get3A_212 : i32 to index
    %get3A_215 = arith.constant 80 : index
    %get3A_216 = tpu.vector_load %arg6[%get3A_213, %get3A_214, %get3A_215] {strides = array<i32>} : memref<3x2x112xi32, #tpu.memory_space<vmem>>, vector<1x1x16xi32>,
    %get3A_217 = vector.shape_cast %get3A_216 : vector<1x1x16xi32> to vector<16xi32>
    %swap3A_218 = arith.constant 0 : i32
    %swap3A_219 = arith.index_cast %swap3A_218 : i32 to index
    %swap3A_220 = arith.constant 80 : index
    %swap3A_221 = tpu.vector_load %arg8[%swap3A_219, %swap3A_220] {strides = array<i32>} : memref<3x112xi32, #tpu.memory_space<vmem>>, vector<1x16xi32>,
    %swap3A_222 = vector.shape_cast %swap3A_221 : vector<1x16xi32> to vector<16xi32>
    %swap3A_223 = vector.shape_cast %get3A_217 : vector<16xi32> to vector<1x16xi32>
    tpu.vector_store %arg8[%swap3A_219, %swap3A_220], %swap3A_223 {strides = array<i32>} : memref<3x112xi32, #tpu.memory_space<vmem>>, vector<1x16xi32>,
    %get3A_224 = arith.constant 0 : i32
    %get3A_225 = arith.constant 0 : i32
    %get3A_226 = arith.index_cast %get3A_224 : i32 to index
    %get3A_227 = arith.index_cast %get3A_225 : i32 to index
    %get3A_228 = arith.constant 96 : index
    %get3A_229 = tpu.vector_load %arg6[%get3A_226, %get3A_227, %get3A_228] {strides = array<i32>} : memref<3x2x112xi32, #tpu.memory_space<vmem>>, vector<1x1x16xi32>,
    %get3A_230 = vector.shape_cast %get3A_229 : vector<1x1x16xi32> to vector<16xi32>
    %add3A_231 = vector.broadcast %mul3A_5 : i32 to vector<16xi32>
    %add3A_232 = arith.addi %get3A_230, %add3A_231 : vector<16xi32>
    %swap3A_233 = arith.constant 0 : i32
    %swap3A_234 = arith.index_cast %swap3A_233 : i32 to index
    %swap3A_235 = arith.constant 96 : index
    %swap3A_236 = tpu.vector_load %arg7[%swap3A_234, %swap3A_235] {strides = array<i32>} : memref<3x112xi32, #tpu.memory_space<vmem>>, vector<1x16xi32>,
    %swap3A_237 = vector.shape_cast %swap3A_236 : vector<1x16xi32> to vector<16xi32>
    %swap3A_238 = vector.shape_cast %add3A_232 : vector<16xi32> to vector<1x16xi32>
    tpu.vector_store %arg7[%swap3A_234, %swap3A_235], %swap3A_238 {strides = array<i32>} : memref<3x112xi32, #tpu.memory_space<vmem>>, vector<1x16xi32>,
    %get3A_239 = arith.constant 0 : i32
    %get3A_240 = arith.constant 1 : i32
    %get3A_241 = arith.index_cast %get3A_239 : i32 to index
    %get3A_242 = arith.index_cast %get3A_240 : i32 to index
    %get3A_243 = arith.constant 96 : index
    %get3A_244 = tpu.vector_load %arg6[%get3A_241, %get3A_242, %get3A_243] {strides = array<i32>} : memref<3x2x112xi32, #tpu.memory_space<vmem>>, vector<1x1x16xi32>,
    %get3A_245 = vector.shape_cast %get3A_244 : vector<1x1x16xi32> to vector<16xi32>
    %swap3A_246 = arith.constant 0 : i32
    %swap3A_247 = arith.index_cast %swap3A_246 : i32 to index
    %swap3A_248 = arith.constant 96 : index
    %swap3A_249 = tpu.vector_load %arg8[%swap3A_247, %swap3A_248] {strides = array<i32>} : memref<3x112xi32, #tpu.memory_space<vmem>>, vector<1x16xi32>,
    %swap3A_250 = vector.shape_cast %swap3A_249 : vector<1x16xi32> to vector<16xi32>
    %swap3A_251 = vector.shape_cast %get3A_245 : vector<16xi32> to vector<1x16xi32>
    tpu.vector_store %arg8[%swap3A_247, %swap3A_248], %swap3A_251 {strides = array<i32>} : memref<3x112xi32, #tpu.memory_space<vmem>>, vector<1x16xi32>,
    %dma_start3A_252 = arith.constant 0 : i32
    %dma_start3A_253 = arith.constant 0 : i32
    %dma_start3A_254 = tpu.memref_slice %arg7[%dma_start3A_252, %dma_start3A_253] : memref<3x112xi32, #tpu.memory_space<vmem>> -> memref<1x112xi32, #tpu.memory_space<vmem>>
    %dma_start3A_255 = tpu.memref_squeeze %dma_start3A_254 : memref<1x112xi32, #tpu.memory_space<vmem>> -> memref<112xi32, #tpu.memory_space<vmem>>
    %dma_start3A_256 = arith.constant 0 : i32
    %dma_start3A_257 = arith.constant 0 : i32
    %dma_start3A_258 = tpu.memref_slice %arg2[%dma_start3A_256, %dma_start3A_257] : memref<20000x128xf32, #tpu.memory_space<hbm>> -> memref<20000x128xf32, #tpu.memory_space<hbm>>
    tpu.enqueue_indirect_dma source(%dma_start3A_258 : memref<20000x128xf32, #tpu.memory_space<hbm>>) target(%arg9 : memref<112x128xf32, #tpu.memory_space<vmem>>) offsets(%dma_start3A_255 : memref<112xi32, #tpu.memory_space<vmem>>) semaphore(%arg16 : memref<!tpu.dma_semaphore, #tpu.memory_space<semaphore_mem>>)
    %scan3A = arith.constant 0 : i32
    %scan3A_259 = arith.constant 30 : i32
    %scan3A_260 = arith.addi %scan3A, %scan3A_259 : i32
    %scan3A_261 = arith.constant 1 : i32
    scf.for %scan3A_289 = %scan3A to %scan3A_260 step %scan3A_261  : i32 {
      %mul3A_290 = arith.constant 3 : i32
      %mul3A_291 = arith.muli %scan3A_289, %mul3A_290 : i32
      %add3A_292 = arith.constant 0 : i32
      %add3A_293 = arith.addi %add3A_292, %mul3A_291 : i32
      %add3A_294 = arith.constant 0 : i32
      %add3A_295 = arith.addi %add3A_293, %add3A_294 : i32
      %add3A_296 = arith.constant 1 : i32
      %add3A_297 = arith.addi %add3A_295, %add3A_296 : i32
      %lt3A = arith.constant 90 : i32
      %lt3A_298 = arith.cmpi slt, %add3A_297, %lt3A : i32
      %convert_element_type3A = arith.extui %lt3A_298 : i1 to i32
      %cond3A = arith.constant 0 : i32
      %cond3A_299 = arith.cmpi ne, %convert_element_type3A, %cond3A : i32
      scf.if %cond3A_299 {
        %add3A_386 = arith.constant 1 : i32
        %add3A_387 = arith.addi %add3A_295, %add3A_386 : i32
        %dma_wait3A_388 = arith.constant 1 : i32
        %dma_wait3A_389 = arith.constant 0 : i32
        %dma_wait3A_390 = arith.constant 0 : i32
        %dma_wait3A_391 = tpu.memref_slice %arg6[%dma_wait3A_388, %dma_wait3A_389, %dma_wait3A_390] : memref<3x2x112xi32, #tpu.memory_space<vmem>> -> memref<1x2x112xi32, #tpu.memory_space<vmem>>
        %dma_wait3A_392 = tpu.memref_squeeze %dma_wait3A_391 : memref<1x2x112xi32, #tpu.memory_space<vmem>> -> memref<2x112xi32, #tpu.memory_space<vmem>>
        %dma_wait3A_393 = arith.constant 0 : i32
        %dma_wait3A_394 = arith.constant 0 : i32
        %dma_wait3A_395 = tpu.memref_slice %arg3[%arg1, %add3A_387, %dma_wait3A_393, %dma_wait3A_394] : memref<16x90x2x112xi32, #tpu.memory_space<hbm>> -> memref<1x1x2x112xi32, #tpu.memory_space<hbm>>
        %dma_wait3A_396 = tpu.memref_squeeze %dma_wait3A_395 : memref<1x1x2x112xi32, #tpu.memory_space<hbm>> -> memref<2x112xi32, #tpu.memory_space<hbm>>
        %dma_wait3A_397 = arith.constant 0 : i32
        %dma_wait3A_398 = arith.constant 0 : i32
        %dma_wait3A_399 = tpu.memref_slice %arg6[%dma_wait3A_388, %dma_wait3A_397, %dma_wait3A_398] : memref<3x2x112xi32, #tpu.memory_space<vmem>> -> memref<1x2x112xi32, #tpu.memory_space<vmem>>
        %dma_wait3A_400 = tpu.memref_squeeze %dma_wait3A_399 : memref<1x2x112xi32, #tpu.memory_space<vmem>> -> memref<2x112xi32, #tpu.memory_space<vmem>>
        %dma_wait3A_401 = arith.constant 0 : i32
        %dma_wait3A_402 = arith.constant 0 : i32
        %dma_wait3A_403 = tpu.memref_slice %arg3[%arg1, %add3A_387, %dma_wait3A_401, %dma_wait3A_402] : memref<16x90x2x112xi32, #tpu.memory_space<hbm>> -> memref<1x1x2x112xi32, #tpu.memory_space<hbm>>
        %dma_wait3A_404 = tpu.memref_squeeze %dma_wait3A_403 : memref<1x1x2x112xi32, #tpu.memory_space<hbm>> -> memref<2x112xi32, #tpu.memory_space<hbm>>
        tpu.wait_dma2 semaphore(%arg14 : memref<!tpu.dma_semaphore, #tpu.memory_space<semaphore_mem>>) src(%dma_wait3A_404 : memref<2x112xi32, #tpu.memory_space<hbm>>) dst(%dma_wait3A_400 : memref<2x112xi32, #tpu.memory_space<vmem>>)
        %ge3A = arith.constant 2 : i32
        %ge3A_405 = arith.cmpi sge, %add3A_295, %ge3A : i32
        %convert_element_type3A_406 = arith.extui %ge3A_405 : i1 to i32
        %cond3A_407 = arith.constant 0 : i32
        %cond3A_408 = arith.cmpi ne, %convert_element_type3A_406, %cond3A_407 : i32
        scf.if %cond3A_408 {
          %dma_wait3A_612 = arith.constant 1 : i32
          %dma_wait3A_613 = arith.constant 0 : i32
          %dma_wait3A_614 = tpu.memref_slice %arg8[%dma_wait3A_612, %dma_wait3A_613] : memref<3x112xi32, #tpu.memory_space<vmem>> -> memref<1x112xi32, #tpu.memory_space<vmem>>
          %dma_wait3A_615 = tpu.memref_squeeze %dma_wait3A_614 : memref<1x112xi32, #tpu.memory_space<vmem>> -> memref<112xi32, #tpu.memory_space<vmem>>
          %dma_wait3A_616 = arith.constant 0 : i32
          %dma_wait3A_617 = arith.constant 0 : i32
          %dma_wait3A_618 = tpu.memref_slice %arg12[%dma_wait3A_616, %dma_wait3A_617] : memref<10112x128xf32, #tpu.memory_space<vmem_shared>> -> memref<10112x128xf32, #tpu.memory_space<vmem_shared>>
          tpu.wait_indirect_dma semaphore(%arg20 : memref<!tpu.dma_semaphore, #tpu.memory_space<semaphore_mem>>) src(%arg10 : memref<112x128xf32, #tpu.memory_space<vmem>>) dst(%dma_wait3A_618 : memref<10112x128xf32, #tpu.memory_space<vmem_shared>>)
        } else {
        }
        %get3A_409 = arith.constant 1 : i32
        %get3A_410 = arith.constant 0 : i32
        %get3A_411 = arith.index_cast %get3A_409 : i32 to index
        %get3A_412 = arith.index_cast %get3A_410 : i32 to index
        %get3A_413 = arith.constant 0 : index
        %get3A_414 = tpu.vector_load %arg6[%get3A_411, %get3A_412, %get3A_413] {strides = array<i32>} : memref<3x2x112xi32, #tpu.memory_space<vmem>>, vector<1x1x16xi32>,
        %get3A_415 = vector.shape_cast %get3A_414 : vector<1x1x16xi32> to vector<16xi32>
        %add3A_416 = vector.broadcast %mul3A_5 : i32 to vector<16xi32>
        %add3A_417 = arith.addi %get3A_415, %add3A_416 : vector<16xi32>
        %swap3A_418 = arith.constant 1 : i32
        %swap3A_419 = arith.index_cast %swap3A_418 : i32 to index
        %swap3A_420 = arith.constant 0 : index
        %swap3A_421 = tpu.vector_load %arg7[%swap3A_419, %swap3A_420] {strides = array<i32>} : memref<3x112xi32, #tpu.memory_space<vmem>>, vector<1x16xi32>,
        %swap3A_422 = vector.shape_cast %swap3A_421 : vector<1x16xi32> to vector<16xi32>
        %swap3A_423 = vector.shape_cast %add3A_417 : vector<16xi32> to vector<1x16xi32>
        tpu.vector_store %arg7[%swap3A_419, %swap3A_420], %swap3A_423 {strides = array<i32>} : memref<3x112xi32, #tpu.memory_space<vmem>>, vector<1x16xi32>,
        %get3A_424 = arith.constant 1 : i32
        %get3A_425 = arith.constant 1 : i32
        %get3A_426 = arith.index_cast %get3A_424 : i32 to index
        %get3A_427 = arith.index_cast %get3A_425 : i32 to index
        %get3A_428 = arith.constant 0 : index
        %get3A_429 = tpu.vector_load %arg6[%get3A_426, %get3A_427, %get3A_428] {strides = array<i32>} : memref<3x2x112xi32, #tpu.memory_space<vmem>>, vector<1x1x16xi32>,
        %get3A_430 = vector.shape_cast %get3A_429 : vector<1x1x16xi32> to vector<16xi32>
        %swap3A_431 = arith.constant 1 : i32
        %swap3A_432 = arith.index_cast %swap3A_431 : i32 to index
        %swap3A_433 = arith.constant 0 : index
        %swap3A_434 = tpu.vector_load %arg8[%swap3A_432, %swap3A_433] {strides = array<i32>} : memref<3x112xi32, #tpu.memory_space<vmem>>, vector<1x16xi32>,
        %swap3A_435 = vector.shape_cast %swap3A_434 : vector<1x16xi32> to vector<16xi32>
        %swap3A_436 = vector.shape_cast %get3A_430 : vector<16xi32> to vector<1x16xi32>
        tpu.vector_store %arg8[%swap3A_432, %swap3A_433], %swap3A_436 {strides = array<i32>} : memref<3x112xi32, #tpu.memory_space<vmem>>, vector<1x16xi32>,
        %get3A_437 = arith.constant 1 : i32
        %get3A_438 = arith.constant 0 : i32
        %get3A_439 = arith.index_cast %get3A_437 : i32 to index
        %get3A_440 = arith.index_cast %get3A_438 : i32 to index
        %get3A_441 = arith.constant 16 : index
        %get3A_442 = tpu.vector_load %arg6[%get3A_439, %get3A_440, %get3A_441] {strides = array<i32>} : memref<3x2x112xi32, #tpu.memory_space<vmem>>, vector<1x1x16xi32>,
        %get3A_443 = vector.shape_cast %get3A_442 : vector<1x1x16xi32> to vector<16xi32>
        %add3A_444 = vector.broadcast %mul3A_5 : i32 to vector<16xi32>
        %add3A_445 = arith.addi %get3A_443, %add3A_444 : vector<16xi32>
        %swap3A_446 = arith.constant 1 : i32
        %swap3A_447 = arith.index_cast %swap3A_446 : i32 to index
        %swap3A_448 = arith.constant 16 : index
        %swap3A_449 = tpu.vector_load %arg7[%swap3A_447, %swap3A_448] {strides = array<i32>} : memref<3x112xi32, #tpu.memory_space<vmem>>, vector<1x16xi32>,
        %swap3A_450 = vector.shape_cast %swap3A_449 : vector<1x16xi32> to vector<16xi32>
        %swap3A_451 = vector.shape_cast %add3A_445 : vector<16xi32> to vector<1x16xi32>
        tpu.vector_store %arg7[%swap3A_447, %swap3A_448], %swap3A_451 {strides = array<i32>} : memref<3x112xi32, #tpu.memory_space<vmem>>, vector<1x16xi32>,
        %get3A_452 = arith.constant 1 : i32
        %get3A_453 = arith.constant 1 : i32
        %get3A_454 = arith.index_cast %get3A_452 : i32 to index
        %get3A_455 = arith.index_cast %get3A_453 : i32 to index
        %get3A_456 = arith.constant 16 : index
        %get3A_457 = tpu.vector_load %arg6[%get3A_454, %get3A_455, %get3A_456] {strides = array<i32>} : memref<3x2x112xi32, #tpu.memory_space<vmem>>, vector<1x1x16xi32>,
        %get3A_458 = vector.shape_cast %get3A_457 : vector<1x1x16xi32> to vector<16xi32>
        %swap3A_459 = arith.constant 1 : i32
        %swap3A_460 = arith.index_cast %swap3A_459 : i32 to index
        %swap3A_461 = arith.constant 16 : index
        %swap3A_462 = tpu.vector_load %arg8[%swap3A_460, %swap3A_461] {strides = array<i32>} : memref<3x112xi32, #tpu.memory_space<vmem>>, vector<1x16xi32>,
        %swap3A_463 = vector.shape_cast %swap3A_462 : vector<1x16xi32> to vector<16xi32>
        %swap3A_464 = vector.shape_cast %get3A_458 : vector<16xi32> to vector<1x16xi32>
        tpu.vector_store %arg8[%swap3A_460, %swap3A_461], %swap3A_464 {strides = array<i32>} : memref<3x112xi32, #tpu.memory_space<vmem>>, vector<1x16xi32>,
        %get3A_465 = arith.constant 1 : i32
        %get3A_466 = arith.constant 0 : i32
        %get3A_467 = arith.index_cast %get3A_465 : i32 to index
        %get3A_468 = arith.index_cast %get3A_466 : i32 to index
        %get3A_469 = arith.constant 32 : index
        %get3A_470 = tpu.vector_load %arg6[%get3A_467, %get3A_468, %get3A_469] {strides = array<i32>} : memref<3x2x112xi32, #tpu.memory_space<vmem>>, vector<1x1x16xi32>,
        %get3A_471 = vector.shape_cast %get3A_470 : vector<1x1x16xi32> to vector<16xi32>
        %add3A_472 = vector.broadcast %mul3A_5 : i32 to vector<16xi32>
        %add3A_473 = arith.addi %get3A_471, %add3A_472 : vector<16xi32>
        %swap3A_474 = arith.constant 1 : i32
        %swap3A_475 = arith.index_cast %swap3A_474 : i32 to index
        %swap3A_476 = arith.constant 32 : index
        %swap3A_477 = tpu.vector_load %arg7[%swap3A_475, %swap3A_476] {strides = array<i32>} : memref<3x112xi32, #tpu.memory_space<vmem>>, vector<1x16xi32>,
        %swap3A_478 = vector.shape_cast %swap3A_477 : vector<1x16xi32> to vector<16xi32>
        %swap3A_479 = vector.shape_cast %add3A_473 : vector<16xi32> to vector<1x16xi32>
        tpu.vector_store %arg7[%swap3A_475, %swap3A_476], %swap3A_479 {strides = array<i32>} : memref<3x112xi32, #tpu.memory_space<vmem>>, vector<1x16xi32>,
        %get3A_480 = arith.constant 1 : i32
        %get3A_481 = arith.constant 1 : i32
        %get3A_482 = arith.index_cast %get3A_480 : i32 to index
        %get3A_483 = arith.index_cast %get3A_481 : i32 to index
        %get3A_484 = arith.constant 32 : index
        %get3A_485 = tpu.vector_load %arg6[%get3A_482, %get3A_483, %get3A_484] {strides = array<i32>} : memref<3x2x112xi32, #tpu.memory_space<vmem>>, vector<1x1x16xi32>,
        %get3A_486 = vector.shape_cast %get3A_485 : vector<1x1x16xi32> to vector<16xi32>
        %swap3A_487 = arith.constant 1 : i32
        %swap3A_488 = arith.index_cast %swap3A_487 : i32 to index
        %swap3A_489 = arith.constant 32 : index
        %swap3A_490 = tpu.vector_load %arg8[%swap3A_488, %swap3A_489] {strides = array<i32>} : memref<3x112xi32, #tpu.memory_space<vmem>>, vector<1x16xi32>,
        %swap3A_491 = vector.shape_cast %swap3A_490 : vector<1x16xi32> to vector<16xi32>
        %swap3A_492 = vector.shape_cast %get3A_486 : vector<16xi32> to vector<1x16xi32>
        tpu.vector_store %arg8[%swap3A_488, %swap3A_489], %swap3A_492 {strides = array<i32>} : memref<3x112xi32, #tpu.memory_space<vmem>>, vector<1x16xi32>,
        %get3A_493 = arith.constant 1 : i32
        %get3A_494 = arith.constant 0 : i32
        %get3A_495 = arith.index_cast %get3A_493 : i32 to index
        %get3A_496 = arith.index_cast %get3A_494 : i32 to index
        %get3A_497 = arith.constant 48 : index
        %get3A_498 = tpu.vector_load %arg6[%get3A_495, %get3A_496, %get3A_497] {strides = array<i32>} : memref<3x2x112xi32, #tpu.memory_space<vmem>>, vector<1x1x16xi32>,
        %get3A_499 = vector.shape_cast %get3A_498 : vector<1x1x16xi32> to vector<16xi32>
        %add3A_500 = vector.broadcast %mul3A_5 : i32 to vector<16xi32>
        %add3A_501 = arith.addi %get3A_499, %add3A_500 : vector<16xi32>
        %swap3A_502 = arith.constant 1 : i32
        %swap3A_503 = arith.index_cast %swap3A_502 : i32 to index
        %swap3A_504 = arith.constant 48 : index
        %swap3A_505 = tpu.vector_load %arg7[%swap3A_503, %swap3A_504] {strides = array<i32>} : memref<3x112xi32, #tpu.memory_space<vmem>>, vector<1x16xi32>,
        %swap3A_506 = vector.shape_cast %swap3A_505 : vector<1x16xi32> to vector<16xi32>
        %swap3A_507 = vector.shape_cast %add3A_501 : vector<16xi32> to vector<1x16xi32>
        tpu.vector_store %arg7[%swap3A_503, %swap3A_504], %swap3A_507 {strides = array<i32>} : memref<3x112xi32, #tpu.memory_space<vmem>>, vector<1x16xi32>,
        %get3A_508 = arith.constant 1 : i32
        %get3A_509 = arith.constant 1 : i32
        %get3A_510 = arith.index_cast %get3A_508 : i32 to index
        %get3A_511 = arith.index_cast %get3A_509 : i32 to index
        %get3A_512 = arith.constant 48 : index
        %get3A_513 = tpu.vector_load %arg6[%get3A_510, %get3A_511, %get3A_512] {strides = array<i32>} : memref<3x2x112xi32, #tpu.memory_space<vmem>>, vector<1x1x16xi32>,
        %get3A_514 = vector.shape_cast %get3A_513 : vector<1x1x16xi32> to vector<16xi32>
        %swap3A_515 = arith.constant 1 : i32
        %swap3A_516 = arith.index_cast %swap3A_515 : i32 to index
        %swap3A_517 = arith.constant 48 : index
        %swap3A_518 = tpu.vector_load %arg8[%swap3A_516, %swap3A_517] {strides = array<i32>} : memref<3x112xi32, #tpu.memory_space<vmem>>, vector<1x16xi32>,
        %swap3A_519 = vector.shape_cast %swap3A_518 : vector<1x16xi32> to vector<16xi32>
        %swap3A_520 = vector.shape_cast %get3A_514 : vector<16xi32> to vector<1x16xi32>
        tpu.vector_store %arg8[%swap3A_516, %swap3A_517], %swap3A_520 {strides = array<i32>} : memref<3x112xi32, #tpu.memory_space<vmem>>, vector<1x16xi32>,
        %get3A_521 = arith.constant 1 : i32
        %get3A_522 = arith.constant 0 : i32
        %get3A_523 = arith.index_cast %get3A_521 : i32 to index
        %get3A_524 = arith.index_cast %get3A_522 : i32 to index
        %get3A_525 = arith.constant 64 : index
        %get3A_526 = tpu.vector_load %arg6[%get3A_523, %get3A_524, %get3A_525] {strides = array<i32>} : memref<3x2x112xi32, #tpu.memory_space<vmem>>, vector<1x1x16xi32>,
        %get3A_527 = vector.shape_cast %get3A_526 : vector<1x1x16xi32> to vector<16xi32>
        %add3A_528 = vector.broadcast %mul3A_5 : i32 to vector<16xi32>
        %add3A_529 = arith.addi %get3A_527, %add3A_528 : vector<16xi32>
        %swap3A_530 = arith.constant 1 : i32
        %swap3A_531 = arith.index_cast %swap3A_530 : i32 to index
        %swap3A_532 = arith.constant 64 : index
        %swap3A_533 = tpu.vector_load %arg7[%swap3A_531, %swap3A_532] {strides = array<i32>} : memref<3x112xi32, #tpu.memory_space<vmem>>, vector<1x16xi32>,
        %swap3A_534 = vector.shape_cast %swap3A_533 : vector<1x16xi32> to vector<16xi32>
        %swap3A_535 = vector.shape_cast %add3A_529 : vector<16xi32> to vector<1x16xi32>
        tpu.vector_store %arg7[%swap3A_531, %swap3A_532], %swap3A_535 {strides = array<i32>} : memref<3x112xi32, #tpu.memory_space<vmem>>, vector<1x16xi32>,
        %get3A_536 = arith.constant 1 : i32
        %get3A_537 = arith.constant 1 : i32
        %get3A_538 = arith.index_cast %get3A_536 : i32 to index
        %get3A_539 = arith.index_cast %get3A_537 : i32 to index
        %get3A_540 = arith.constant 64 : index
        %get3A_541 = tpu.vector_load %arg6[%get3A_538, %get3A_539, %get3A_540] {strides = array<i32>} : memref<3x2x112xi32, #tpu.memory_space<vmem>>, vector<1x1x16xi32>,
        %get3A_542 = vector.shape_cast %get3A_541 : vector<1x1x16xi32> to vector<16xi32>
        %swap3A_543 = arith.constant 1 : i32
        %swap3A_544 = arith.index_cast %swap3A_543 : i32 to index
        %swap3A_545 = arith.constant 64 : index
        %swap3A_546 = tpu.vector_load %arg8[%swap3A_544, %swap3A_545] {strides = array<i32>} : memref<3x112xi32, #tpu.memory_space<vmem>>, vector<1x16xi32>,
        %swap3A_547 = vector.shape_cast %swap3A_546 : vector<1x16xi32> to vector<16xi32>
        %swap3A_548 = vector.shape_cast %get3A_542 : vector<16xi32> to vector<1x16xi32>
        tpu.vector_store %arg8[%swap3A_544, %swap3A_545], %swap3A_548 {strides = array<i32>} : memref<3x112xi32, #tpu.memory_space<vmem>>, vector<1x16xi32>,
        %get3A_549 = arith.constant 1 : i32
        %get3A_550 = arith.constant 0 : i32
        %get3A_551 = arith.index_cast %get3A_549 : i32 to index
        %get3A_552 = arith.index_cast %get3A_550 : i32 to index
        %get3A_553 = arith.constant 80 : index
        %get3A_554 = tpu.vector_load %arg6[%get3A_551, %get3A_552, %get3A_553] {strides = array<i32>} : memref<3x2x112xi32, #tpu.memory_space<vmem>>, vector<1x1x16xi32>,
        %get3A_555 = vector.shape_cast %get3A_554 : vector<1x1x16xi32> to vector<16xi32>
        %add3A_556 = vector.broadcast %mul3A_5 : i32 to vector<16xi32>
        %add3A_557 = arith.addi %get3A_555, %add3A_556 : vector<16xi32>
        %swap3A_558 = arith.constant 1 : i32
        %swap3A_559 = arith.index_cast %swap3A_558 : i32 to index
        %swap3A_560 = arith.constant 80 : index
        %swap3A_561 = tpu.vector_load %arg7[%swap3A_559, %swap3A_560] {strides = array<i32>} : memref<3x112xi32, #tpu.memory_space<vmem>>, vector<1x16xi32>,
        %swap3A_562 = vector.shape_cast %swap3A_561 : vector<1x16xi32> to vector<16xi32>
        %swap3A_563 = vector.shape_cast %add3A_557 : vector<16xi32> to vector<1x16xi32>
        tpu.vector_store %arg7[%swap3A_559, %swap3A_560], %swap3A_563 {strides = array<i32>} : memref<3x112xi32, #tpu.memory_space<vmem>>, vector<1x16xi32>,
        %get3A_564 = arith.constant 1 : i32
        %get3A_565 = arith.constant 1 : i32
        %get3A_566 = arith.index_cast %get3A_564 : i32 to index
        %get3A_567 = arith.index_cast %get3A_565 : i32 to index
        %get3A_568 = arith.constant 80 : index
        %get3A_569 = tpu.vector_load %arg6[%get3A_566, %get3A_567, %get3A_568] {strides = array<i32>} : memref<3x2x112xi32, #tpu.memory_space<vmem>>, vector<1x1x16xi32>,
        %get3A_570 = vector.shape_cast %get3A_569 : vector<1x1x16xi32> to vector<16xi32>
        %swap3A_571 = arith.constant 1 : i32
        %swap3A_572 = arith.index_cast %swap3A_571 : i32 to index
        %swap3A_573 = arith.constant 80 : index
        %swap3A_574 = tpu.vector_load %arg8[%swap3A_572, %swap3A_573] {strides = array<i32>} : memref<3x112xi32, #tpu.memory_space<vmem>>, vector<1x16xi32>,
        %swap3A_575 = vector.shape_cast %swap3A_574 : vector<1x16xi32> to vector<16xi32>
        %swap3A_576 = vector.shape_cast %get3A_570 : vector<16xi32> to vector<1x16xi32>
        tpu.vector_store %arg8[%swap3A_572, %swap3A_573], %swap3A_576 {strides = array<i32>} : memref<3x112xi32, #tpu.memory_space<vmem>>, vector<1x16xi32>,
        %get3A_577 = arith.constant 1 : i32
        %get3A_578 = arith.constant 0 : i32
        %get3A_579 = arith.index_cast %get3A_577 : i32 to index
        %get3A_580 = arith.index_cast %get3A_578 : i32 to index
        %get3A_581 = arith.constant 96 : index
        %get3A_582 = tpu.vector_load %arg6[%get3A_579, %get3A_580, %get3A_581] {strides = array<i32>} : memref<3x2x112xi32, #tpu.memory_space<vmem>>, vector<1x1x16xi32>,
        %get3A_583 = vector.shape_cast %get3A_582 : vector<1x1x16xi32> to vector<16xi32>
        %add3A_584 = vector.broadcast %mul3A_5 : i32 to vector<16xi32>
        %add3A_585 = arith.addi %get3A_583, %add3A_584 : vector<16xi32>
        %swap3A_586 = arith.constant 1 : i32
        %swap3A_587 = arith.index_cast %swap3A_586 : i32 to index
        %swap3A_588 = arith.constant 96 : index
        %swap3A_589 = tpu.vector_load %arg7[%swap3A_587, %swap3A_588] {strides = array<i32>} : memref<3x112xi32, #tpu.memory_space<vmem>>, vector<1x16xi32>,
        %swap3A_590 = vector.shape_cast %swap3A_589 : vector<1x16xi32> to vector<16xi32>
        %swap3A_591 = vector.shape_cast %add3A_585 : vector<16xi32> to vector<1x16xi32>
        tpu.vector_store %arg7[%swap3A_587, %swap3A_588], %swap3A_591 {strides = array<i32>} : memref<3x112xi32, #tpu.memory_space<vmem>>, vector<1x16xi32>,
        %get3A_592 = arith.constant 1 : i32
        %get3A_593 = arith.constant 1 : i32
        %get3A_594 = arith.index_cast %get3A_592 : i32 to index
        %get3A_595 = arith.index_cast %get3A_593 : i32 to index
        %get3A_596 = arith.constant 96 : index
        %get3A_597 = tpu.vector_load %arg6[%get3A_594, %get3A_595, %get3A_596] {strides = array<i32>} : memref<3x2x112xi32, #tpu.memory_space<vmem>>, vector<1x1x16xi32>,
        %get3A_598 = vector.shape_cast %get3A_597 : vector<1x1x16xi32> to vector<16xi32>
        %swap3A_599 = arith.constant 1 : i32
        %swap3A_600 = arith.index_cast %swap3A_599 : i32 to index
        %swap3A_601 = arith.constant 96 : index
        %swap3A_602 = tpu.vector_load %arg8[%swap3A_600, %swap3A_601] {strides = array<i32>} : memref<3x112xi32, #tpu.memory_space<vmem>>, vector<1x16xi32>,
        %swap3A_603 = vector.shape_cast %swap3A_602 : vector<1x16xi32> to vector<16xi32>
        %swap3A_604 = vector.shape_cast %get3A_598 : vector<16xi32> to vector<1x16xi32>
        tpu.vector_store %arg8[%swap3A_600, %swap3A_601], %swap3A_604 {strides = array<i32>} : memref<3x112xi32, #tpu.memory_space<vmem>>, vector<1x16xi32>,
        %dma_start3A_605 = arith.constant 1 : i32
        %dma_start3A_606 = arith.constant 0 : i32
        %dma_start3A_607 = tpu.memref_slice %arg7[%dma_start3A_605, %dma_start3A_606] : memref<3x112xi32, #tpu.memory_space<vmem>> -> memref<1x112xi32, #tpu.memory_space<vmem>>
        %dma_start3A_608 = tpu.memref_squeeze %dma_start3A_607 : memref<1x112xi32, #tpu.memory_space<vmem>> -> memref<112xi32, #tpu.memory_space<vmem>>
        %dma_start3A_609 = arith.constant 0 : i32
        %dma_start3A_610 = arith.constant 0 : i32
        %dma_start3A_611 = tpu.memref_slice %arg2[%dma_start3A_609, %dma_start3A_610] : memref<20000x128xf32, #tpu.memory_space<hbm>> -> memref<20000x128xf32, #tpu.memory_space<hbm>>
        tpu.enqueue_indirect_dma source(%dma_start3A_611 : memref<20000x128xf32, #tpu.memory_space<hbm>>) target(%arg10 : memref<112x128xf32, #tpu.memory_space<vmem>>) offsets(%dma_start3A_608 : memref<112xi32, #tpu.memory_space<vmem>>) semaphore(%arg17 : memref<!tpu.dma_semaphore, #tpu.memory_space<semaphore_mem>>)
      } else {
      }
      %add3A_300 = arith.constant 3 : i32
      %add3A_301 = arith.addi %add3A_295, %add3A_300 : i32
      %sub3A = arith.constant 1 : i32
      %sub3A_302 = arith.subi %add3A_301, %sub3A : i32
      %lt3A_303 = arith.constant 90 : i32
      %lt3A_304 = arith.cmpi slt, %sub3A_302, %lt3A_303 : i32
      %convert_element_type3A_305 = arith.extui %lt3A_304 : i1 to i32
      %cond3A_306 = arith.constant 0 : i32
      %cond3A_307 = arith.cmpi ne, %convert_element_type3A_305, %cond3A_306 : i32
      scf.if %cond3A_307 {
        %add3A_386 = arith.constant 3 : i32
        %add3A_387 = arith.addi %add3A_295, %add3A_386 : i32
        %sub3A_388 = arith.constant 1 : i32
        %sub3A_389 = arith.subi %add3A_387, %sub3A_388 : i32
        %dma_start3A_390 = arith.constant 2 : i32
        %dma_start3A_391 = arith.constant 0 : i32
        %dma_start3A_392 = arith.constant 0 : i32
        %dma_start3A_393 = tpu.memref_slice %arg6[%dma_start3A_390, %dma_start3A_391, %dma_start3A_392] : memref<3x2x112xi32, #tpu.memory_space<vmem>> -> memref<1x2x112xi32, #tpu.memory_space<vmem>>
        %dma_start3A_394 = tpu.memref_squeeze %dma_start3A_393 : memref<1x2x112xi32, #tpu.memory_space<vmem>> -> memref<2x112xi32, #tpu.memory_space<vmem>>
        %dma_start3A_395 = arith.constant 0 : i32
        %dma_start3A_396 = arith.constant 0 : i32
        %dma_start3A_397 = tpu.memref_slice %arg3[%arg1, %sub3A_389, %dma_start3A_395, %dma_start3A_396] : memref<16x90x2x112xi32, #tpu.memory_space<hbm>> -> memref<1x1x2x112xi32, #tpu.memory_space<hbm>>
        %dma_start3A_398 = tpu.memref_squeeze %dma_start3A_397 : memref<1x1x2x112xi32, #tpu.memory_space<hbm>> -> memref<2x112xi32, #tpu.memory_space<hbm>>
        %dma_start3A_399 = arith.constant 0 : i32
        %dma_start3A_400 = arith.constant 0 : i32
        %dma_start3A_401 = tpu.memref_slice %arg6[%dma_start3A_390, %dma_start3A_399, %dma_start3A_400] : memref<3x2x112xi32, #tpu.memory_space<vmem>> -> memref<1x2x112xi32, #tpu.memory_space<vmem>>
        %dma_start3A_402 = tpu.memref_squeeze %dma_start3A_401 : memref<1x2x112xi32, #tpu.memory_space<vmem>> -> memref<2x112xi32, #tpu.memory_space<vmem>>
        %dma_start3A_403 = arith.constant 0 : i32
        %dma_start3A_404 = arith.constant 0 : i32
        %dma_start3A_405 = tpu.memref_slice %arg3[%arg1, %sub3A_389, %dma_start3A_403, %dma_start3A_404] : memref<16x90x2x112xi32, #tpu.memory_space<hbm>> -> memref<1x1x2x112xi32, #tpu.memory_space<hbm>>
        %dma_start3A_406 = tpu.memref_squeeze %dma_start3A_405 : memref<1x1x2x112xi32, #tpu.memory_space<hbm>> -> memref<2x112xi32, #tpu.memory_space<hbm>>
        tpu.enqueue_dma source(%dma_start3A_406 : memref<2x112xi32, #tpu.memory_space<hbm>>) target(%dma_start3A_402 : memref<2x112xi32, #tpu.memory_space<vmem>>) target_semaphore(%arg15 : memref<!tpu.dma_semaphore, #tpu.memory_space<semaphore_mem>>)
      } else {
      }
      %dma_wait3A_308 = arith.constant 0 : i32
      %dma_wait3A_309 = arith.constant 0 : i32
      %dma_wait3A_310 = tpu.memref_slice %arg7[%dma_wait3A_308, %dma_wait3A_309] : memref<3x112xi32, #tpu.memory_space<vmem>> -> memref<1x112xi32, #tpu.memory_space<vmem>>
      %dma_wait3A_311 = tpu.memref_squeeze %dma_wait3A_310 : memref<1x112xi32, #tpu.memory_space<vmem>> -> memref<112xi32, #tpu.memory_space<vmem>>
      %dma_wait3A_312 = arith.constant 0 : i32
      %dma_wait3A_313 = arith.constant 0 : i32
      %dma_wait3A_314 = tpu.memref_slice %arg2[%dma_wait3A_312, %dma_wait3A_313] : memref<20000x128xf32, #tpu.memory_space<hbm>> -> memref<20000x128xf32, #tpu.memory_space<hbm>>
      tpu.wait_indirect_dma semaphore(%arg16 : memref<!tpu.dma_semaphore, #tpu.memory_space<semaphore_mem>>) src(%dma_wait3A_314 : memref<20000x128xf32, #tpu.memory_space<hbm>>) dst(%arg9 : memref<112x128xf32, #tpu.memory_space<vmem>>)
      %dma_start3A_315 = arith.constant 0 : i32
      %dma_start3A_316 = arith.constant 0 : i32
      %dma_start3A_317 = tpu.memref_slice %arg8[%dma_start3A_315, %dma_start3A_316] : memref<3x112xi32, #tpu.memory_space<vmem>> -> memref<1x112xi32, #tpu.memory_space<vmem>>
      %dma_start3A_318 = tpu.memref_squeeze %dma_start3A_317 : memref<1x112xi32, #tpu.memory_space<vmem>> -> memref<112xi32, #tpu.memory_space<vmem>>
      %dma_start3A_319 = arith.constant 0 : i32
      %dma_start3A_320 = arith.constant 0 : i32
      %dma_start3A_321 = tpu.memref_slice %arg12[%dma_start3A_319, %dma_start3A_320] : memref<10112x128xf32, #tpu.memory_space<vmem_shared>> -> memref<10112x128xf32, #tpu.memory_space<vmem_shared>>
      tpu.enqueue_indirect_dma source(%arg9 : memref<112x128xf32, #tpu.memory_space<vmem>>) target(%dma_start3A_321 : memref<10112x128xf32, #tpu.memory_space<vmem_shared>>) offsets(%dma_start3A_318 : memref<112xi32, #tpu.memory_space<vmem>>) semaphore(%arg19 : memref<!tpu.dma_semaphore, #tpu.memory_space<semaphore_mem>>) {add = true}
      %add3A_322 = arith.constant 1 : i32
      %add3A_323 = arith.addi %add3A_293, %add3A_322 : i32
      %add3A_324 = arith.constant 1 : i32
      %add3A_325 = arith.addi %add3A_323, %add3A_324 : i32
      %lt3A_326 = arith.constant 90 : i32
      %lt3A_327 = arith.cmpi slt, %add3A_325, %lt3A_326 : i32
      %convert_element_type3A_328 = arith.extui %lt3A_327 : i1 to i32
      %cond3A_329 = arith.constant 0 : i32
      %cond3A_330 = arith.cmpi ne, %convert_element_type3A_328, %cond3A_329 : i32
      scf.if %cond3A_330 {
        %add3A_386 = arith.constant 1 : i32
        %add3A_387 = arith.addi %add3A_323, %add3A_386 : i32
        %dma_wait3A_388 = arith.constant 2 : i32
        %dma_wait3A_389 = arith.constant 0 : i32
        %dma_wait3A_390 = arith.constant 0 : i32
        %dma_wait3A_391 = tpu.memref_slice %arg6[%dma_wait3A_388, %dma_wait3A_389, %dma_wait3A_390] : memref<3x2x112xi32, #tpu.memory_space<vmem>> -> memref<1x2x112xi32, #tpu.memory_space<vmem>>
        %dma_wait3A_392 = tpu.memref_squeeze %dma_wait3A_391 : memref<1x2x112xi32, #tpu.memory_space<vmem>> -> memref<2x112xi32, #tpu.memory_space<vmem>>
        %dma_wait3A_393 = arith.constant 0 : i32
        %dma_wait3A_394 = arith.constant 0 : i32
        %dma_wait3A_395 = tpu.memref_slice %arg3[%arg1, %add3A_387, %dma_wait3A_393, %dma_wait3A_394] : memref<16x90x2x112xi32, #tpu.memory_space<hbm>> -> memref<1x1x2x112xi32, #tpu.memory_space<hbm>>
        %dma_wait3A_396 = tpu.memref_squeeze %dma_wait3A_395 : memref<1x1x2x112xi32, #tpu.memory_space<hbm>> -> memref<2x112xi32, #tpu.memory_space<hbm>>
        %dma_wait3A_397 = arith.constant 0 : i32
        %dma_wait3A_398 = arith.constant 0 : i32
        %dma_wait3A_399 = tpu.memref_slice %arg6[%dma_wait3A_388, %dma_wait3A_397, %dma_wait3A_398] : memref<3x2x112xi32, #tpu.memory_space<vmem>> -> memref<1x2x112xi32, #tpu.memory_space<vmem>>
        %dma_wait3A_400 = tpu.memref_squeeze %dma_wait3A_399 : memref<1x2x112xi32, #tpu.memory_space<vmem>> -> memref<2x112xi32, #tpu.memory_space<vmem>>
        %dma_wait3A_401 = arith.constant 0 : i32
        %dma_wait3A_402 = arith.constant 0 : i32
        %dma_wait3A_403 = tpu.memref_slice %arg3[%arg1, %add3A_387, %dma_wait3A_401, %dma_wait3A_402] : memref<16x90x2x112xi32, #tpu.memory_space<hbm>> -> memref<1x1x2x112xi32, #tpu.memory_space<hbm>>
        %dma_wait3A_404 = tpu.memref_squeeze %dma_wait3A_403 : memref<1x1x2x112xi32, #tpu.memory_space<hbm>> -> memref<2x112xi32, #tpu.memory_space<hbm>>
        tpu.wait_dma2 semaphore(%arg15 : memref<!tpu.dma_semaphore, #tpu.memory_space<semaphore_mem>>) src(%dma_wait3A_404 : memref<2x112xi32, #tpu.memory_space<hbm>>) dst(%dma_wait3A_400 : memref<2x112xi32, #tpu.memory_space<vmem>>)
        %ge3A = arith.constant 2 : i32
        %ge3A_405 = arith.cmpi sge, %add3A_323, %ge3A : i32
        %convert_element_type3A_406 = arith.extui %ge3A_405 : i1 to i32
        %cond3A_407 = arith.constant 0 : i32
        %cond3A_408 = arith.cmpi ne, %convert_element_type3A_406, %cond3A_407 : i32
        scf.if %cond3A_408 {
          %dma_wait3A_612 = arith.constant 2 : i32
          %dma_wait3A_613 = arith.constant 0 : i32
          %dma_wait3A_614 = tpu.memref_slice %arg8[%dma_wait3A_612, %dma_wait3A_613] : memref<3x112xi32, #tpu.memory_space<vmem>> -> memref<1x112xi32, #tpu.memory_space<vmem>>
          %dma_wait3A_615 = tpu.memref_squeeze %dma_wait3A_614 : memref<1x112xi32, #tpu.memory_space<vmem>> -> memref<112xi32, #tpu.memory_space<vmem>>
          %dma_wait3A_616 = arith.constant 0 : i32
          %dma_wait3A_617 = arith.constant 0 : i32
          %dma_wait3A_618 = tpu.memref_slice %arg12[%dma_wait3A_616, %dma_wait3A_617] : memref<10112x128xf32, #tpu.memory_space<vmem_shared>> -> memref<10112x128xf32, #tpu.memory_space<vmem_shared>>
          tpu.wait_indirect_dma semaphore(%arg21 : memref<!tpu.dma_semaphore, #tpu.memory_space<semaphore_mem>>) src(%arg11 : memref<112x128xf32, #tpu.memory_space<vmem>>) dst(%dma_wait3A_618 : memref<10112x128xf32, #tpu.memory_space<vmem_shared>>)
        } else {
        }
        %get3A_409 = arith.constant 2 : i32
        %get3A_410 = arith.constant 0 : i32
        %get3A_411 = arith.index_cast %get3A_409 : i32 to index
        %get3A_412 = arith.index_cast %get3A_410 : i32 to index
        %get3A_413 = arith.constant 0 : index
        %get3A_414 = tpu.vector_load %arg6[%get3A_411, %get3A_412, %get3A_413] {strides = array<i32>} : memref<3x2x112xi32, #tpu.memory_space<vmem>>, vector<1x1x16xi32>,
        %get3A_415 = vector.shape_cast %get3A_414 : vector<1x1x16xi32> to vector<16xi32>
        %add3A_416 = vector.broadcast %mul3A_5 : i32 to vector<16xi32>
        %add3A_417 = arith.addi %get3A_415, %add3A_416 : vector<16xi32>
        %swap3A_418 = arith.constant 2 : i32
        %swap3A_419 = arith.index_cast %swap3A_418 : i32 to index
        %swap3A_420 = arith.constant 0 : index
        %swap3A_421 = tpu.vector_load %arg7[%swap3A_419, %swap3A_420] {strides = array<i32>} : memref<3x112xi32, #tpu.memory_space<vmem>>, vector<1x16xi32>,
        %swap3A_422 = vector.shape_cast %swap3A_421 : vector<1x16xi32> to vector<16xi32>
        %swap3A_423 = vector.shape_cast %add3A_417 : vector<16xi32> to vector<1x16xi32>
        tpu.vector_store %arg7[%swap3A_419, %swap3A_420], %swap3A_423 {strides = array<i32>} : memref<3x112xi32, #tpu.memory_space<vmem>>, vector<1x16xi32>,
        %get3A_424 = arith.constant 2 : i32
        %get3A_425 = arith.constant 1 : i32
        %get3A_426 = arith.index_cast %get3A_424 : i32 to index
        %get3A_427 = arith.index_cast %get3A_425 : i32 to index
        %get3A_428 = arith.constant 0 : index
        %get3A_429 = tpu.vector_load %arg6[%get3A_426, %get3A_427, %get3A_428] {strides = array<i32>} : memref<3x2x112xi32, #tpu.memory_space<vmem>>, vector<1x1x16xi32>,
        %get3A_430 = vector.shape_cast %get3A_429 : vector<1x1x16xi32> to vector<16xi32>
        %swap3A_431 = arith.constant 2 : i32
        %swap3A_432 = arith.index_cast %swap3A_431 : i32 to index
        %swap3A_433 = arith.constant 0 : index
        %swap3A_434 = tpu.vector_load %arg8[%swap3A_432, %swap3A_433] {strides = array<i32>} : memref<3x112xi32, #tpu.memory_space<vmem>>, vector<1x16xi32>,
        %swap3A_435 = vector.shape_cast %swap3A_434 : vector<1x16xi32> to vector<16xi32>
        %swap3A_436 = vector.shape_cast %get3A_430 : vector<16xi32> to vector<1x16xi32>
        tpu.vector_store %arg8[%swap3A_432, %swap3A_433], %swap3A_436 {strides = array<i32>} : memref<3x112xi32, #tpu.memory_space<vmem>>, vector<1x16xi32>,
        %get3A_437 = arith.constant 2 : i32
        %get3A_438 = arith.constant 0 : i32
        %get3A_439 = arith.index_cast %get3A_437 : i32 to index
        %get3A_440 = arith.index_cast %get3A_438 : i32 to index
        %get3A_441 = arith.constant 16 : index
        %get3A_442 = tpu.vector_load %arg6[%get3A_439, %get3A_440, %get3A_441] {strides = array<i32>} : memref<3x2x112xi32, #tpu.memory_space<vmem>>, vector<1x1x16xi32>,
        %get3A_443 = vector.shape_cast %get3A_442 : vector<1x1x16xi32> to vector<16xi32>
        %add3A_444 = vector.broadcast %mul3A_5 : i32 to vector<16xi32>
        %add3A_445 = arith.addi %get3A_443, %add3A_444 : vector<16xi32>
        %swap3A_446 = arith.constant 2 : i32
        %swap3A_447 = arith.index_cast %swap3A_446 : i32 to index
        %swap3A_448 = arith.constant 16 : index
        %swap3A_449 = tpu.vector_load %arg7[%swap3A_447, %swap3A_448] {strides = array<i32>} : memref<3x112xi32, #tpu.memory_space<vmem>>, vector<1x16xi32>,
        %swap3A_450 = vector.shape_cast %swap3A_449 : vector<1x16xi32> to vector<16xi32>
        %swap3A_451 = vector.shape_cast %add3A_445 : vector<16xi32> to vector<1x16xi32>
        tpu.vector_store %arg7[%swap3A_447, %swap3A_448], %swap3A_451 {strides = array<i32>} : memref<3x112xi32, #tpu.memory_space<vmem>>, vector<1x16xi32>,
        %get3A_452 = arith.constant 2 : i32
        %get3A_453 = arith.constant 1 : i32
        %get3A_454 = arith.index_cast %get3A_452 : i32 to index
        %get3A_455 = arith.index_cast %get3A_453 : i32 to index
        %get3A_456 = arith.constant 16 : index
        %get3A_457 = tpu.vector_load %arg6[%get3A_454, %get3A_455, %get3A_456] {strides = array<i32>} : memref<3x2x112xi32, #tpu.memory_space<vmem>>, vector<1x1x16xi32>,
        %get3A_458 = vector.shape_cast %get3A_457 : vector<1x1x16xi32> to vector<16xi32>
        %swap3A_459 = arith.constant 2 : i32
        %swap3A_460 = arith.index_cast %swap3A_459 : i32 to index
        %swap3A_461 = arith.constant 16 : index
        %swap3A_462 = tpu.vector_load %arg8[%swap3A_460, %swap3A_461] {strides = array<i32>} : memref<3x112xi32, #tpu.memory_space<vmem>>, vector<1x16xi32>,
        %swap3A_463 = vector.shape_cast %swap3A_462 : vector<1x16xi32> to vector<16xi32>
        %swap3A_464 = vector.shape_cast %get3A_458 : vector<16xi32> to vector<1x16xi32>
        tpu.vector_store %arg8[%swap3A_460, %swap3A_461], %swap3A_464 {strides = array<i32>} : memref<3x112xi32, #tpu.memory_space<vmem>>, vector<1x16xi32>,
        %get3A_465 = arith.constant 2 : i32
        %get3A_466 = arith.constant 0 : i32
        %get3A_467 = arith.index_cast %get3A_465 : i32 to index
        %get3A_468 = arith.index_cast %get3A_466 : i32 to index
        %get3A_469 = arith.constant 32 : index
        %get3A_470 = tpu.vector_load %arg6[%get3A_467, %get3A_468, %get3A_469] {strides = array<i32>} : memref<3x2x112xi32, #tpu.memory_space<vmem>>, vector<1x1x16xi32>,
        %get3A_471 = vector.shape_cast %get3A_470 : vector<1x1x16xi32> to vector<16xi32>
        %add3A_472 = vector.broadcast %mul3A_5 : i32 to vector<16xi32>
        %add3A_473 = arith.addi %get3A_471, %add3A_472 : vector<16xi32>
        %swap3A_474 = arith.constant 2 : i32
        %swap3A_475 = arith.index_cast %swap3A_474 : i32 to index
        %swap3A_476 = arith.constant 32 : index
        %swap3A_477 = tpu.vector_load %arg7[%swap3A_475, %swap3A_476] {strides = array<i32>} : memref<3x112xi32, #tpu.memory_space<vmem>>, vector<1x16xi32>,
        %swap3A_478 = vector.shape_cast %swap3A_477 : vector<1x16xi32> to vector<16xi32>
        %swap3A_479 = vector.shape_cast %add3A_473 : vector<16xi32> to vector<1x16xi32>
        tpu.vector_store %arg7[%swap3A_475, %swap3A_476], %swap3A_479 {strides = array<i32>} : memref<3x112xi32, #tpu.memory_space<vmem>>, vector<1x16xi32>,
        %get3A_480 = arith.constant 2 : i32
        %get3A_481 = arith.constant 1 : i32
        %get3A_482 = arith.index_cast %get3A_480 : i32 to index
        %get3A_483 = arith.index_cast %get3A_481 : i32 to index
        %get3A_484 = arith.constant 32 : index
        %get3A_485 = tpu.vector_load %arg6[%get3A_482, %get3A_483, %get3A_484] {strides = array<i32>} : memref<3x2x112xi32, #tpu.memory_space<vmem>>, vector<1x1x16xi32>,
        %get3A_486 = vector.shape_cast %get3A_485 : vector<1x1x16xi32> to vector<16xi32>
        %swap3A_487 = arith.constant 2 : i32
        %swap3A_488 = arith.index_cast %swap3A_487 : i32 to index
        %swap3A_489 = arith.constant 32 : index
        %swap3A_490 = tpu.vector_load %arg8[%swap3A_488, %swap3A_489] {strides = array<i32>} : memref<3x112xi32, #tpu.memory_space<vmem>>, vector<1x16xi32>,
        %swap3A_491 = vector.shape_cast %swap3A_490 : vector<1x16xi32> to vector<16xi32>
        %swap3A_492 = vector.shape_cast %get3A_486 : vector<16xi32> to vector<1x16xi32>
        tpu.vector_store %arg8[%swap3A_488, %swap3A_489], %swap3A_492 {strides = array<i32>} : memref<3x112xi32, #tpu.memory_space<vmem>>, vector<1x16xi32>,
        %get3A_493 = arith.constant 2 : i32
        %get3A_494 = arith.constant 0 : i32
        %get3A_495 = arith.index_cast %get3A_493 : i32 to index
        %get3A_496 = arith.index_cast %get3A_494 : i32 to index
        %get3A_497 = arith.constant 48 : index
        %get3A_498 = tpu.vector_load %arg6[%get3A_495, %get3A_496, %get3A_497] {strides = array<i32>} : memref<3x2x112xi32, #tpu.memory_space<vmem>>, vector<1x1x16xi32>,
        %get3A_499 = vector.shape_cast %get3A_498 : vector<1x1x16xi32> to vector<16xi32>
        %add3A_500 = vector.broadcast %mul3A_5 : i32 to vector<16xi32>
        %add3A_501 = arith.addi %get3A_499, %add3A_500 : vector<16xi32>
        %swap3A_502 = arith.constant 2 : i32
        %swap3A_503 = arith.index_cast %swap3A_502 : i32 to index
        %swap3A_504 = arith.constant 48 : index
        %swap3A_505 = tpu.vector_load %arg7[%swap3A_503, %swap3A_504] {strides = array<i32>} : memref<3x112xi32, #tpu.memory_space<vmem>>, vector<1x16xi32>,
        %swap3A_506 = vector.shape_cast %swap3A_505 : vector<1x16xi32> to vector<16xi32>
        %swap3A_507 = vector.shape_cast %add3A_501 : vector<16xi32> to vector<1x16xi32>
        tpu.vector_store %arg7[%swap3A_503, %swap3A_504], %swap3A_507 {strides = array<i32>} : memref<3x112xi32, #tpu.memory_space<vmem>>, vector<1x16xi32>,
        %get3A_508 = arith.constant 2 : i32
        %get3A_509 = arith.constant 1 : i32
        %get3A_510 = arith.index_cast %get3A_508 : i32 to index
        %get3A_511 = arith.index_cast %get3A_509 : i32 to index
        %get3A_512 = arith.constant 48 : index
        %get3A_513 = tpu.vector_load %arg6[%get3A_510, %get3A_511, %get3A_512] {strides = array<i32>} : memref<3x2x112xi32, #tpu.memory_space<vmem>>, vector<1x1x16xi32>,
        %get3A_514 = vector.shape_cast %get3A_513 : vector<1x1x16xi32> to vector<16xi32>
        %swap3A_515 = arith.constant 2 : i32
        %swap3A_516 = arith.index_cast %swap3A_515 : i32 to index
        %swap3A_517 = arith.constant 48 : index
        %swap3A_518 = tpu.vector_load %arg8[%swap3A_516, %swap3A_517] {strides = array<i32>} : memref<3x112xi32, #tpu.memory_space<vmem>>, vector<1x16xi32>,
        %swap3A_519 = vector.shape_cast %swap3A_518 : vector<1x16xi32> to vector<16xi32>
        %swap3A_520 = vector.shape_cast %get3A_514 : vector<16xi32> to vector<1x16xi32>
        tpu.vector_store %arg8[%swap3A_516, %swap3A_517], %swap3A_520 {strides = array<i32>} : memref<3x112xi32, #tpu.memory_space<vmem>>, vector<1x16xi32>,
        %get3A_521 = arith.constant 2 : i32
        %get3A_522 = arith.constant 0 : i32
        %get3A_523 = arith.index_cast %get3A_521 : i32 to index
        %get3A_524 = arith.index_cast %get3A_522 : i32 to index
        %get3A_525 = arith.constant 64 : index
        %get3A_526 = tpu.vector_load %arg6[%get3A_523, %get3A_524, %get3A_525] {strides = array<i32>} : memref<3x2x112xi32, #tpu.memory_space<vmem>>, vector<1x1x16xi32>,
        %get3A_527 = vector.shape_cast %get3A_526 : vector<1x1x16xi32> to vector<16xi32>
        %add3A_528 = vector.broadcast %mul3A_5 : i32 to vector<16xi32>
        %add3A_529 = arith.addi %get3A_527, %add3A_528 : vector<16xi32>
        %swap3A_530 = arith.constant 2 : i32
        %swap3A_531 = arith.index_cast %swap3A_530 : i32 to index
        %swap3A_532 = arith.constant 64 : index
        %swap3A_533 = tpu.vector_load %arg7[%swap3A_531, %swap3A_532] {strides = array<i32>} : memref<3x112xi32, #tpu.memory_space<vmem>>, vector<1x16xi32>,
        %swap3A_534 = vector.shape_cast %swap3A_533 : vector<1x16xi32> to vector<16xi32>
        %swap3A_535 = vector.shape_cast %add3A_529 : vector<16xi32> to vector<1x16xi32>
        tpu.vector_store %arg7[%swap3A_531, %swap3A_532], %swap3A_535 {strides = array<i32>} : memref<3x112xi32, #tpu.memory_space<vmem>>, vector<1x16xi32>,
        %get3A_536 = arith.constant 2 : i32
        %get3A_537 = arith.constant 1 : i32
        %get3A_538 = arith.index_cast %get3A_536 : i32 to index
        %get3A_539 = arith.index_cast %get3A_537 : i32 to index
        %get3A_540 = arith.constant 64 : index
        %get3A_541 = tpu.vector_load %arg6[%get3A_538, %get3A_539, %get3A_540] {strides = array<i32>} : memref<3x2x112xi32, #tpu.memory_space<vmem>>, vector<1x1x16xi32>,
        %get3A_542 = vector.shape_cast %get3A_541 : vector<1x1x16xi32> to vector<16xi32>
        %swap3A_543 = arith.constant 2 : i32
        %swap3A_544 = arith.index_cast %swap3A_543 : i32 to index
        %swap3A_545 = arith.constant 64 : index
        %swap3A_546 = tpu.vector_load %arg8[%swap3A_544, %swap3A_545] {strides = array<i32>} : memref<3x112xi32, #tpu.memory_space<vmem>>, vector<1x16xi32>,
        %swap3A_547 = vector.shape_cast %swap3A_546 : vector<1x16xi32> to vector<16xi32>
        %swap3A_548 = vector.shape_cast %get3A_542 : vector<16xi32> to vector<1x16xi32>
        tpu.vector_store %arg8[%swap3A_544, %swap3A_545], %swap3A_548 {strides = array<i32>} : memref<3x112xi32, #tpu.memory_space<vmem>>, vector<1x16xi32>,
        %get3A_549 = arith.constant 2 : i32
        %get3A_550 = arith.constant 0 : i32
        %get3A_551 = arith.index_cast %get3A_549 : i32 to index
        %get3A_552 = arith.index_cast %get3A_550 : i32 to index
        %get3A_553 = arith.constant 80 : index
        %get3A_554 = tpu.vector_load %arg6[%get3A_551, %get3A_552, %get3A_553] {strides = array<i32>} : memref<3x2x112xi32, #tpu.memory_space<vmem>>, vector<1x1x16xi32>,
        %get3A_555 = vector.shape_cast %get3A_554 : vector<1x1x16xi32> to vector<16xi32>
        %add3A_556 = vector.broadcast %mul3A_5 : i32 to vector<16xi32>
        %add3A_557 = arith.addi %get3A_555, %add3A_556 : vector<16xi32>
        %swap3A_558 = arith.constant 2 : i32
        %swap3A_559 = arith.index_cast %swap3A_558 : i32 to index
        %swap3A_560 = arith.constant 80 : index
        %swap3A_561 = tpu.vector_load %arg7[%swap3A_559, %swap3A_560] {strides = array<i32>} : memref<3x112xi32, #tpu.memory_space<vmem>>, vector<1x16xi32>,
        %swap3A_562 = vector.shape_cast %swap3A_561 : vector<1x16xi32> to vector<16xi32>
        %swap3A_563 = vector.shape_cast %add3A_557 : vector<16xi32> to vector<1x16xi32>
        tpu.vector_store %arg7[%swap3A_559, %swap3A_560], %swap3A_563 {strides = array<i32>} : memref<3x112xi32, #tpu.memory_space<vmem>>, vector<1x16xi32>,
        %get3A_564 = arith.constant 2 : i32
        %get3A_565 = arith.constant 1 : i32
        %get3A_566 = arith.index_cast %get3A_564 : i32 to index
        %get3A_567 = arith.index_cast %get3A_565 : i32 to index
        %get3A_568 = arith.constant 80 : index
        %get3A_569 = tpu.vector_load %arg6[%get3A_566, %get3A_567, %get3A_568] {strides = array<i32>} : memref<3x2x112xi32, #tpu.memory_space<vmem>>, vector<1x1x16xi32>,
        %get3A_570 = vector.shape_cast %get3A_569 : vector<1x1x16xi32> to vector<16xi32>
        %swap3A_571 = arith.constant 2 : i32
        %swap3A_572 = arith.index_cast %swap3A_571 : i32 to index
        %swap3A_573 = arith.constant 80 : index
        %swap3A_574 = tpu.vector_load %arg8[%swap3A_572, %swap3A_573] {strides = array<i32>} : memref<3x112xi32, #tpu.memory_space<vmem>>, vector<1x16xi32>,
        %swap3A_575 = vector.shape_cast %swap3A_574 : vector<1x16xi32> to vector<16xi32>
        %swap3A_576 = vector.shape_cast %get3A_570 : vector<16xi32> to vector<1x16xi32>
        tpu.vector_store %arg8[%swap3A_572, %swap3A_573], %swap3A_576 {strides = array<i32>} : memref<3x112xi32, #tpu.memory_space<vmem>>, vector<1x16xi32>,
        %get3A_577 = arith.constant 2 : i32
        %get3A_578 = arith.constant 0 : i32
        %get3A_579 = arith.index_cast %get3A_577 : i32 to index
        %get3A_580 = arith.index_cast %get3A_578 : i32 to index
        %get3A_581 = arith.constant 96 : index
        %get3A_582 = tpu.vector_load %arg6[%get3A_579, %get3A_580, %get3A_581] {strides = array<i32>} : memref<3x2x112xi32, #tpu.memory_space<vmem>>, vector<1x1x16xi32>,
        %get3A_583 = vector.shape_cast %get3A_582 : vector<1x1x16xi32> to vector<16xi32>
        %add3A_584 = vector.broadcast %mul3A_5 : i32 to vector<16xi32>
        %add3A_585 = arith.addi %get3A_583, %add3A_584 : vector<16xi32>
        %swap3A_586 = arith.constant 2 : i32
        %swap3A_587 = arith.index_cast %swap3A_586 : i32 to index
        %swap3A_588 = arith.constant 96 : index
        %swap3A_589 = tpu.vector_load %arg7[%swap3A_587, %swap3A_588] {strides = array<i32>} : memref<3x112xi32, #tpu.memory_space<vmem>>, vector<1x16xi32>,
        %swap3A_590 = vector.shape_cast %swap3A_589 : vector<1x16xi32> to vector<16xi32>
        %swap3A_591 = vector.shape_cast %add3A_585 : vector<16xi32> to vector<1x16xi32>
        tpu.vector_store %arg7[%swap3A_587, %swap3A_588], %swap3A_591 {strides = array<i32>} : memref<3x112xi32, #tpu.memory_space<vmem>>, vector<1x16xi32>,
        %get3A_592 = arith.constant 2 : i32
        %get3A_593 = arith.constant 1 : i32
        %get3A_594 = arith.index_cast %get3A_592 : i32 to index
        %get3A_595 = arith.index_cast %get3A_593 : i32 to index
        %get3A_596 = arith.constant 96 : index
        %get3A_597 = tpu.vector_load %arg6[%get3A_594, %get3A_595, %get3A_596] {strides = array<i32>} : memref<3x2x112xi32, #tpu.memory_space<vmem>>, vector<1x1x16xi32>,
        %get3A_598 = vector.shape_cast %get3A_597 : vector<1x1x16xi32> to vector<16xi32>
        %swap3A_599 = arith.constant 2 : i32
        %swap3A_600 = arith.index_cast %swap3A_599 : i32 to index
        %swap3A_601 = arith.constant 96 : index
        %swap3A_602 = tpu.vector_load %arg8[%swap3A_600, %swap3A_601] {strides = array<i32>} : memref<3x112xi32, #tpu.memory_space<vmem>>, vector<1x16xi32>,
        %swap3A_603 = vector.shape_cast %swap3A_602 : vector<1x16xi32> to vector<16xi32>
        %swap3A_604 = vector.shape_cast %get3A_598 : vector<16xi32> to vector<1x16xi32>
        tpu.vector_store %arg8[%swap3A_600, %swap3A_601], %swap3A_604 {strides = array<i32>} : memref<3x112xi32, #tpu.memory_space<vmem>>, vector<1x16xi32>,
        %dma_start3A_605 = arith.constant 2 : i32
        %dma_start3A_606 = arith.constant 0 : i32
        %dma_start3A_607 = tpu.memref_slice %arg7[%dma_start3A_605, %dma_start3A_606] : memref<3x112xi32, #tpu.memory_space<vmem>> -> memref<1x112xi32, #tpu.memory_space<vmem>>
        %dma_start3A_608 = tpu.memref_squeeze %dma_start3A_607 : memref<1x112xi32, #tpu.memory_space<vmem>> -> memref<112xi32, #tpu.memory_space<vmem>>
        %dma_start3A_609 = arith.constant 0 : i32
        %dma_start3A_610 = arith.constant 0 : i32
        %dma_start3A_611 = tpu.memref_slice %arg2[%dma_start3A_609, %dma_start3A_610] : memref<20000x128xf32, #tpu.memory_space<hbm>> -> memref<20000x128xf32, #tpu.memory_space<hbm>>
        tpu.enqueue_indirect_dma source(%dma_start3A_611 : memref<20000x128xf32, #tpu.memory_space<hbm>>) target(%arg11 : memref<112x128xf32, #tpu.memory_space<vmem>>) offsets(%dma_start3A_608 : memref<112xi32, #tpu.memory_space<vmem>>) semaphore(%arg18 : memref<!tpu.dma_semaphore, #tpu.memory_space<semaphore_mem>>)
      } else {
      }
      %add3A_331 = arith.constant 3 : i32
      %add3A_332 = arith.addi %add3A_323, %add3A_331 : i32
      %sub3A_333 = arith.constant 1 : i32
      %sub3A_334 = arith.subi %add3A_332, %sub3A_333 : i32
      %lt3A_335 = arith.constant 90 : i32
      %lt3A_336 = arith.cmpi slt, %sub3A_334, %lt3A_335 : i32
      %convert_element_type3A_337 = arith.extui %lt3A_336 : i1 to i32
      %cond3A_338 = arith.constant 0 : i32
      %cond3A_339 = arith.cmpi ne, %convert_element_type3A_337, %cond3A_338 : i32
      scf.if %cond3A_339 {
        %add3A_386 = arith.constant 3 : i32
        %add3A_387 = arith.addi %add3A_323, %add3A_386 : i32
        %sub3A_388 = arith.constant 1 : i32
        %sub3A_389 = arith.subi %add3A_387, %sub3A_388 : i32
        %dma_start3A_390 = arith.constant 0 : i32
        %dma_start3A_391 = arith.constant 0 : i32
        %dma_start3A_392 = arith.constant 0 : i32
        %dma_start3A_393 = tpu.memref_slice %arg6[%dma_start3A_390, %dma_start3A_391, %dma_start3A_392] : memref<3x2x112xi32, #tpu.memory_space<vmem>> -> memref<1x2x112xi32, #tpu.memory_space<vmem>>
        %dma_start3A_394 = tpu.memref_squeeze %dma_start3A_393 : memref<1x2x112xi32, #tpu.memory_space<vmem>> -> memref<2x112xi32, #tpu.memory_space<vmem>>
        %dma_start3A_395 = arith.constant 0 : i32
        %dma_start3A_396 = arith.constant 0 : i32
        %dma_start3A_397 = tpu.memref_slice %arg3[%arg1, %sub3A_389, %dma_start3A_395, %dma_start3A_396] : memref<16x90x2x112xi32, #tpu.memory_space<hbm>> -> memref<1x1x2x112xi32, #tpu.memory_space<hbm>>
        %dma_start3A_398 = tpu.memref_squeeze %dma_start3A_397 : memref<1x1x2x112xi32, #tpu.memory_space<hbm>> -> memref<2x112xi32, #tpu.memory_space<hbm>>
        %dma_start3A_399 = arith.constant 0 : i32
        %dma_start3A_400 = arith.constant 0 : i32
        %dma_start3A_401 = tpu.memref_slice %arg6[%dma_start3A_390, %dma_start3A_399, %dma_start3A_400] : memref<3x2x112xi32, #tpu.memory_space<vmem>> -> memref<1x2x112xi32, #tpu.memory_space<vmem>>
        %dma_start3A_402 = tpu.memref_squeeze %dma_start3A_401 : memref<1x2x112xi32, #tpu.memory_space<vmem>> -> memref<2x112xi32, #tpu.memory_space<vmem>>
        %dma_start3A_403 = arith.constant 0 : i32
        %dma_start3A_404 = arith.constant 0 : i32
        %dma_start3A_405 = tpu.memref_slice %arg3[%arg1, %sub3A_389, %dma_start3A_403, %dma_start3A_404] : memref<16x90x2x112xi32, #tpu.memory_space<hbm>> -> memref<1x1x2x112xi32, #tpu.memory_space<hbm>>
        %dma_start3A_406 = tpu.memref_squeeze %dma_start3A_405 : memref<1x1x2x112xi32, #tpu.memory_space<hbm>> -> memref<2x112xi32, #tpu.memory_space<hbm>>
        tpu.enqueue_dma source(%dma_start3A_406 : memref<2x112xi32, #tpu.memory_space<hbm>>) target(%dma_start3A_402 : memref<2x112xi32, #tpu.memory_space<vmem>>) target_semaphore(%arg13 : memref<!tpu.dma_semaphore, #tpu.memory_space<semaphore_mem>>)
      } else {
      }
      %dma_wait3A_340 = arith.constant 1 : i32
      %dma_wait3A_341 = arith.constant 0 : i32
      %dma_wait3A_342 = tpu.memref_slice %arg7[%dma_wait3A_340, %dma_wait3A_341] : memref<3x112xi32, #tpu.memory_space<vmem>> -> memref<1x112xi32, #tpu.memory_space<vmem>>
      %dma_wait3A_343 = tpu.memref_squeeze %dma_wait3A_342 : memref<1x112xi32, #tpu.memory_space<vmem>> -> memref<112xi32, #tpu.memory_space<vmem>>
      %dma_wait3A_344 = arith.constant 0 : i32
      %dma_wait3A_345 = arith.constant 0 : i32
      %dma_wait3A_346 = tpu.memref_slice %arg2[%dma_wait3A_344, %dma_wait3A_345] : memref<20000x128xf32, #tpu.memory_space<hbm>> -> memref<20000x128xf32, #tpu.memory_space<hbm>>
      tpu.wait_indirect_dma semaphore(%arg17 : memref<!tpu.dma_semaphore, #tpu.memory_space<semaphore_mem>>) src(%dma_wait3A_346 : memref<20000x128xf32, #tpu.memory_space<hbm>>) dst(%arg10 : memref<112x128xf32, #tpu.memory_space<vmem>>)
      %dma_start3A_347 = arith.constant 1 : i32
      %dma_start3A_348 = arith.constant 0 : i32
      %dma_start3A_349 = tpu.memref_slice %arg8[%dma_start3A_347, %dma_start3A_348] : memref<3x112xi32, #tpu.memory_space<vmem>> -> memref<1x112xi32, #tpu.memory_space<vmem>>
      %dma_start3A_350 = tpu.memref_squeeze %dma_start3A_349 : memref<1x112xi32, #tpu.memory_space<vmem>> -> memref<112xi32, #tpu.memory_space<vmem>>
      %dma_start3A_351 = arith.constant 0 : i32
      %dma_start3A_352 = arith.constant 0 : i32
      %dma_start3A_353 = tpu.memref_slice %arg12[%dma_start3A_351, %dma_start3A_352] : memref<10112x128xf32, #tpu.memory_space<vmem_shared>> -> memref<10112x128xf32, #tpu.memory_space<vmem_shared>>
      tpu.enqueue_indirect_dma source(%arg10 : memref<112x128xf32, #tpu.memory_space<vmem>>) target(%dma_start3A_353 : memref<10112x128xf32, #tpu.memory_space<vmem_shared>>) offsets(%dma_start3A_350 : memref<112xi32, #tpu.memory_space<vmem>>) semaphore(%arg20 : memref<!tpu.dma_semaphore, #tpu.memory_space<semaphore_mem>>) {add = true}
      %add3A_354 = arith.constant 2 : i32
      %add3A_355 = arith.addi %add3A_293, %add3A_354 : i32
      %add3A_356 = arith.constant 1 : i32
      %add3A_357 = arith.addi %add3A_355, %add3A_356 : i32
      %lt3A_358 = arith.constant 90 : i32
      %lt3A_359 = arith.cmpi slt, %add3A_357, %lt3A_358 : i32
      %convert_element_type3A_360 = arith.extui %lt3A_359 : i1 to i32
      %cond3A_361 = arith.constant 0 : i32
      %cond3A_362 = arith.cmpi ne, %convert_element_type3A_360, %cond3A_361 : i32
      scf.if %cond3A_362 {
        %add3A_386 = arith.constant 1 : i32
        %add3A_387 = arith.addi %add3A_355, %add3A_386 : i32
        %dma_wait3A_388 = arith.constant 0 : i32
        %dma_wait3A_389 = arith.constant 0 : i32
        %dma_wait3A_390 = arith.constant 0 : i32
        %dma_wait3A_391 = tpu.memref_slice %arg6[%dma_wait3A_388, %dma_wait3A_389, %dma_wait3A_390] : memref<3x2x112xi32, #tpu.memory_space<vmem>> -> memref<1x2x112xi32, #tpu.memory_space<vmem>>
        %dma_wait3A_392 = tpu.memref_squeeze %dma_wait3A_391 : memref<1x2x112xi32, #tpu.memory_space<vmem>> -> memref<2x112xi32, #tpu.memory_space<vmem>>
        %dma_wait3A_393 = arith.constant 0 : i32
        %dma_wait3A_394 = arith.constant 0 : i32
        %dma_wait3A_395 = tpu.memref_slice %arg3[%arg1, %add3A_387, %dma_wait3A_393, %dma_wait3A_394] : memref<16x90x2x112xi32, #tpu.memory_space<hbm>> -> memref<1x1x2x112xi32, #tpu.memory_space<hbm>>
        %dma_wait3A_396 = tpu.memref_squeeze %dma_wait3A_395 : memref<1x1x2x112xi32, #tpu.memory_space<hbm>> -> memref<2x112xi32, #tpu.memory_space<hbm>>
        %dma_wait3A_397 = arith.constant 0 : i32
        %dma_wait3A_398 = arith.constant 0 : i32
        %dma_wait3A_399 = tpu.memref_slice %arg6[%dma_wait3A_388, %dma_wait3A_397, %dma_wait3A_398] : memref<3x2x112xi32, #tpu.memory_space<vmem>> -> memref<1x2x112xi32, #tpu.memory_space<vmem>>
        %dma_wait3A_400 = tpu.memref_squeeze %dma_wait3A_399 : memref<1x2x112xi32, #tpu.memory_space<vmem>> -> memref<2x112xi32, #tpu.memory_space<vmem>>
        %dma_wait3A_401 = arith.constant 0 : i32
        %dma_wait3A_402 = arith.constant 0 : i32
        %dma_wait3A_403 = tpu.memref_slice %arg3[%arg1, %add3A_387, %dma_wait3A_401, %dma_wait3A_402] : memref<16x90x2x112xi32, #tpu.memory_space<hbm>> -> memref<1x1x2x112xi32, #tpu.memory_space<hbm>>
        %dma_wait3A_404 = tpu.memref_squeeze %dma_wait3A_403 : memref<1x1x2x112xi32, #tpu.memory_space<hbm>> -> memref<2x112xi32, #tpu.memory_space<hbm>>
        tpu.wait_dma2 semaphore(%arg13 : memref<!tpu.dma_semaphore, #tpu.memory_space<semaphore_mem>>) src(%dma_wait3A_404 : memref<2x112xi32, #tpu.memory_space<hbm>>) dst(%dma_wait3A_400 : memref<2x112xi32, #tpu.memory_space<vmem>>)
        %ge3A = arith.constant 2 : i32
        %ge3A_405 = arith.cmpi sge, %add3A_355, %ge3A : i32
        %convert_element_type3A_406 = arith.extui %ge3A_405 : i1 to i32
        %cond3A_407 = arith.constant 0 : i32
        %cond3A_408 = arith.cmpi ne, %convert_element_type3A_406, %cond3A_407 : i32
        scf.if %cond3A_408 {
          %dma_wait3A_612 = arith.constant 0 : i32
          %dma_wait3A_613 = arith.constant 0 : i32
          %dma_wait3A_614 = tpu.memref_slice %arg8[%dma_wait3A_612, %dma_wait3A_613] : memref<3x112xi32, #tpu.memory_space<vmem>> -> memref<1x112xi32, #tpu.memory_space<vmem>>
          %dma_wait3A_615 = tpu.memref_squeeze %dma_wait3A_614 : memref<1x112xi32, #tpu.memory_space<vmem>> -> memref<112xi32, #tpu.memory_space<vmem>>
          %dma_wait3A_616 = arith.constant 0 : i32
          %dma_wait3A_617 = arith.constant 0 : i32
          %dma_wait3A_618 = tpu.memref_slice %arg12[%dma_wait3A_616, %dma_wait3A_617] : memref<10112x128xf32, #tpu.memory_space<vmem_shared>> -> memref<10112x128xf32, #tpu.memory_space<vmem_shared>>
          tpu.wait_indirect_dma semaphore(%arg19 : memref<!tpu.dma_semaphore, #tpu.memory_space<semaphore_mem>>) src(%arg9 : memref<112x128xf32, #tpu.memory_space<vmem>>) dst(%dma_wait3A_618 : memref<10112x128xf32, #tpu.memory_space<vmem_shared>>)
        } else {
        }
        %get3A_409 = arith.constant 0 : i32
        %get3A_410 = arith.constant 0 : i32
        %get3A_411 = arith.index_cast %get3A_409 : i32 to index
        %get3A_412 = arith.index_cast %get3A_410 : i32 to index
        %get3A_413 = arith.constant 0 : index
        %get3A_414 = tpu.vector_load %arg6[%get3A_411, %get3A_412, %get3A_413] {strides = array<i32>} : memref<3x2x112xi32, #tpu.memory_space<vmem>>, vector<1x1x16xi32>,
        %get3A_415 = vector.shape_cast %get3A_414 : vector<1x1x16xi32> to vector<16xi32>
        %add3A_416 = vector.broadcast %mul3A_5 : i32 to vector<16xi32>
        %add3A_417 = arith.addi %get3A_415, %add3A_416 : vector<16xi32>
        %swap3A_418 = arith.constant 0 : i32
        %swap3A_419 = arith.index_cast %swap3A_418 : i32 to index
        %swap3A_420 = arith.constant 0 : index
        %swap3A_421 = tpu.vector_load %arg7[%swap3A_419, %swap3A_420] {strides = array<i32>} : memref<3x112xi32, #tpu.memory_space<vmem>>, vector<1x16xi32>,
        %swap3A_422 = vector.shape_cast %swap3A_421 : vector<1x16xi32> to vector<16xi32>
        %swap3A_423 = vector.shape_cast %add3A_417 : vector<16xi32> to vector<1x16xi32>
        tpu.vector_store %arg7[%swap3A_419, %swap3A_420], %swap3A_423 {strides = array<i32>} : memref<3x112xi32, #tpu.memory_space<vmem>>, vector<1x16xi32>,
        %get3A_424 = arith.constant 0 : i32
        %get3A_425 = arith.constant 1 : i32
        %get3A_426 = arith.index_cast %get3A_424 : i32 to index
        %get3A_427 = arith.index_cast %get3A_425 : i32 to index
        %get3A_428 = arith.constant 0 : index
        %get3A_429 = tpu.vector_load %arg6[%get3A_426, %get3A_427, %get3A_428] {strides = array<i32>} : memref<3x2x112xi32, #tpu.memory_space<vmem>>, vector<1x1x16xi32>,
        %get3A_430 = vector.shape_cast %get3A_429 : vector<1x1x16xi32> to vector<16xi32>
        %swap3A_431 = arith.constant 0 : i32
        %swap3A_432 = arith.index_cast %swap3A_431 : i32 to index
        %swap3A_433 = arith.constant 0 : index
        %swap3A_434 = tpu.vector_load %arg8[%swap3A_432, %swap3A_433] {strides = array<i32>} : memref<3x112xi32, #tpu.memory_space<vmem>>, vector<1x16xi32>,
        %swap3A_435 = vector.shape_cast %swap3A_434 : vector<1x16xi32> to vector<16xi32>
        %swap3A_436 = vector.shape_cast %get3A_430 : vector<16xi32> to vector<1x16xi32>
        tpu.vector_store %arg8[%swap3A_432, %swap3A_433], %swap3A_436 {strides = array<i32>} : memref<3x112xi32, #tpu.memory_space<vmem>>, vector<1x16xi32>,
        %get3A_437 = arith.constant 0 : i32
        %get3A_438 = arith.constant 0 : i32
        %get3A_439 = arith.index_cast %get3A_437 : i32 to index
        %get3A_440 = arith.index_cast %get3A_438 : i32 to index
        %get3A_441 = arith.constant 16 : index
        %get3A_442 = tpu.vector_load %arg6[%get3A_439, %get3A_440, %get3A_441] {strides = array<i32>} : memref<3x2x112xi32, #tpu.memory_space<vmem>>, vector<1x1x16xi32>,
        %get3A_443 = vector.shape_cast %get3A_442 : vector<1x1x16xi32> to vector<16xi32>
        %add3A_444 = vector.broadcast %mul3A_5 : i32 to vector<16xi32>
        %add3A_445 = arith.addi %get3A_443, %add3A_444 : vector<16xi32>
        %swap3A_446 = arith.constant 0 : i32
        %swap3A_447 = arith.index_cast %swap3A_446 : i32 to index
        %swap3A_448 = arith.constant 16 : index
        %swap3A_449 = tpu.vector_load %arg7[%swap3A_447, %swap3A_448] {strides = array<i32>} : memref<3x112xi32, #tpu.memory_space<vmem>>, vector<1x16xi32>,
        %swap3A_450 = vector.shape_cast %swap3A_449 : vector<1x16xi32> to vector<16xi32>
        %swap3A_451 = vector.shape_cast %add3A_445 : vector<16xi32> to vector<1x16xi32>
        tpu.vector_store %arg7[%swap3A_447, %swap3A_448], %swap3A_451 {strides = array<i32>} : memref<3x112xi32, #tpu.memory_space<vmem>>, vector<1x16xi32>,
        %get3A_452 = arith.constant 0 : i32
        %get3A_453 = arith.constant 1 : i32
        %get3A_454 = arith.index_cast %get3A_452 : i32 to index
        %get3A_455 = arith.index_cast %get3A_453 : i32 to index
        %get3A_456 = arith.constant 16 : index
        %get3A_457 = tpu.vector_load %arg6[%get3A_454, %get3A_455, %get3A_456] {strides = array<i32>} : memref<3x2x112xi32, #tpu.memory_space<vmem>>, vector<1x1x16xi32>,
        %get3A_458 = vector.shape_cast %get3A_457 : vector<1x1x16xi32> to vector<16xi32>
        %swap3A_459 = arith.constant 0 : i32
        %swap3A_460 = arith.index_cast %swap3A_459 : i32 to index
        %swap3A_461 = arith.constant 16 : index
        %swap3A_462 = tpu.vector_load %arg8[%swap3A_460, %swap3A_461] {strides = array<i32>} : memref<3x112xi32, #tpu.memory_space<vmem>>, vector<1x16xi32>,
        %swap3A_463 = vector.shape_cast %swap3A_462 : vector<1x16xi32> to vector<16xi32>
        %swap3A_464 = vector.shape_cast %get3A_458 : vector<16xi32> to vector<1x16xi32>
        tpu.vector_store %arg8[%swap3A_460, %swap3A_461], %swap3A_464 {strides = array<i32>} : memref<3x112xi32, #tpu.memory_space<vmem>>, vector<1x16xi32>,
        %get3A_465 = arith.constant 0 : i32
        %get3A_466 = arith.constant 0 : i32
        %get3A_467 = arith.index_cast %get3A_465 : i32 to index
        %get3A_468 = arith.index_cast %get3A_466 : i32 to index
        %get3A_469 = arith.constant 32 : index
        %get3A_470 = tpu.vector_load %arg6[%get3A_467, %get3A_468, %get3A_469] {strides = array<i32>} : memref<3x2x112xi32, #tpu.memory_space<vmem>>, vector<1x1x16xi32>,
        %get3A_471 = vector.shape_cast %get3A_470 : vector<1x1x16xi32> to vector<16xi32>
        %add3A_472 = vector.broadcast %mul3A_5 : i32 to vector<16xi32>
        %add3A_473 = arith.addi %get3A_471, %add3A_472 : vector<16xi32>
        %swap3A_474 = arith.constant 0 : i32
        %swap3A_475 = arith.index_cast %swap3A_474 : i32 to index
        %swap3A_476 = arith.constant 32 : index
        %swap3A_477 = tpu.vector_load %arg7[%swap3A_475, %swap3A_476] {strides = array<i32>} : memref<3x112xi32, #tpu.memory_space<vmem>>, vector<1x16xi32>,
        %swap3A_478 = vector.shape_cast %swap3A_477 : vector<1x16xi32> to vector<16xi32>
        %swap3A_479 = vector.shape_cast %add3A_473 : vector<16xi32> to vector<1x16xi32>
        tpu.vector_store %arg7[%swap3A_475, %swap3A_476], %swap3A_479 {strides = array<i32>} : memref<3x112xi32, #tpu.memory_space<vmem>>, vector<1x16xi32>,
        %get3A_480 = arith.constant 0 : i32
        %get3A_481 = arith.constant 1 : i32
        %get3A_482 = arith.index_cast %get3A_480 : i32 to index
        %get3A_483 = arith.index_cast %get3A_481 : i32 to index
        %get3A_484 = arith.constant 32 : index
        %get3A_485 = tpu.vector_load %arg6[%get3A_482, %get3A_483, %get3A_484] {strides = array<i32>} : memref<3x2x112xi32, #tpu.memory_space<vmem>>, vector<1x1x16xi32>,
        %get3A_486 = vector.shape_cast %get3A_485 : vector<1x1x16xi32> to vector<16xi32>
        %swap3A_487 = arith.constant 0 : i32
        %swap3A_488 = arith.index_cast %swap3A_487 : i32 to index
        %swap3A_489 = arith.constant 32 : index
        %swap3A_490 = tpu.vector_load %arg8[%swap3A_488, %swap3A_489] {strides = array<i32>} : memref<3x112xi32, #tpu.memory_space<vmem>>, vector<1x16xi32>,
        %swap3A_491 = vector.shape_cast %swap3A_490 : vector<1x16xi32> to vector<16xi32>
        %swap3A_492 = vector.shape_cast %get3A_486 : vector<16xi32> to vector<1x16xi32>
        tpu.vector_store %arg8[%swap3A_488, %swap3A_489], %swap3A_492 {strides = array<i32>} : memref<3x112xi32, #tpu.memory_space<vmem>>, vector<1x16xi32>,
        %get3A_493 = arith.constant 0 : i32
        %get3A_494 = arith.constant 0 : i32
        %get3A_495 = arith.index_cast %get3A_493 : i32 to index
        %get3A_496 = arith.index_cast %get3A_494 : i32 to index
        %get3A_497 = arith.constant 48 : index
        %get3A_498 = tpu.vector_load %arg6[%get3A_495, %get3A_496, %get3A_497] {strides = array<i32>} : memref<3x2x112xi32, #tpu.memory_space<vmem>>, vector<1x1x16xi32>,
        %get3A_499 = vector.shape_cast %get3A_498 : vector<1x1x16xi32> to vector<16xi32>
        %add3A_500 = vector.broadcast %mul3A_5 : i32 to vector<16xi32>
        %add3A_501 = arith.addi %get3A_499, %add3A_500 : vector<16xi32>
        %swap3A_502 = arith.constant 0 : i32
        %swap3A_503 = arith.index_cast %swap3A_502 : i32 to index
        %swap3A_504 = arith.constant 48 : index
        %swap3A_505 = tpu.vector_load %arg7[%swap3A_503, %swap3A_504] {strides = array<i32>} : memref<3x112xi32, #tpu.memory_space<vmem>>, vector<1x16xi32>,
        %swap3A_506 = vector.shape_cast %swap3A_505 : vector<1x16xi32> to vector<16xi32>
        %swap3A_507 = vector.shape_cast %add3A_501 : vector<16xi32> to vector<1x16xi32>
        tpu.vector_store %arg7[%swap3A_503, %swap3A_504], %swap3A_507 {strides = array<i32>} : memref<3x112xi32, #tpu.memory_space<vmem>>, vector<1x16xi32>,
        %get3A_508 = arith.constant 0 : i32
        %get3A_509 = arith.constant 1 : i32
        %get3A_510 = arith.index_cast %get3A_508 : i32 to index
        %get3A_511 = arith.index_cast %get3A_509 : i32 to index
        %get3A_512 = arith.constant 48 : index
        %get3A_513 = tpu.vector_load %arg6[%get3A_510, %get3A_511, %get3A_512] {strides = array<i32>} : memref<3x2x112xi32, #tpu.memory_space<vmem>>, vector<1x1x16xi32>,
        %get3A_514 = vector.shape_cast %get3A_513 : vector<1x1x16xi32> to vector<16xi32>
        %swap3A_515 = arith.constant 0 : i32
        %swap3A_516 = arith.index_cast %swap3A_515 : i32 to index
        %swap3A_517 = arith.constant 48 : index
        %swap3A_518 = tpu.vector_load %arg8[%swap3A_516, %swap3A_517] {strides = array<i32>} : memref<3x112xi32, #tpu.memory_space<vmem>>, vector<1x16xi32>,
        %swap3A_519 = vector.shape_cast %swap3A_518 : vector<1x16xi32> to vector<16xi32>
        %swap3A_520 = vector.shape_cast %get3A_514 : vector<16xi32> to vector<1x16xi32>
        tpu.vector_store %arg8[%swap3A_516, %swap3A_517], %swap3A_520 {strides = array<i32>} : memref<3x112xi32, #tpu.memory_space<vmem>>, vector<1x16xi32>,
        %get3A_521 = arith.constant 0 : i32
        %get3A_522 = arith.constant 0 : i32
        %get3A_523 = arith.index_cast %get3A_521 : i32 to index
        %get3A_524 = arith.index_cast %get3A_522 : i32 to index
        %get3A_525 = arith.constant 64 : index
        %get3A_526 = tpu.vector_load %arg6[%get3A_523, %get3A_524, %get3A_525] {strides = array<i32>} : memref<3x2x112xi32, #tpu.memory_space<vmem>>, vector<1x1x16xi32>,
        %get3A_527 = vector.shape_cast %get3A_526 : vector<1x1x16xi32> to vector<16xi32>
        %add3A_528 = vector.broadcast %mul3A_5 : i32 to vector<16xi32>
        %add3A_529 = arith.addi %get3A_527, %add3A_528 : vector<16xi32>
        %swap3A_530 = arith.constant 0 : i32
        %swap3A_531 = arith.index_cast %swap3A_530 : i32 to index
        %swap3A_532 = arith.constant 64 : index
        %swap3A_533 = tpu.vector_load %arg7[%swap3A_531, %swap3A_532] {strides = array<i32>} : memref<3x112xi32, #tpu.memory_space<vmem>>, vector<1x16xi32>,
        %swap3A_534 = vector.shape_cast %swap3A_533 : vector<1x16xi32> to vector<16xi32>
        %swap3A_535 = vector.shape_cast %add3A_529 : vector<16xi32> to vector<1x16xi32>
        tpu.vector_store %arg7[%swap3A_531, %swap3A_532], %swap3A_535 {strides = array<i32>} : memref<3x112xi32, #tpu.memory_space<vmem>>, vector<1x16xi32>,
        %get3A_536 = arith.constant 0 : i32
        %get3A_537 = arith.constant 1 : i32
        %get3A_538 = arith.index_cast %get3A_536 : i32 to index
        %get3A_539 = arith.index_cast %get3A_537 : i32 to index
        %get3A_540 = arith.constant 64 : index
        %get3A_541 = tpu.vector_load %arg6[%get3A_538, %get3A_539, %get3A_540] {strides = array<i32>} : memref<3x2x112xi32, #tpu.memory_space<vmem>>, vector<1x1x16xi32>,
        %get3A_542 = vector.shape_cast %get3A_541 : vector<1x1x16xi32> to vector<16xi32>
        %swap3A_543 = arith.constant 0 : i32
        %swap3A_544 = arith.index_cast %swap3A_543 : i32 to index
        %swap3A_545 = arith.constant 64 : index
        %swap3A_546 = tpu.vector_load %arg8[%swap3A_544, %swap3A_545] {strides = array<i32>} : memref<3x112xi32, #tpu.memory_space<vmem>>, vector<1x16xi32>,
        %swap3A_547 = vector.shape_cast %swap3A_546 : vector<1x16xi32> to vector<16xi32>
        %swap3A_548 = vector.shape_cast %get3A_542 : vector<16xi32> to vector<1x16xi32>
        tpu.vector_store %arg8[%swap3A_544, %swap3A_545], %swap3A_548 {strides = array<i32>} : memref<3x112xi32, #tpu.memory_space<vmem>>, vector<1x16xi32>,
        %get3A_549 = arith.constant 0 : i32
        %get3A_550 = arith.constant 0 : i32
        %get3A_551 = arith.index_cast %get3A_549 : i32 to index
        %get3A_552 = arith.index_cast %get3A_550 : i32 to index
        %get3A_553 = arith.constant 80 : index
        %get3A_554 = tpu.vector_load %arg6[%get3A_551, %get3A_552, %get3A_553] {strides = array<i32>} : memref<3x2x112xi32, #tpu.memory_space<vmem>>, vector<1x1x16xi32>,
        %get3A_555 = vector.shape_cast %get3A_554 : vector<1x1x16xi32> to vector<16xi32>
        %add3A_556 = vector.broadcast %mul3A_5 : i32 to vector<16xi32>
        %add3A_557 = arith.addi %get3A_555, %add3A_556 : vector<16xi32>
        %swap3A_558 = arith.constant 0 : i32
        %swap3A_559 = arith.index_cast %swap3A_558 : i32 to index
        %swap3A_560 = arith.constant 80 : index
        %swap3A_561 = tpu.vector_load %arg7[%swap3A_559, %swap3A_560] {strides = array<i32>} : memref<3x112xi32, #tpu.memory_space<vmem>>, vector<1x16xi32>,
        %swap3A_562 = vector.shape_cast %swap3A_561 : vector<1x16xi32> to vector<16xi32>
        %swap3A_563 = vector.shape_cast %add3A_557 : vector<16xi32> to vector<1x16xi32>
        tpu.vector_store %arg7[%swap3A_559, %swap3A_560], %swap3A_563 {strides = array<i32>} : memref<3x112xi32, #tpu.memory_space<vmem>>, vector<1x16xi32>,
        %get3A_564 = arith.constant 0 : i32
        %get3A_565 = arith.constant 1 : i32
        %get3A_566 = arith.index_cast %get3A_564 : i32 to index
        %get3A_567 = arith.index_cast %get3A_565 : i32 to index
        %get3A_568 = arith.constant 80 : index
        %get3A_569 = tpu.vector_load %arg6[%get3A_566, %get3A_567, %get3A_568] {strides = array<i32>} : memref<3x2x112xi32, #tpu.memory_space<vmem>>, vector<1x1x16xi32>,
        %get3A_570 = vector.shape_cast %get3A_569 : vector<1x1x16xi32> to vector<16xi32>
        %swap3A_571 = arith.constant 0 : i32
        %swap3A_572 = arith.index_cast %swap3A_571 : i32 to index
        %swap3A_573 = arith.constant 80 : index
        %swap3A_574 = tpu.vector_load %arg8[%swap3A_572, %swap3A_573] {strides = array<i32>} : memref<3x112xi32, #tpu.memory_space<vmem>>, vector<1x16xi32>,
        %swap3A_575 = vector.shape_cast %swap3A_574 : vector<1x16xi32> to vector<16xi32>
        %swap3A_576 = vector.shape_cast %get3A_570 : vector<16xi32> to vector<1x16xi32>
        tpu.vector_store %arg8[%swap3A_572, %swap3A_573], %swap3A_576 {strides = array<i32>} : memref<3x112xi32, #tpu.memory_space<vmem>>, vector<1x16xi32>,
        %get3A_577 = arith.constant 0 : i32
        %get3A_578 = arith.constant 0 : i32
        %get3A_579 = arith.index_cast %get3A_577 : i32 to index
        %get3A_580 = arith.index_cast %get3A_578 : i32 to index
        %get3A_581 = arith.constant 96 : index
        %get3A_582 = tpu.vector_load %arg6[%get3A_579, %get3A_580, %get3A_581] {strides = array<i32>} : memref<3x2x112xi32, #tpu.memory_space<vmem>>, vector<1x1x16xi32>,
        %get3A_583 = vector.shape_cast %get3A_582 : vector<1x1x16xi32> to vector<16xi32>
        %add3A_584 = vector.broadcast %mul3A_5 : i32 to vector<16xi32>
        %add3A_585 = arith.addi %get3A_583, %add3A_584 : vector<16xi32>
        %swap3A_586 = arith.constant 0 : i32
        %swap3A_587 = arith.index_cast %swap3A_586 : i32 to index
        %swap3A_588 = arith.constant 96 : index
        %swap3A_589 = tpu.vector_load %arg7[%swap3A_587, %swap3A_588] {strides = array<i32>} : memref<3x112xi32, #tpu.memory_space<vmem>>, vector<1x16xi32>,
        %swap3A_590 = vector.shape_cast %swap3A_589 : vector<1x16xi32> to vector<16xi32>
        %swap3A_591 = vector.shape_cast %add3A_585 : vector<16xi32> to vector<1x16xi32>
        tpu.vector_store %arg7[%swap3A_587, %swap3A_588], %swap3A_591 {strides = array<i32>} : memref<3x112xi32, #tpu.memory_space<vmem>>, vector<1x16xi32>,
        %get3A_592 = arith.constant 0 : i32
        %get3A_593 = arith.constant 1 : i32
        %get3A_594 = arith.index_cast %get3A_592 : i32 to index
        %get3A_595 = arith.index_cast %get3A_593 : i32 to index
        %get3A_596 = arith.constant 96 : index
        %get3A_597 = tpu.vector_load %arg6[%get3A_594, %get3A_595, %get3A_596] {strides = array<i32>} : memref<3x2x112xi32, #tpu.memory_space<vmem>>, vector<1x1x16xi32>,
        %get3A_598 = vector.shape_cast %get3A_597 : vector<1x1x16xi32> to vector<16xi32>
        %swap3A_599 = arith.constant 0 : i32
        %swap3A_600 = arith.index_cast %swap3A_599 : i32 to index
        %swap3A_601 = arith.constant 96 : index
        %swap3A_602 = tpu.vector_load %arg8[%swap3A_600, %swap3A_601] {strides = array<i32>} : memref<3x112xi32, #tpu.memory_space<vmem>>, vector<1x16xi32>,
        %swap3A_603 = vector.shape_cast %swap3A_602 : vector<1x16xi32> to vector<16xi32>
        %swap3A_604 = vector.shape_cast %get3A_598 : vector<16xi32> to vector<1x16xi32>
        tpu.vector_store %arg8[%swap3A_600, %swap3A_601], %swap3A_604 {strides = array<i32>} : memref<3x112xi32, #tpu.memory_space<vmem>>, vector<1x16xi32>,
        %dma_start3A_605 = arith.constant 0 : i32
        %dma_start3A_606 = arith.constant 0 : i32
        %dma_start3A_607 = tpu.memref_slice %arg7[%dma_start3A_605, %dma_start3A_606] : memref<3x112xi32, #tpu.memory_space<vmem>> -> memref<1x112xi32, #tpu.memory_space<vmem>>
        %dma_start3A_608 = tpu.memref_squeeze %dma_start3A_607 : memref<1x112xi32, #tpu.memory_space<vmem>> -> memref<112xi32, #tpu.memory_space<vmem>>
        %dma_start3A_609 = arith.constant 0 : i32
        %dma_start3A_610 = arith.constant 0 : i32
        %dma_start3A_611 = tpu.memref_slice %arg2[%dma_start3A_609, %dma_start3A_610] : memref<20000x128xf32, #tpu.memory_space<hbm>> -> memref<20000x128xf32, #tpu.memory_space<hbm>>
        tpu.enqueue_indirect_dma source(%dma_start3A_611 : memref<20000x128xf32, #tpu.memory_space<hbm>>) target(%arg9 : memref<112x128xf32, #tpu.memory_space<vmem>>) offsets(%dma_start3A_608 : memref<112xi32, #tpu.memory_space<vmem>>) semaphore(%arg16 : memref<!tpu.dma_semaphore, #tpu.memory_space<semaphore_mem>>)
      } else {
      }
      %add3A_363 = arith.constant 3 : i32
      %add3A_364 = arith.addi %add3A_355, %add3A_363 : i32
      %sub3A_365 = arith.constant 1 : i32
      %sub3A_366 = arith.subi %add3A_364, %sub3A_365 : i32
      %lt3A_367 = arith.constant 90 : i32
      %lt3A_368 = arith.cmpi slt, %sub3A_366, %lt3A_367 : i32
      %convert_element_type3A_369 = arith.extui %lt3A_368 : i1 to i32
      %cond3A_370 = arith.constant 0 : i32
      %cond3A_371 = arith.cmpi ne, %convert_element_type3A_369, %cond3A_370 : i32
      scf.if %cond3A_371 {
        %add3A_386 = arith.constant 3 : i32
        %add3A_387 = arith.addi %add3A_355, %add3A_386 : i32
        %sub3A_388 = arith.constant 1 : i32
        %sub3A_389 = arith.subi %add3A_387, %sub3A_388 : i32
        %dma_start3A_390 = arith.constant 1 : i32
        %dma_start3A_391 = arith.constant 0 : i32
        %dma_start3A_392 = arith.constant 0 : i32
        %dma_start3A_393 = tpu.memref_slice %arg6[%dma_start3A_390, %dma_start3A_391, %dma_start3A_392] : memref<3x2x112xi32, #tpu.memory_space<vmem>> -> memref<1x2x112xi32, #tpu.memory_space<vmem>>
        %dma_start3A_394 = tpu.memref_squeeze %dma_start3A_393 : memref<1x2x112xi32, #tpu.memory_space<vmem>> -> memref<2x112xi32, #tpu.memory_space<vmem>>
        %dma_start3A_395 = arith.constant 0 : i32
        %dma_start3A_396 = arith.constant 0 : i32
        %dma_start3A_397 = tpu.memref_slice %arg3[%arg1, %sub3A_389, %dma_start3A_395, %dma_start3A_396] : memref<16x90x2x112xi32, #tpu.memory_space<hbm>> -> memref<1x1x2x112xi32, #tpu.memory_space<hbm>>
        %dma_start3A_398 = tpu.memref_squeeze %dma_start3A_397 : memref<1x1x2x112xi32, #tpu.memory_space<hbm>> -> memref<2x112xi32, #tpu.memory_space<hbm>>
        %dma_start3A_399 = arith.constant 0 : i32
        %dma_start3A_400 = arith.constant 0 : i32
        %dma_start3A_401 = tpu.memref_slice %arg6[%dma_start3A_390, %dma_start3A_399, %dma_start3A_400] : memref<3x2x112xi32, #tpu.memory_space<vmem>> -> memref<1x2x112xi32, #tpu.memory_space<vmem>>
        %dma_start3A_402 = tpu.memref_squeeze %dma_start3A_401 : memref<1x2x112xi32, #tpu.memory_space<vmem>> -> memref<2x112xi32, #tpu.memory_space<vmem>>
        %dma_start3A_403 = arith.constant 0 : i32
        %dma_start3A_404 = arith.constant 0 : i32
        %dma_start3A_405 = tpu.memref_slice %arg3[%arg1, %sub3A_389, %dma_start3A_403, %dma_start3A_404] : memref<16x90x2x112xi32, #tpu.memory_space<hbm>> -> memref<1x1x2x112xi32, #tpu.memory_space<hbm>>
        %dma_start3A_406 = tpu.memref_squeeze %dma_start3A_405 : memref<1x1x2x112xi32, #tpu.memory_space<hbm>> -> memref<2x112xi32, #tpu.memory_space<hbm>>
        tpu.enqueue_dma source(%dma_start3A_406 : memref<2x112xi32, #tpu.memory_space<hbm>>) target(%dma_start3A_402 : memref<2x112xi32, #tpu.memory_space<vmem>>) target_semaphore(%arg14 : memref<!tpu.dma_semaphore, #tpu.memory_space<semaphore_mem>>)
      } else {
      }
      %dma_wait3A_372 = arith.constant 2 : i32
      %dma_wait3A_373 = arith.constant 0 : i32
      %dma_wait3A_374 = tpu.memref_slice %arg7[%dma_wait3A_372, %dma_wait3A_373] : memref<3x112xi32, #tpu.memory_space<vmem>> -> memref<1x112xi32, #tpu.memory_space<vmem>>
      %dma_wait3A_375 = tpu.memref_squeeze %dma_wait3A_374 : memref<1x112xi32, #tpu.memory_space<vmem>> -> memref<112xi32, #tpu.memory_space<vmem>>
      %dma_wait3A_376 = arith.constant 0 : i32
      %dma_wait3A_377 = arith.constant 0 : i32
      %dma_wait3A_378 = tpu.memref_slice %arg2[%dma_wait3A_376, %dma_wait3A_377] : memref<20000x128xf32, #tpu.memory_space<hbm>> -> memref<20000x128xf32, #tpu.memory_space<hbm>>
      tpu.wait_indirect_dma semaphore(%arg18 : memref<!tpu.dma_semaphore, #tpu.memory_space<semaphore_mem>>) src(%dma_wait3A_378 : memref<20000x128xf32, #tpu.memory_space<hbm>>) dst(%arg11 : memref<112x128xf32, #tpu.memory_space<vmem>>)
      %dma_start3A_379 = arith.constant 2 : i32
      %dma_start3A_380 = arith.constant 0 : i32
      %dma_start3A_381 = tpu.memref_slice %arg8[%dma_start3A_379, %dma_start3A_380] : memref<3x112xi32, #tpu.memory_space<vmem>> -> memref<1x112xi32, #tpu.memory_space<vmem>>
      %dma_start3A_382 = tpu.memref_squeeze %dma_start3A_381 : memref<1x112xi32, #tpu.memory_space<vmem>> -> memref<112xi32, #tpu.memory_space<vmem>>
      %dma_start3A_383 = arith.constant 0 : i32
      %dma_start3A_384 = arith.constant 0 : i32
      %dma_start3A_385 = tpu.memref_slice %arg12[%dma_start3A_383, %dma_start3A_384] : memref<10112x128xf32, #tpu.memory_space<vmem_shared>> -> memref<10112x128xf32, #tpu.memory_space<vmem_shared>>
      tpu.enqueue_indirect_dma source(%arg11 : memref<112x128xf32, #tpu.memory_space<vmem>>) target(%dma_start3A_385 : memref<10112x128xf32, #tpu.memory_space<vmem_shared>>) offsets(%dma_start3A_382 : memref<112xi32, #tpu.memory_space<vmem>>) semaphore(%arg21 : memref<!tpu.dma_semaphore, #tpu.memory_space<semaphore_mem>>) {add = true}
    }
    %scan3A_262 = arith.constant 30 : i32
    %dma_wait3A_263 = arith.constant 0 : i32
    %dma_wait3A_264 = arith.constant 0 : i32
    %dma_wait3A_265 = tpu.memref_slice %arg8[%dma_wait3A_263, %dma_wait3A_264] : memref<3x112xi32, #tpu.memory_space<vmem>> -> memref<1x112xi32, #tpu.memory_space<vmem>>
    %dma_wait3A_266 = tpu.memref_squeeze %dma_wait3A_265 : memref<1x112xi32, #tpu.memory_space<vmem>> -> memref<112xi32, #tpu.memory_space<vmem>>
    %dma_wait3A_267 = arith.constant 0 : i32
    %dma_wait3A_268 = arith.constant 0 : i32
    %dma_wait3A_269 = tpu.memref_slice %arg12[%dma_wait3A_267, %dma_wait3A_268] : memref<10112x128xf32, #tpu.memory_space<vmem_shared>> -> memref<10112x128xf32, #tpu.memory_space<vmem_shared>>
    tpu.wait_indirect_dma semaphore(%arg19 : memref<!tpu.dma_semaphore, #tpu.memory_space<semaphore_mem>>) src(%arg9 : memref<112x128xf32, #tpu.memory_space<vmem>>) dst(%dma_wait3A_269 : memref<10112x128xf32, #tpu.memory_space<vmem_shared>>)
    %dma_wait3A_270 = arith.constant 1 : i32
    %dma_wait3A_271 = arith.constant 0 : i32
    %dma_wait3A_272 = tpu.memref_slice %arg8[%dma_wait3A_270, %dma_wait3A_271] : memref<3x112xi32, #tpu.memory_space<vmem>> -> memref<1x112xi32, #tpu.memory_space<vmem>>
    %dma_wait3A_273 = tpu.memref_squeeze %dma_wait3A_272 : memref<1x112xi32, #tpu.memory_space<vmem>> -> memref<112xi32, #tpu.memory_space<vmem>>
    %dma_wait3A_274 = arith.constant 0 : i32
    %dma_wait3A_275 = arith.constant 0 : i32
    %dma_wait3A_276 = tpu.memref_slice %arg12[%dma_wait3A_274, %dma_wait3A_275] : memref<10112x128xf32, #tpu.memory_space<vmem_shared>> -> memref<10112x128xf32, #tpu.memory_space<vmem_shared>>
    tpu.wait_indirect_dma semaphore(%arg20 : memref<!tpu.dma_semaphore, #tpu.memory_space<semaphore_mem>>) src(%arg10 : memref<112x128xf32, #tpu.memory_space<vmem>>) dst(%dma_wait3A_276 : memref<10112x128xf32, #tpu.memory_space<vmem_shared>>)
    %dma_wait3A_277 = arith.constant 2 : i32
    %dma_wait3A_278 = arith.constant 0 : i32
    %dma_wait3A_279 = tpu.memref_slice %arg8[%dma_wait3A_277, %dma_wait3A_278] : memref<3x112xi32, #tpu.memory_space<vmem>> -> memref<1x112xi32, #tpu.memory_space<vmem>>
    %dma_wait3A_280 = tpu.memref_squeeze %dma_wait3A_279 : memref<1x112xi32, #tpu.memory_space<vmem>> -> memref<112xi32, #tpu.memory_space<vmem>>
    %dma_wait3A_281 = arith.constant 0 : i32
    %dma_wait3A_282 = arith.constant 0 : i32
    %dma_wait3A_283 = tpu.memref_slice %arg12[%dma_wait3A_281, %dma_wait3A_282] : memref<10112x128xf32, #tpu.memory_space<vmem_shared>> -> memref<10112x128xf32, #tpu.memory_space<vmem_shared>>
    tpu.wait_indirect_dma semaphore(%arg21 : memref<!tpu.dma_semaphore, #tpu.memory_space<semaphore_mem>>) src(%arg11 : memref<112x128xf32, #tpu.memory_space<vmem>>) dst(%dma_wait3A_283 : memref<10112x128xf32, #tpu.memory_space<vmem_shared>>)
    %barrier3A_284 = arith.constant 0 : index
    tpu.barrier barrier_id(%barrier3A_284)
    %mul3A_285 = arith.constant 632 : i32
    %mul3A_286 = arith.muli %arg1, %mul3A_285 : i32
    %mul3A_287 = arith.constant 632 : i32
    %mul3A_288 = arith.muli %arg1, %mul3A_287 : i32
    "tpu.region"() ({
      %run_scoped3A = tpu.sem_alloc : memref<!tpu.dma_semaphore, #tpu.memory_space<semaphore_mem>>
      %dma_start3A_289 = arith.constant 0 : i32
      %dma_start3A_290 = tpu.memref_slice %arg5[%add3A_1, %mul3A_288, %dma_start3A_289] : memref<2x10112x128xf32, #tpu.memory_space<hbm>> -> memref<1x632x128xf32, #tpu.memory_space<hbm>>
      %dma_start3A_291 = tpu.memref_squeeze %dma_start3A_290 : memref<1x632x128xf32, #tpu.memory_space<hbm>> -> memref<632x128xf32, #tpu.memory_space<hbm>>
      %dma_start3A_292 = arith.constant 0 : i32
      %dma_start3A_293 = tpu.memref_slice %arg12[%mul3A_286, %dma_start3A_292] : memref<10112x128xf32, #tpu.memory_space<vmem_shared>> -> memref<632x128xf32, #tpu.memory_space<vmem_shared>>
      tpu.enqueue_dma source(%dma_start3A_293 : memref<632x128xf32, #tpu.memory_space<vmem_shared>>) target(%dma_start3A_291 : memref<632x128xf32, #tpu.memory_space<hbm>>) target_semaphore(%run_scoped3A : memref<!tpu.dma_semaphore, #tpu.memory_space<semaphore_mem>>)
      %dma_wait3A_294 = arith.constant 0 : i32
      %dma_wait3A_295 = tpu.memref_slice %arg5[%add3A_1, %mul3A_288, %dma_wait3A_294] : memref<2x10112x128xf32, #tpu.memory_space<hbm>> -> memref<1x632x128xf32, #tpu.memory_space<hbm>>
      %dma_wait3A_296 = tpu.memref_squeeze %dma_wait3A_295 : memref<1x632x128xf32, #tpu.memory_space<hbm>> -> memref<632x128xf32, #tpu.memory_space<hbm>>
      %dma_wait3A_297 = arith.constant 0 : i32
      %dma_wait3A_298 = tpu.memref_slice %arg12[%mul3A_286, %dma_wait3A_297] : memref<10112x128xf32, #tpu.memory_space<vmem_shared>> -> memref<632x128xf32, #tpu.memory_space<vmem_shared>>
      tpu.wait_dma2 semaphore(%run_scoped3A : memref<!tpu.dma_semaphore, #tpu.memory_space<semaphore_mem>>) src(%dma_wait3A_298 : memref<632x128xf32, #tpu.memory_space<vmem_shared>>) dst(%dma_wait3A_296 : memref<632x128xf32, #tpu.memory_space<hbm>>)
      tpu.yield
    }) : () -> ()
    return
  }
}

module attributes {stable_mosaic.version = 14 : i64} {
  func.func @_tc12_body(%arg0: i32, %arg1: memref<2000x256xf32, #tpu.memory_space<vmem>>, %arg2: memref<2x2000x128xf32, #tpu.memory_space<vmem>>, %arg3: memref<256x1024xbf16, #tpu.memory_space<vmem>>, %arg4: memref<1x1024xf32, #tpu.memory_space<vmem>>, %arg5: memref<1024x256xbf16, #tpu.memory_space<vmem>>, %arg6: memref<2x2000x128xf32, #tpu.memory_space<vmem>>) attributes {dimension_semantics = [#tpu.dimension_semantics<arbitrary>], iteration_bounds = array<i64: 5>, scalar_prefetch = 0 : i64, scratch_operands = 0 : i64, tpu.core_type = #tpu.core_type<tc>, window_params = [{transform_indices = @transform_0, window_bounds = array<i64: 2000, 256>}, {transform_indices = @transform_1, window_bounds = array<i64: 2, 2000, 128>}, {pipeline_mode = #tpu.pipeline_mode<synchronous>, transform_indices = @transform_2, window_bounds = array<i64: 256, 1024>}, {pipeline_mode = #tpu.pipeline_mode<synchronous>, transform_indices = @transform_3, window_bounds = array<i64: 1, 1024>}, {pipeline_mode = #tpu.pipeline_mode<synchronous>, transform_indices = @transform_4, window_bounds = array<i64: 1024, 256>}, {transform_indices = @transform_5, window_bounds = array<i64: 2, 2000, 128>}]} {
    %get3A = arith.constant 0 : index
    %get3A_0 = arith.constant 0 : index
    %get3A_1 = arith.constant 0 : index
    %get3A_2 = vector.load %arg2[%get3A, %get3A_0, %get3A_1] : memref<2x2000x128xf32, #tpu.memory_space<vmem>>, vector<1x2000x128xf32>
    %get3A_3 = vector.shape_cast %get3A_2 : vector<1x2000x128xf32> to vector<2000x128xf32>
    %get3A_4 = arith.constant 1 : index
    %get3A_5 = arith.constant 0 : index
    %get3A_6 = arith.constant 0 : index
    %get3A_7 = vector.load %arg2[%get3A_4, %get3A_5, %get3A_6] : memref<2x2000x128xf32, #tpu.memory_space<vmem>>, vector<1x2000x128xf32>
    %get3A_8 = vector.shape_cast %get3A_7 : vector<1x2000x128xf32> to vector<2000x128xf32>
    %concatenate3A = tpu.concatenate %get3A_3, %get3A_8 in 1 : vector<2000x128xf32>, vector<2000x128xf32> -> vector<2000x256xf32>
    %get3A_9 = arith.constant 0 : index
    %get3A_10 = arith.constant 0 : index
    %get3A_11 = vector.load %arg1[%get3A_9, %get3A_10] : memref<2000x256xf32, #tpu.memory_space<vmem>>, vector<2000x256xf32>
    %add3A = arith.addf %get3A_11, %concatenate3A : vector<2000x256xf32>
    %convert_element_type3A = arith.truncf %add3A : vector<2000x256xf32> to vector<2000x256xbf16>
    %get3A_12 = arith.constant 0 : index
    %get3A_13 = arith.constant 0 : index
    %get3A_14 = vector.load %arg3[%get3A_12, %get3A_13] : memref<256x1024xbf16, #tpu.memory_space<vmem>>, vector<256x1024xbf16>
    %dot_general3A = arith.constant dense<0.000000e+00> : vector<2000x1024xf32>
    %dot_general3A_15 = tpu.matmul %convert_element_type3A, %get3A_14, %dot_general3A {dimension_numbers = #tpu.dot_dimension_numbers<[1], [0], [0], [1], [0, 0, 1, 1], [], []>, transpose_lhs_hint = false} : vector<2000x256xbf16>, vector<256x1024xbf16>, vector<2000x1024xf32> -> vector<2000x1024xf32>
    %get3A_16 = arith.constant 0 : index
    %get3A_17 = arith.constant 0 : index
    %get3A_18 = vector.load %arg4[%get3A_16, %get3A_17] : memref<1x1024xf32, #tpu.memory_space<vmem>>, vector<1x1024xf32>
    %add3A_19 = vector.broadcast %get3A_18 : vector<1x1024xf32> to vector<2000x1024xf32>
    %add3A_20 = arith.addf %dot_general3A_15, %add3A_19 : vector<2000x1024xf32>
    %max3A = arith.constant 0.000000e+00 : f32
    %max3A_21 = vector.broadcast %max3A : f32 to vector<2000x1024xf32>
    %max3A_22 = arith.maximumf %add3A_20, %max3A_21 : vector<2000x1024xf32>
    %convert_element_type3A_23 = arith.truncf %max3A_22 : vector<2000x1024xf32> to vector<2000x1024xbf16>
    %get3A_24 = arith.constant 0 : index
    %get3A_25 = arith.constant 0 : index
    %get3A_26 = vector.load %arg5[%get3A_24, %get3A_25] : memref<1024x256xbf16, #tpu.memory_space<vmem>>, vector<1024x256xbf16>
    %dot_general3A_27 = arith.constant dense<0.000000e+00> : vector<2000x256xf32>
    %dot_general3A_28 = tpu.matmul %convert_element_type3A_23, %get3A_26, %dot_general3A_27 {dimension_numbers = #tpu.dot_dimension_numbers<[1], [0], [0], [1], [0, 0, 1, 1], [], []>, transpose_lhs_hint = false} : vector<2000x1024xbf16>, vector<1024x256xbf16>, vector<2000x256xf32> -> vector<2000x256xf32>
    %slice3A = vector.extract_strided_slice %dot_general3A_28 {offsets = [0, 0], sizes = [2000, 128], strides = [1, 1]} : vector<2000x256xf32> to vector<2000x128xf32>
    %swap3A = arith.constant 0 : index
    %swap3A_29 = arith.constant 0 : index
    %swap3A_30 = arith.constant 0 : index
    %swap3A_31 = vector.load %arg6[%swap3A, %swap3A_29, %swap3A_30] : memref<2x2000x128xf32, #tpu.memory_space<vmem>>, vector<1x2000x128xf32>
    %swap3A_32 = vector.shape_cast %swap3A_31 : vector<1x2000x128xf32> to vector<2000x128xf32>
    %swap3A_33 = vector.shape_cast %slice3A : vector<2000x128xf32> to vector<1x2000x128xf32>
    tpu.vector_store %arg6[%swap3A, %swap3A_29, %swap3A_30], %swap3A_33 {strides = array<i32>} : memref<2x2000x128xf32, #tpu.memory_space<vmem>>, vector<1x2000x128xf32>,
    %slice3A_34 = vector.extract_strided_slice %dot_general3A_28 {offsets = [0, 128], sizes = [2000, 128], strides = [1, 1]} : vector<2000x256xf32> to vector<2000x128xf32>
    %swap3A_35 = arith.constant 1 : index
    %swap3A_36 = arith.constant 0 : index
    %swap3A_37 = arith.constant 0 : index
    %swap3A_38 = vector.load %arg6[%swap3A_35, %swap3A_36, %swap3A_37] : memref<2x2000x128xf32, #tpu.memory_space<vmem>>, vector<1x2000x128xf32>
    %swap3A_39 = vector.shape_cast %swap3A_38 : vector<1x2000x128xf32> to vector<2000x128xf32>
    %swap3A_40 = vector.shape_cast %slice3A_34 : vector<2000x128xf32> to vector<1x2000x128xf32>
    tpu.vector_store %arg6[%swap3A_35, %swap3A_36, %swap3A_37], %swap3A_40 {strides = array<i32>} : memref<2x2000x128xf32, #tpu.memory_space<vmem>>, vector<1x2000x128xf32>,
    return
  }
  func.func @transform_0(%arg0: i32) -> (i32, i32) {
    %c0_i32 = arith.constant 0 : i32
    %c0_i32_0 = arith.constant 0 : i32
    return %arg0, %c0_i32 : i32, i32
  }
  func.func @transform_1(%arg0: i32) -> (i32, i32, i32) {
    %c0_i32 = arith.constant 0 : i32
    %c0_i32_0 = arith.constant 0 : i32
    %c0_i32_1 = arith.constant 0 : i32
    return %c0_i32, %arg0, %c0_i32_0 : i32, i32, i32
  }
  func.func @transform_2(%arg0: i32) -> (i32, i32) {
    %c0_i32 = arith.constant 0 : i32
    %c0_i32_0 = arith.constant 0 : i32
    %c0_i32_1 = arith.constant 0 : i32
    return %c0_i32, %c0_i32_0 : i32, i32
  }
  func.func @transform_3(%arg0: i32) -> (i32, i32) {
    %c0_i32 = arith.constant 0 : i32
    %c0_i32_0 = arith.constant 0 : i32
    %c0_i32_1 = arith.constant 0 : i32
    return %c0_i32, %c0_i32_0 : i32, i32
  }
  func.func @transform_4(%arg0: i32) -> (i32, i32) {
    %c0_i32 = arith.constant 0 : i32
    %c0_i32_0 = arith.constant 0 : i32
    %c0_i32_1 = arith.constant 0 : i32
    return %c0_i32, %c0_i32_0 : i32, i32
  }
  func.func @transform_5(%arg0: i32) -> (i32, i32, i32) {
    %c0_i32 = arith.constant 0 : i32
    %c0_i32_0 = arith.constant 0 : i32
    %c0_i32_1 = arith.constant 0 : i32
    return %c0_i32, %arg0, %c0_i32_0 : i32, i32, i32
  }
}

module attributes {stable_mosaic.version = 14 : i64} {
  func.func @_tc3_body(%arg0: i32, %arg1: memref<2x2000x128xf32, #tpu.memory_space<vmem>>, %arg2: memref<2x2000x128xf32, #tpu.memory_space<vmem>>, %arg3: memref<1x256xf32, #tpu.memory_space<vmem>>, %arg4: memref<2000x256xf32, #tpu.memory_space<vmem>>) attributes {dimension_semantics = [#tpu.dimension_semantics<arbitrary>], iteration_bounds = array<i64: 5>, scalar_prefetch = 0 : i64, scratch_operands = 0 : i64, tpu.core_type = #tpu.core_type<tc>, window_params = [{transform_indices = @transform_0, window_bounds = array<i64: 2, 2000, 128>}, {transform_indices = @transform_1, window_bounds = array<i64: 2, 2000, 128>}, {pipeline_mode = #tpu.pipeline_mode<synchronous>, transform_indices = @transform_2, window_bounds = array<i64: 1, 256>}, {transform_indices = @transform_3, window_bounds = array<i64: 2000, 256>}]} {
    %get3A = arith.constant 0 : index
    %get3A_0 = arith.constant 0 : index
    %get3A_1 = arith.constant 0 : index
    %get3A_2 = vector.load %arg1[%get3A, %get3A_0, %get3A_1] : memref<2x2000x128xf32, #tpu.memory_space<vmem>>, vector<1x2000x128xf32>
    %get3A_3 = vector.shape_cast %get3A_2 : vector<1x2000x128xf32> to vector<2000x128xf32>
    %get3A_4 = arith.constant 0 : index
    %get3A_5 = arith.constant 0 : index
    %get3A_6 = arith.constant 0 : index
    %get3A_7 = vector.load %arg2[%get3A_4, %get3A_5, %get3A_6] : memref<2x2000x128xf32, #tpu.memory_space<vmem>>, vector<1x2000x128xf32>
    %get3A_8 = vector.shape_cast %get3A_7 : vector<1x2000x128xf32> to vector<2000x128xf32>
    %add3A = arith.addf %get3A_3, %get3A_8 : vector<2000x128xf32>
    %get3A_9 = arith.constant 1 : index
    %get3A_10 = arith.constant 0 : index
    %get3A_11 = arith.constant 0 : index
    %get3A_12 = vector.load %arg1[%get3A_9, %get3A_10, %get3A_11] : memref<2x2000x128xf32, #tpu.memory_space<vmem>>, vector<1x2000x128xf32>
    %get3A_13 = vector.shape_cast %get3A_12 : vector<1x2000x128xf32> to vector<2000x128xf32>
    %get3A_14 = arith.constant 1 : index
    %get3A_15 = arith.constant 0 : index
    %get3A_16 = arith.constant 0 : index
    %get3A_17 = vector.load %arg2[%get3A_14, %get3A_15, %get3A_16] : memref<2x2000x128xf32, #tpu.memory_space<vmem>>, vector<1x2000x128xf32>
    %get3A_18 = vector.shape_cast %get3A_17 : vector<1x2000x128xf32> to vector<2000x128xf32>
    %add3A_19 = arith.addf %get3A_13, %get3A_18 : vector<2000x128xf32>
    %concatenate3A = tpu.concatenate %add3A, %add3A_19 in 1 : vector<2000x128xf32>, vector<2000x128xf32> -> vector<2000x256xf32>
    %get3A_20 = arith.constant 0 : index
    %get3A_21 = arith.constant 0 : index
    %get3A_22 = vector.load %arg3[%get3A_20, %get3A_21] : memref<1x256xf32, #tpu.memory_space<vmem>>, vector<1x256xf32>
    %add3A_23 = vector.broadcast %get3A_22 : vector<1x256xf32> to vector<2000x256xf32>
    %add3A_24 = arith.addf %concatenate3A, %add3A_23 : vector<2000x256xf32>
    %swap3A = arith.constant 0 : index
    %swap3A_25 = arith.constant 0 : index
    %swap3A_26 = vector.load %arg4[%swap3A, %swap3A_25] : memref<2000x256xf32, #tpu.memory_space<vmem>>, vector<2000x256xf32>
    tpu.vector_store %arg4[%swap3A, %swap3A_25], %add3A_24 {strides = array<i32>} : memref<2000x256xf32, #tpu.memory_space<vmem>>, vector<2000x256xf32>,
    return
  }
  func.func @transform_0(%arg0: i32) -> (i32, i32, i32) {
    %c0_i32 = arith.constant 0 : i32
    %c0_i32_0 = arith.constant 0 : i32
    %c0_i32_1 = arith.constant 0 : i32
    return %c0_i32, %arg0, %c0_i32_0 : i32, i32, i32
  }
  func.func @transform_1(%arg0: i32) -> (i32, i32, i32) {
    %c0_i32 = arith.constant 0 : i32
    %c0_i32_0 = arith.constant 0 : i32
    %c0_i32_1 = arith.constant 0 : i32
    return %c0_i32, %arg0, %c0_i32_0 : i32, i32, i32
  }
  func.func @transform_2(%arg0: i32) -> (i32, i32) {
    %c0_i32 = arith.constant 0 : i32
    %c0_i32_0 = arith.constant 0 : i32
    %c0_i32_1 = arith.constant 0 : i32
    return %c0_i32, %c0_i32_0 : i32, i32
  }
  func.func @transform_3(%arg0: i32) -> (i32, i32) {
    %c0_i32 = arith.constant 0 : i32
    %c0_i32_0 = arith.constant 0 : i32
    return %arg0, %c0_i32 : i32, i32
  }
}

</mosaic_0001>

<sc_bundles>
// kernel: kernel.6.cloned.1.call-start
scs
__scs_entry_jumppad:
0x0: {  	(pc) =	sbr.rel $0x88, $3  }
0x1: {  	(tag) =	ssettag $0x0;
	lr =	simm.s32 $0x1  }
0x2: {  	[smem:$0x3F9B] =	sst lr;
	_ =	strace $0xD0000000  }
0x3: {  	_ = 	snop  }
0x4: {  	_ = 	snop  }
0x5: {  	_ = 	snop  }
0x6: {  	_ = 	snop  }
0x7: {  	_ = 	snop  }
__scs_overlays_trampoline_lowered:
0x8: {  	[smem:$0x3FAA] =	sst s0  }
0x9: {  	[smem:$0x3FAB] =	sst s1  }
0xa: {  	[smem:$0x3FAC] =	sst s2  }
0xb: {  	[smem:$0x3FAD] =	sst s3  }
0xc: {  	[smem:$0x3FAE] =	sst s4  }
0xd: {  	[smem:$0x3FAF] =	sst s5  }
0xe: {  	[smem:$0x3FB0] =	sst s6  }
0xf: {  	[smem:$0x3FB1] =	sst s7  }
0x10: {  	[smem:$0x3FB2] =	sst s8  }
0x11: {  	[smem:$0x3FB3] =	sst s9;
	s0 =	simm.s32 @!p0 $0x0  }
0x12: {  	s1 =	sld [smem:$0x3F99];
	s0 =	simm.s32 @p0 $0x1  }
0x13: {  	[smem:$0x3FB4] =	sst s0;
	s0 =	simm.s32 @!p1 $0x0  }
0x14: {  	s2 =	sld [smem:$0x3F98];
	s0 =	simm.s32 @p1 $0x1  }
0x15: {  	[smem:$0x3FB5] =	sst s0;
	s0 =	simm.s32 @!p2 $0x0  }
0x16: {  	s3 =	sld [smem:$0x3FDB];
	s0 =	simm.s32 @p2 $0x1  }
0x17: {  	s4 =	simm.s32 $0x1BF5;
	[smem:$0x3FB7] =	sst s0  }
0x18: {  	s0 =	sld [smem:$0x3F9A];
	_ =	swait.ge [sflag:s4], $0x0  }
0x19: {  	s7 =	sld [smem:$0x3F9B]  }
0x1a: {  	s8 =	sadd.s32 $0xFFFFE003, lr  }
0x1b: {  	s9 =	sadd.s32 $0xFFFFFEF7, lr;
	s5 =	simm.s32 $0xFFFFFFFF;
	p2 =	slt.u32 s8, $0xFFFFF086  }
0x1c: {  	p1 =	slt.u32 s9, $0xF7A;
	s5 =	simm.s32 @!p2 $0x0  }
0x1d: {  	s5 =	simm.s32 @p1 $0x1;
	p0 =	seq.s32 s7, s2  }
0x1e: {  	s7 =	smul.u32 @!p0 $0xF7A, s2;
	p2 =	seq.s32 @!p0 s5, $0x0  }
0x1f: {  	s9 =	smul.u32 $0xF7A, s1;
	s8 =	simm.s32 @!p0 $0x1BF5;
	p2 =	por !p2, p0  }
0x20: {  	[sflag:s8] =	ssyncset.s32 @!p0 $0xFFFFF086;
	s6 =	sadd.s32 @!p0 s3, s7;
	s7 =	simm.s32 @!p0 $0x108  }
0x21: {  	s3 =	sadd.s32 s3, s9;
	s6 =	sadd.s32 @!p0 $0x88, s6;
	s7 =	simm.s32 @p2 $0x1082  }
0x22: {  	[simem:s7], [sflag:s8] =	dma.local @!p0 [hbm:s6], $0xF7A  }
0x23: {  	s9 =	sor.u32 $0xD0000000, s2;
	s6 =	simm.s32 $0x108;
	_ =	swait.ge @!p0 [sflag:s8], $0x0  }
0x24: {  	s3 =	sadd.s32 $0x88, s3;
	s6 =	simm.s32 @!p1 $0x1082;
	[sflag:s4] =	ssyncset.s32 $0xFFFFF086  }
0x25: {  	[simem:s6], [sflag:s4] =	dma.local [hbm:s3], $0xF7A  }
0x26: {  	[smem:$0x3F9B] =	sst s1;
	(tag) =	ssettag s2;
	_ =	strace s9  }
0x27: {  	s1 =	sld [smem:$0x3FAB]  }
0x28: {  	s2 =	sld [smem:$0x3FAC]  }
0x29: {  	s4 =	sld [smem:$0x3FAE]  }
0x2a: {  	p0 =	seq.s32 s5, $0x0;
	s5 =	sld [smem:$0x3FAF]  }
0x2b: {  	s6 =	sld [smem:$0x3FB0]  }
0x2c: {  	s7 =	sld [smem:$0x3FB1]  }
0x2d: {  	s3 =	simm.s32 $0x108;
	s8 =	sld [smem:$0x3FB2]  }
0x2e: {  	s3 =	simm.s32 @!p0 $0x1082;
	s9 =	sld [smem:$0x3FB3]  }
0x2f: {  	lr =	sadd.s32 s0, s3;
	s0 =	sld [smem:$0x3FAA]  }
0x30: {  	s3 =	sld [smem:$0x3FAD]  }
0x31: {  	[smem:$0x3FB6] =	sst s10  }
0x32: {  	s10 =	sld [smem:$0x3FB4];
	_ =	sdelay $0x3  }
0x33: {  	p0 =	seq.s32 s10, $0x1;
	s10 =	sld [smem:$0x3FB6];
	_ =	sdelay $0x3  }
0x34: {  	[smem:$0x3FB6] =	sst s10  }
0x35: {  	s10 =	sld [smem:$0x3FB5];
	_ =	sdelay $0x3  }
0x36: {  	p1 =	seq.s32 s10, $0x1;
	s10 =	sld [smem:$0x3FB6];
	_ =	sdelay $0x3  }
0x37: {  	[smem:$0x3FB6] =	sst s10  }
0x38: {  	s10 =	sld [smem:$0x3FB7]  }
0x39: {  	_ = 	snop;
	(pc) =	sbr.ind lr, $3  }
0x3a: {  	_ = 	snop  }
0x3b: {  	_ = 	snop  }
0x3c: {  	p2 =	seq.s32 s10, $0x1;
	s10 =	sld [smem:$0x3FB6]  }
0x3d: {  	_ =	shalt  }
0x3e: {  	_ =	shalt  }
0x3f: {  	_ =	shalt  }
0x40: {  	_ =	shalt  }
0x41: {  	_ =	shalt  }
0x42: {  	_ =	shalt  }
0x43: {  	_ =	shalt  }
0x44: {  	_ =	shalt  }
0x45: {  	_ =	shalt  }
0x46: {  	_ =	shalt  }
0x47: {  	_ =	shalt  }
0x48: {  	_ =	shalt  }
0x49: {  	_ =	shalt  }
0x4a: {  	_ =	shalt  }
0x4b: {  	_ =	shalt  }
0x4c: {  	_ =	shalt  }
0x4d: {  	_ =	shalt  }
0x4e: {  	_ =	shalt  }
0x4f: {  	_ =	shalt  }
0x50: {  	_ =	shalt  }
0x51: {  	_ =	shalt  }
0x52: {  	_ =	shalt  }
0x53: {  	_ =	shalt  }
0x54: {  	_ =	shalt  }
0x55: {  	_ =	shalt  }
0x56: {  	_ =	shalt  }
0x57: {  	_ =	shalt  }
0x58: {  	_ =	shalt  }
0x59: {  	_ =	shalt  }
0x5a: {  	_ =	shalt  }
0x5b: {  	_ =	shalt  }
0x5c: {  	_ =	shalt  }
0x5d: {  	_ =	shalt  }
0x5e: {  	_ =	shalt  }
0x5f: {  	_ =	shalt  }
0x60: {  	_ =	shalt  }
0x61: {  	_ =	shalt  }
0x62: {  	_ =	shalt  }
0x63: {  	_ =	shalt  }
0x64: {  	_ =	shalt  }
0x65: {  	_ =	shalt  }
0x66: {  	_ =	shalt  }
0x67: {  	_ =	shalt  }
0x68: {  	_ =	shalt  }
0x69: {  	_ =	shalt  }
0x6a: {  	_ =	shalt  }
0x6b: {  	_ =	shalt  }
0x6c: {  	_ =	shalt  }
0x6d: {  	_ =	shalt  }
0x6e: {  	_ =	shalt  }
0x6f: {  	_ =	shalt  }
0x70: {  	_ =	shalt  }
0x71: {  	_ =	shalt  }
0x72: {  	_ =	shalt  }
0x73: {  	_ =	shalt  }
0x74: {  	_ =	shalt  }
0x75: {  	_ =	shalt  }
0x76: {  	_ =	shalt  }
0x77: {  	_ =	shalt  }
0x78: {  	_ =	shalt  }
0x79: {  	_ =	shalt  }
0x7a: {  	_ =	shalt  }
0x7b: {  	_ =	shalt  }
0x7c: {  	_ =	shalt  }
0x7d: {  	_ =	shalt  }
0x7e: {  	_ =	shalt  }
0x7f: {  	_ =	shalt  }
0x80: {  	_ =	shalt  }
0x81: {  	_ =	shalt  }
0x82: {  	_ =	shalt  }
0x83: {  	_ =	shalt  }
0x84: {  	_ =	shalt  }
0x85: {  	_ =	shalt  }
0x86: {  	_ =	shalt  }
0x87: {  	_ =	shalt  }
.Lfunc_end0:
.L_simem_size_0:
called_computation_lowered:
.L_overlay_start_0:
0x88: {  	s2 =	sld [smem:$0x3FD9]  }
0x89: {  	s3 =	sld [smem:$0x3FFE];
	_ =	sdelay $0x1  }
0x8a: {  	s1 =	srdreg.scid  }
0x8b: {  	s0 =	sand.u32 $0x1, s1  }
0x8c: {  	s17 =	sshll.u32 s0, $0xA;
	s2 =	sadd.s32 s3, s2  }
0x8d: {  	s2 =	sadd.s32 s2, s17  }
0x8e: {  	[smem:$0x3FC2] =	sst s2  }
0x8f: {  	_ = 	snop  }
0x90: {  	s2 =	sld [smem:$0x3FD0];
	(tm) =	ssettm $0x1  }
0x91: {  	s18 =	sld [smem:$0x3FFB];
	_ =	sdelay $0x3  }
0x92: {  	_ =	strace s18  }
0x93: {  	s3 =	sld [smem:$0x3FFC];
	_ =	sdelay $0x3  }
0x94: {  	_ =	strace s3  }
0x95: {  	s3 =	sld [smem:$0x3FFD];
	_ =	sdelay $0x3  }
0x96: {  	_ =	strace s3  }
0x97: {  	_ =	strace $0x8FFFFFFF  }
0x98: {  	s19 =	sld [smem:$0x3FDB];
	_ =	sdelay $0x1  }
0x99: {  	s4 =	simm.s32 $_scs_section_size  }
0x9a: {  	s5 =	simm.s32 $_size__tile_overlayer_lowered;
	s6 =	simm.s32 $_tile_overlayer_lowered  }
0x9b: {  	s22 =	simm.s32 $0x1BFF;
	s21 =	sshll.u32 s6, $0x1;
	s3 =	sadd.s32 s4, s19  }
0x9c: {  	s7 =	simm.s32 $0x0;
	s20 =	sshll.u32 s5, $0x1;
	s5 =	sadd.s32 s21, s3  }
0x9d: {  	[timem:s7], [sflag:s22] =	dma.local [hbm:s5], s20  }
0x9e: {  	_ =	swait.ge [sflag:s22], s20  }
0x9f: {  	s4 =	ssub.s32 $0x0, s20;
	[sflag:s22] =	ssyncset.done $0x0  }
0xa0: {  	[sflag:s22] =	ssyncadd.s32 s4;
	_ =	sdelay $0x1  }
0xa1: {  	s23 =	simm.s32 $0x1B8B  }
0xa2: {  	_ =	swait.ge [sflag:s23], $0x1  }
0xa3: {  	[sflag:s23] =	ssyncset.done $0x0  }
0xa4: {  	s25 =	simm.s32 $0x1B8E;
	s24 =	sld [smem:$0x3FFE];
	[sflag:s23] =	ssyncadd.s32 $0xFFFFFFFF  }
0xa5: {  	s26 =	simm.s32 $execute0_lowered;
	[smem:$0x3FD2] =	sst s25  }
0xa6: {  	s5 =	sshll.u32 s26, $0x1;
	_ =	strace $0x80000046;
	[dreg:$0x1] =	wrdreg $0xFFFFFFFF  }
0xa7: {  	s28 =	simm.s32 $_size_execute0_lowered;
	s3 =	sadd.s32 s3, s5;
	[dreg:$0x0] =	wrdreg $0x0  }
0xa8: {  	s5 =	sshll.u32 s28, $0x1;
	[dreg:$0x2] =	wrdreg s3  }
0xa9: {  	[dreg:$0x3] =	wrdreg s5  }
0xaa: {  	[dreg:$0x4] =	wrdreg $0xC0  }
0xab: {  	_ =	task [dreg:s7], $0x5FFFF  }
0xac: {  	[dreg:$0x1] =	wrdreg $0xFFFFFFFF  }
0xad: {  	[dreg:$0x0] =	wrdreg $0x60  }
0xae: {  	[dreg:$0x2] =	wrdreg s2  }
0xaf: {  	[dreg:$0x3] =	wrdreg s24  }
0xb0: {  	[dreg:$0x4] =	wrdreg $0xAF000  }
0xb1: {  	[dreg:$0x5] =	wrdreg $0x9  }
0xb2: {  	_ =	task.clear_ibuf [dreg:s7], $0x6FFFF;
	_ =	strace $0x90000046  }
0xb3: {  	s29 =	simm.s32 $0x9;
	_ =	strace $0x80000048  }
0xb4: {  	_ =	swait.ge [sflag:s29], $0x1  }
0xb5: {  	[sflag:s29] =	ssyncadd.s32 $0xFFFFFFFF  }
0xb6: {  	_ =	strace $0x90000048  }
0xb7: {  	_ =	sfence  }
0xb8: {  	s30 =	sld [smem:$0x0];
	_ =	sdelay $0x2  }
0xb9: {  	s31 =	sshll.u32 s1, $0xD;
	s1 =	sshrl.u32 s1, $0x2  }
0xba: {  	s3 =	sand.u32 $0x4000, s31;
	s1 =	sadd.s32 s1, s30  }
0xbb: {  	s0 =	sor.u32 s3, s0;
	s1 =	sshll.u32 s1, $0x11  }
0xbc: {  	s0 =	sor.u32 s1, s0  }
0xbd: {  	s0 =	sadd.s32 $0x8F2B, s0  }
0xbe: {  	[sflag:s0] =	ssyncadd.remote.s32 $0x1  }
0xbf: {  	_ =	sfence.sel $0xFFFF  }
0xc0: {  	[dreg:$0x0] =	wrdreg $0xFFFFFFFF;
	(pc) =	sbr.abs _section_cstart, $3  }
0xc1: {  	[dreg:$0x1] =	wrdreg $0xFFFFFFFF  }
0xc2: {  	_ =	task.clear_ibuf [dreg:s7], $0x2FFFF;
	_ =	strace $0x9FFFFFFF  }
0xc3: {  	(tm) =	ssettm $0x7FFFFFFF  }
tec
execute0_lowered:
.L_overlay_start_1:
0x0: {  	(tag) =	ssettag $0x1  }
0x1: {  	s1 =	rddreg [dreg:$0x0]  }
0x2: {  	s6 =	rddreg [dreg:$0x1]  }
0x3: {  	s2 =	rddreg [dreg:$0x2];
	s3 =	srdreg.scid  }
0x4: {  	s4 =	simm.s32 $0x0;
	s0 =	stileid.u32;
	s15 =	simm.s32 $0x1  }
0x5: {  	s16 =	simm.s32 $0x70;
	s18 =	simm.s32 $0x380;
	s19 =	simm.s32 $0x3F00  }
0x6: {  	s20 =	simm.s32 $0x200;
	s21 =	simm.s32 $0x500;
	s22 =	simm.s32 $0x400  }
0x7: {  	s28 =	simm.s32 $0x9;
	s29 =	simm.s32 $0x0;
	s9 =	smul.u32 $0x13C00, s0  }
0x8: {  	s8 =	sand.u32 $0x1, s3;
	[smem:$0x7FF] =	sst s4;
	s23 =	smul.u32 $0x4F000, s0  }
0x9: {  	s11 =	sadd.s32 $0x1A00, s6;
	s5 =	sadd.s32 $0xCE00, s6;
	s12 =	smul.u32 $0x5A00, s0  }
0xa: {  	s31 =	smul.u32 $0xB40, s0;
	_ =	strace $0x80000047;
	[dreg:$0x4] =	wrdreg s18  }
0xb: {  	s30 =	sshll.u32 s0, $0x6;
	s7 =	smul.u32 $0x13C000, s8;
	[dreg:$0x5] =	wrdreg s19  }
0xc: {  	s10 =	ssub.s32 $0x2, s8;
	s18 =	simm.s32 $0x700;
	[dreg:$0x6] =	wrdreg s20  }
0xd: {  	s19 =	simm.s32 $0x2;
	s20 =	simm.s32 $0x4;
	[dreg:$0x7] =	wrdreg s21  }
0xe: {  	s21 =	simm.s32 $0x3;
	[dreg:$0x8] =	wrdreg s22;
	s22 =	simm.s32 $0x7700  }
0xf: {  	s24 =	sshrl.u32 s10, $0x1;
	s25 =	sshrl.u32 s23, $0x2;
	s26 =	sshrl.u32 s12, $0x3  }
0x10: {  	s23 =	simm.s32 $0x6;
	s7 =	sadd.s32 s9, s7;
	s10 =	ssub.s32 s10, s24  }
0x11: {  	s14 =	sadd.s32 s25, s2;
	s24 =	simm.s32 $0x600;
	s25 =	simm.s32 $0x7  }
0x12: {  	s7 =	sshrl.u32 s7, $0x3;
	s10 =	smax.u32 s10, $0x1;
	s12 =	sshrl.u32 s14, $0x3  }
0x13: {  	s13 =	sadd.s32 s7, s6;
	s6 =	sadd.s32 s11, s26;
	s26 =	smul.u32 $0x2710, s8  }
0x14: {  	s7 =	sor.u32 $0x1C0A, s30;
	s11 =	sadd.s32 s31, s11;
	s8 =	sadd.s32 $0x20, s6  }
0x15: {  	s9 =	sadd.s32 $0xF600, s13;
	s13 =	simm.s32 $0xA;
	v0 =	vmov s26;
	s26 =	simm.s32 $0x8  }
.LBB2_1:
0x16: {  	[spmem:s12], [sflag:s7] =	dma.local [hbm:s5], $0x2780  }
0x17: {  	_ =	swait.ge [sflag:s13], $0x2780  }
0x18: {  	[sflag:s13] =	ssyncset.done $0x0  }
0x19: {  	[sflag:s13] =	ssyncadd.s32 $0xFFFFD880  }
0x1a: {  	[bflag:$0x0] =	sbarrier.arrive $0xFFFF  }
0x1b: {  	[tilespmem:s4], [sflag:$0x1] =	stream.linear.gather [hbm4b:s6+s4], $0x100, $0x38;
	[tilespmem:$0x1EB00] =	vst v63  }
0x1c: {  	s0 =	simm.s32 $0x100  }
0x1d: {  	[tilespmem:s0], [sflag:$0x2] =	stream.linear.gather [hbm4b:s8+s4], $0x100, $0x38;
	[tilespmem:$0x1EB00] =	vst v63  }
0x1e: {  	_ =	swait.ge [sflag:s15], $0x100  }
0x1f: {  	[sflag:s15] =	ssyncset.done $0x0  }
0x20: {  	[sflag:s15] =	ssyncadd.s32 $0xFFFFFF00  }
0x21: {  	v1 =	vld [tilespmem:$0x0]  }
0x22: {  	v2 =	vld [tilespmem:$0x80]  }
0x23: {  	v3 =	vld [tilespmem:$0x10];
	_ =	sdelay $0x1  }
0x24: {  	v4 =	vld [tilespmem:$0x90]  }
0x25: {  	v6 =	vld [tilespmem:$0xA0]  }
0x26: {  	v61 =	vld [tilespmem:$0xC0];
	v1 =	vadd.s32 v0, v1;
	[tilespmem:$0x500] =	vst v2  }
0x27: {  	v2 =	vadd.s32 v0, v3;
	[tilespmem:$0x300] =	vst v1;
	v1 =	vld [tilespmem:$0x30]  }
0x28: {  	[tilespmem:$0x310] =	vst v2;
	v2 =	vld [tilespmem:$0x40]  }
0x29: {  	v5 =	vld [tilespmem:$0x20]  }
0x2a: {  	v63 =	vld [tilespmem:$0xD0];
	[tilespmem:$0x510] =	vst v4  }
0x2b: {  	v62 =	vld [tilespmem:$0x50];
	[tilespmem:$0x520] =	vst v6  }
0x2c: {  	v3 =	vld [tilespmem:$0xB0];
	[tilespmem:$0x540] =	vst v61;
	v1 =	vadd.s32 v0, v1  }
0x2d: {  	v2 =	vadd.s32 v0, v2;
	[tilespmem:$0x330] =	vst v1;
	v1 =	vld [tilespmem:$0x60]  }
0x2e: {  	[tilespmem:$0x340] =	vst v2;
	v2 =	vld [tilespmem:$0xE0]  }
0x2f: {  	v60 =	vadd.s32 v0, v5;
	[tilespmem:$0x550] =	vst v63  }
0x30: {  	[tilespmem:$0x320] =	vst v60  }
0x31: {  	[tilespmem:$0x530] =	vst v3;
	v3 =	vadd.s32 v0, v62  }
0x32: {  	[tilespmem:$0x350] =	vst v3  }
0x33: {  	v1 =	vadd.s32 v0, v1;
	[tilespmem:$0x560] =	vst v2  }
0x34: {  	s31 =	simm.s32 $0x300;
	s30 =	simm.s32 $0x0;
	[tilespmem:$0x360] =	vst v1  }
0x35: {  	[tilespmem:s18], [sflag:$0x4] =	stream.indirect.gather [hbm4b:s1+s16], $0x80, s31, s16, $0xb8;
	[tilespmem:$0x1EB00] =	vst v63  }
.LBB2_2:
0x36: {  	_ =	swait.ge [sflag:s19], $0x100  }
0x37: {  	p0 =	seq.s32 s30, $0x0;
	[sflag:s19] =	ssyncset.done $0x0  }
0x38: {  	s31 =	simm.s32 @!p0 $0x8;
	[sflag:s19] =	ssyncadd.s32 $0xFFFFFF00  }
0x39: {  	_ =	swait.ge @!p0 [sflag:s31], $0x3800  }
0x3a: {  	[sflag:s31] =	ssyncset.done @!p0 $0x0  }
0x3b: {  	[sflag:s31] =	ssyncadd.s32 @!p0 $0xFFFFC800  }
0x3c: {  	v1 =	vld [tilespmem:$0x100]  }
0x3d: {  	v2 =	vld [tilespmem:$0x180]  }
0x3e: {  	v3 =	vld [tilespmem:$0x110];
	_ =	sdelay $0x1  }
0x3f: {  	v4 =	vld [tilespmem:$0x190]  }
0x40: {  	v6 =	vld [tilespmem:$0x1A0]  }
0x41: {  	v54 =	vld [tilespmem:$0x1C0];
	v1 =	vadd.s32 v0, v1;
	[tilespmem:$0x580] =	vst v2  }
0x42: {  	v2 =	vadd.s32 v0, v3;
	[tilespmem:$0x380] =	vst v1;
	v1 =	vld [tilespmem:$0x130]  }
0x43: {  	[tilespmem:$0x390] =	vst v2;
	v2 =	vld [tilespmem:$0x140]  }
0x44: {  	v5 =	vld [tilespmem:$0x120]  }
0x45: {  	v56 =	vld [tilespmem:$0x1D0];
	[tilespmem:$0x590] =	vst v4  }
0x46: {  	v55 =	vld [tilespmem:$0x150];
	[tilespmem:$0x5A0] =	vst v6  }
0x47: {  	v3 =	vld [tilespmem:$0x1B0];
	[tilespmem:$0x5C0] =	vst v54;
	v1 =	vadd.s32 v0, v1  }
0x48: {  	v2 =	vadd.s32 v0, v2;
	[tilespmem:$0x3B0] =	vst v1;
	v1 =	vld [tilespmem:$0x160]  }
0x49: {  	[tilespmem:$0x3C0] =	vst v2;
	v2 =	vld [tilespmem:$0x1E0]  }
0x4a: {  	v53 =	vadd.s32 v0, v5;
	[tilespmem:$0x5D0] =	vst v56  }
0x4b: {  	[tilespmem:$0x3A0] =	vst v53  }
0x4c: {  	[tilespmem:$0x5B0] =	vst v3;
	v3 =	vadd.s32 v0, v55  }
0x4d: {  	[tilespmem:$0x3D0] =	vst v3  }
0x4e: {  	s17 =	rddreg [dreg:$0x4];
	v1 =	vadd.s32 v0, v1;
	[tilespmem:$0x5E0] =	vst v2  }
0x4f: {  	s14 =	sadd.s32 s30, s11;
	s0 =	rddreg [dreg:$0x5];
	[tilespmem:$0x3E0] =	vst v1  }
0x50: {  	[tilespmem:s0], [sflag:$0x5] =	stream.indirect.gather [hbm4b:s1+s16], $0x80, s17, s16, $0xb8;
	[tilespmem:$0x1EB00] =	vst v63  }
0x51: {  	s3 =	rddreg [dreg:$0x6];
	s31 =	sadd.s32 $0x40, s14  }
0x52: {  	[tilespmem:s3], [sflag:$0x3] =	stream.linear.gather [hbm4b:s31+s4], $0x100, $0x38;
	[tilespmem:$0x1EB00] =	vst v63  }
0x53: {  	_ =	swait.ge [sflag:s20], $0x3800  }
0x54: {  	[sflag:s20] =	ssyncset.done $0x0  }
0x55: {  	s17 =	rddreg [dreg:$0x7];
	[sflag:s20] =	ssyncadd.s32 $0xFFFFC800  }
0x56: {  	[spmem:s2] =	stream.indirect.scatter.add.f32 [tilespmem:s18], [sflag:$0x7], $0x80, s17, s16, $0xb8;
	[tilespmem:$0x1EB00] =	vst v63  }
0x57: {  	_ =	swait.ge [sflag:s21], $0x100  }
0x58: {  	[sflag:s21] =	ssyncset.done $0x0  }
0x59: {  	s0 =	simm.s32 @!p0 $0x9;
	[sflag:s21] =	ssyncadd.s32 $0xFFFFFF00  }
0x5a: {  	_ =	swait.ge @!p0 [sflag:s0], $0x3800  }
0x5b: {  	[sflag:s0] =	ssyncset.done @!p0 $0x0  }
0x5c: {  	[sflag:s0] =	ssyncadd.s32 @!p0 $0xFFFFC800  }
0x5d: {  	v1 =	vld [tilespmem:$0x200]  }
0x5e: {  	v2 =	vld [tilespmem:$0x280]  }
0x5f: {  	v3 =	vld [tilespmem:$0x210];
	_ =	sdelay $0x1  }
0x60: {  	v57 =	vld [tilespmem:$0x290]  }
0x61: {  	v59 =	vld [tilespmem:$0x2A0]  }
0x62: {  	v61 =	vld [tilespmem:$0x2C0];
	v1 =	vadd.s32 v0, v1;
	[tilespmem:$0x600] =	vst v2  }
0x63: {  	v2 =	vadd.s32 v0, v3;
	[tilespmem:$0x400] =	vst v1;
	v1 =	vld [tilespmem:$0x230]  }
0x64: {  	[tilespmem:$0x410] =	vst v2;
	v2 =	vld [tilespmem:$0x240]  }
0x65: {  	v58 =	vld [tilespmem:$0x220]  }
0x66: {  	v63 =	vld [tilespmem:$0x2D0];
	[tilespmem:$0x610] =	vst v57  }
0x67: {  	v62 =	vld [tilespmem:$0x250];
	[tilespmem:$0x620] =	vst v59  }
0x68: {  	v3 =	vld [tilespmem:$0x2B0];
	[tilespmem:$0x640] =	vst v61;
	v1 =	vadd.s32 v0, v1  }
0x69: {  	v2 =	vadd.s32 v0, v2;
	[tilespmem:$0x430] =	vst v1;
	v1 =	vld [tilespmem:$0x260]  }
0x6a: {  	[tilespmem:$0x440] =	vst v2;
	v2 =	vld [tilespmem:$0x2E0]  }
0x6b: {  	v60 =	vadd.s32 v0, v58;
	[tilespmem:$0x650] =	vst v63  }
0x6c: {  	[tilespmem:$0x420] =	vst v60  }
0x6d: {  	[tilespmem:$0x630] =	vst v3;
	v3 =	vadd.s32 v0, v62  }
0x6e: {  	[tilespmem:$0x450] =	vst v3  }
0x6f: {  	p0 =	sne.s32 s30, $0xAE0;
	v1 =	vadd.s32 v0, v1;
	[tilespmem:$0x660] =	vst v2  }
0x70: {  	s31 =	rddreg [dreg:$0x8];
	s0 =	sadd.s32 @p0 s30, s11;
	[tilespmem:$0x460] =	vst v1  }
0x71: {  	[tilespmem:s22], [sflag:$0x6] =	stream.indirect.gather [hbm4b:s1+s16], $0x80, s31, s16, $0xb8;
	[tilespmem:$0x1EB00] =	vst v63  }
0x72: {  	s3 =	simm.s32 @p0 $0x0;
	s31 =	sadd.s32 @p0 $0x60, s0  }
0x73: {  	[tilespmem:s3], [sflag:$0x1] =	stream.linear.gather @p0 [hbm4b:s31+s3], $0x100, $0x38;
	[tilespmem:$0x1EB00] =	vst v63  }
0x74: {  	s31 =	simm.s32 @p0 $0x5  }
0x75: {  	_ =	swait.ge @p0 [sflag:s31], $0x3800  }
0x76: {  	s14 =	simm.s32 @p0 $0x580;
	[sflag:s31] =	ssyncset.done @p0 $0x0  }
0x77: {  	s17 =	simm.s32 @p0 $0x3F00;
	[sflag:s31] =	ssyncadd.s32 @p0 $0xFFFFC800;
	s31 =	simm.s32 @p0 $0x70  }
0x78: {  	[spmem:s2] =	stream.indirect.scatter.add.f32 @p0 [tilespmem:s17], [sflag:$0x8], $0x80, s14, s31, $0xb8;
	[tilespmem:$0x1EB00] =	vst v63  }
0x79: {  	s14 =	simm.s32 @p0 $0x1  }
0x7a: {  	_ =	swait.ge @p0 [sflag:s14], $0x100  }
0x7b: {  	[sflag:s14] =	ssyncset.done @p0 $0x0  }
0x7c: {  	[sflag:s14] =	ssyncadd.s32 @p0 $0xFFFFFF00;
	s14 =	simm.s32 @p0 $0x7  }
0x7d: {  	_ =	swait.ge @p0 [sflag:s14], $0x3800  }
0x7e: {  	[sflag:s14] =	ssyncset.done @p0 $0x0  }
0x7f: {  	[sflag:s14] =	ssyncadd.s32 @p0 $0xFFFFC800  }
0x80: {  	v1 =	vld @p0 [tilespmem:$0x0]  }
0x81: {  	v2 =	vld @p0 [tilespmem:$0x80]  }
0x82: {  	v3 =	vld @p0 [tilespmem:$0x10];
	_ =	sdelay $0x1  }
0x83: {  	v4 =	vld @p0 [tilespmem:$0x90]  }
0x84: {  	v5 =	vld @p0 [tilespmem:$0x20]  }
0x85: {  	v6 =	vld @p0 [tilespmem:$0xA0];
	v1 =	vadd.s32 @p0 v0, v1;
	[tilespmem:$0x500] =	vst @p0 v2  }
0x86: {  	v2 =	vadd.s32 @p0 v0, v3;
	[tilespmem:$0x300] =	vst @p0 v1;
	v1 =	vld @p0 [tilespmem:$0x30]  }
0x87: {  	[tilespmem:$0x310] =	vst @p0 v2;
	v2 =	vld @p0 [tilespmem:$0x40]  }
0x88: {  	v3 =	vld @p0 [tilespmem:$0xB0]  }
0x89: {  	[tilespmem:$0x510] =	vst @p0 v4;
	v4 =	vadd.s32 @p0 v0, v5;
	v5 =	vld @p0 [tilespmem:$0xC0]  }
0x8a: {  	[tilespmem:$0x520] =	vst @p0 v6;
	v6 =	vld @p0 [tilespmem:$0xD0]  }
0x8b: {  	[tilespmem:$0x320] =	vst @p0 v4;
	v4 =	vld @p0 [tilespmem:$0x50];
	v1 =	vadd.s32 @p0 v0, v1  }
0x8c: {  	v2 =	vadd.s32 @p0 v0, v2;
	[tilespmem:$0x330] =	vst @p0 v1;
	v1 =	vld @p0 [tilespmem:$0x60]  }
0x8d: {  	[tilespmem:$0x340] =	vst @p0 v2;
	v2 =	vld @p0 [tilespmem:$0xE0]  }
0x8e: {  	[tilespmem:$0x530] =	vst @p0 v3  }
0x8f: {  	[tilespmem:$0x540] =	vst @p0 v5  }
0x90: {  	[tilespmem:$0x550] =	vst @p0 v6;
	v3 =	vadd.s32 @p0 v0, v4  }
0x91: {  	[tilespmem:$0x350] =	vst @p0 v3  }
0x92: {  	v1 =	vadd.s32 @p0 v0, v1;
	[tilespmem:$0x560] =	vst @p0 v2  }
0x93: {  	s17 =	simm.s32 @p0 $0x700;
	s14 =	simm.s32 @p0 $0x300;
	[tilespmem:$0x360] =	vst @p0 v1  }
0x94: {  	[tilespmem:s17], [sflag:$0x4] =	stream.indirect.gather @p0 [hbm4b:s1+s31], $0x80, s14, s31, $0xb8;
	[tilespmem:$0x1EB00] =	vst v63  }
0x95: {  	s0 =	sadd.s32 @p0 $0x80, s0;
	s14 =	simm.s32 @p0 $0x100  }
0x96: {  	[tilespmem:s14], [sflag:$0x2] =	stream.linear.gather @p0 [hbm4b:s0+s3], $0x100, $0x38;
	[tilespmem:$0x1EB00] =	vst v63  }
0x97: {  	s0 =	simm.s32 @!p0 $0x5  }
0x98: {  	_ =	swait.ge @!p0 [sflag:s0], $0x3800  }
0x99: {  	s30 =	sadd.s32 $0x60, s30;
	s3 =	simm.s32 @!p0 $0x580;
	[sflag:s0] =	ssyncset.done @!p0 $0x0  }
0x9a: {  	s14 =	simm.s32 @!p0 $0x3F00;
	[sflag:s0] =	ssyncadd.s32 @!p0 $0xFFFFC800;
	s0 =	simm.s32 @!p0 $0x70  }
0x9b: {  	[spmem:s2] =	stream.indirect.scatter.add.f32 @!p0 [tilespmem:s14], [sflag:$0x8], $0x80, s3, s0, $0xb8;
	[tilespmem:$0x1EB00] =	vst v63  }
0x9c: {  	p0 =	sne.s32 s30, $0xB40  }
.Ltmp0:
0x9d: {  	_ = 	snop;
	(pc) =	sbr.rel @p0 .LBB2_2-.Ltmp0, $4  }
0x9e: {  	_ =	swait.ge [sflag:s23], $0x3800  }
0x9f: {  	[sflag:s23] =	ssyncset.done $0x0  }
0xa0: {  	[sflag:s23] =	ssyncadd.s32 $0xFFFFC800  }
0xa1: {  	[spmem:s2] =	stream.indirect.scatter.add.f32 [tilespmem:s22], [sflag:$0x9], $0x80, s24, s16, $0xb8;
	[tilespmem:$0x1EB00] =	vst v63  }
0xa2: {  	_ =	swait.ge [sflag:s25], $0x3800  }
0xa3: {  	[sflag:s25] =	ssyncset.done $0x0  }
0xa4: {  	[sflag:s25] =	ssyncadd.s32 $0xFFFFC800  }
0xa5: {  	_ =	swait.ge [sflag:s26], $0x3800  }
0xa6: {  	[sflag:s26] =	ssyncset.done $0x0  }
0xa7: {  	[sflag:s26] =	ssyncadd.s32 $0xFFFFC800  }
0xa8: {  	_ =	swait.ge [sflag:s28], $0x3800  }
0xa9: {  	s29 =	sadd.s32 $0x1, s29;
	[sflag:s28] =	ssyncset.done $0x0  }
0xaa: {  	p0 =	sne.s32 s29, s10;
	[sflag:s28] =	ssyncadd.s32 $0xFFFFC800  }
.Ltmp1:
0xab: {  	[bflag:$0x0] =	sbarrier.arrive $0xFFFF;
	(pc) =	sbr.rel @p0 .LBB2_1-.Ltmp1, $4  }
0xac: {  	[hbm:s9], [sflag:s7] =	dma.local [spmem:s12], $0x2780  }
0xad: {  	_ =	swait.ge [sflag:s13], $0x2780  }
0xae: {  	[sflag:s13] =	ssyncset.done $0x0  }
0xaf: {  	[sflag:s13] =	ssyncadd.s32 $0xFFFFD880  }
0xb0: {  	_ =	sfence.sel $0x180000  }
0xb1: {  	[bflag:$0x0] =	sbarrier.arrive $0xFFFF  }
0xb2: {  	_ =	strace $0x90000047  }
0xb3: {  	s0 =	stileid.u32;
	[bflag:$0x2] =	sbarrier.arrive $0xFFFF  }
0xb4: {  	p0 =	sne.s32 s0, $0x0;
	s0 =	rddreg [dreg:$0x3]  }
0xb5: {  	s0 =	sadd.s32 @!p0 $0x100000, s0  }
0xb6: {  	[sflag:s0] =	ssyncadd.tile.s32 @!p0 $0x1;
	_ =	shalt  }
.Lfunc_end2:
_tile_overlayer_lowered:
.L_overlay_start_2:
0xb7: {  	(tag) =	ssettag $0x2  }
0xb8: {  	s0 =	rddreg [dreg:$0x0];
	s2 =	stileid.u32  }
0xb9: {  	s1 =	rddreg [dreg:$0x1];
	p0 =	sne.s32 s2, $0x0  }
0xba: {  	s3 =	rddreg [dreg:$0x2];
	[bflag:$0x3] =	sbarrier.arrive $0xFFFF;
	s2 =	simm.s32 @!p0 $0x1C0A  }
0xbb: {  	[timem:s3], [sflag:s2] =	dma.local @!p0 [hbm:s0], s1  }
0xbc: {  	s0 =	simm.s32 @!p0 $0xA  }
0xbd: {  	_ =	swait.ge @!p0 [sflag:s0], s1  }
0xbe: {  	s1 =	ssub.s32 @!p0 $0x0, s1;
	[sflag:s0] =	ssyncset.done @!p0 $0x0  }
0xbf: {  	[sflag:s0] =	ssyncadd.s32 @!p0 s1  }
0xc0: {  	[bflag:$0x3] =	sbarrier.arrive $0xFFFF  }
0xc1: {  	_ =	shalt  }

// kernel: kernel.9.cloned.1.call-start
scs
__scs_entry_jumppad:
0x0: {  	(pc) =	sbr.rel $0x88, $3  }
0x1: {  	(tag) =	ssettag $0x0;
	lr =	simm.s32 $0x1  }
0x2: {  	[smem:$0x3F9B] =	sst lr;
	_ =	strace $0xD0000000  }
0x3: {  	_ = 	snop  }
0x4: {  	_ = 	snop  }
0x5: {  	_ = 	snop  }
0x6: {  	_ = 	snop  }
0x7: {  	_ = 	snop  }
__scs_overlays_trampoline_lowered:
0x8: {  	[smem:$0x3FAA] =	sst s0  }
0x9: {  	[smem:$0x3FAB] =	sst s1  }
0xa: {  	[smem:$0x3FAC] =	sst s2  }
0xb: {  	[smem:$0x3FAD] =	sst s3  }
0xc: {  	[smem:$0x3FAE] =	sst s4  }
0xd: {  	[smem:$0x3FAF] =	sst s5  }
0xe: {  	[smem:$0x3FB0] =	sst s6  }
0xf: {  	[smem:$0x3FB1] =	sst s7  }
0x10: {  	[smem:$0x3FB2] =	sst s8  }
0x11: {  	[smem:$0x3FB3] =	sst s9;
	s0 =	simm.s32 @!p0 $0x0  }
0x12: {  	s1 =	sld [smem:$0x3F99];
	s0 =	simm.s32 @p0 $0x1  }
0x13: {  	[smem:$0x3FB4] =	sst s0;
	s0 =	simm.s32 @!p1 $0x0  }
0x14: {  	s2 =	sld [smem:$0x3F98];
	s0 =	simm.s32 @p1 $0x1  }
0x15: {  	[smem:$0x3FB5] =	sst s0;
	s0 =	simm.s32 @!p2 $0x0  }
0x16: {  	s3 =	sld [smem:$0x3FDB];
	s0 =	simm.s32 @p2 $0x1  }
0x17: {  	s4 =	simm.s32 $0x1BF5;
	[smem:$0x3FB7] =	sst s0  }
0x18: {  	s0 =	sld [smem:$0x3F9A];
	_ =	swait.ge [sflag:s4], $0x0  }
0x19: {  	s7 =	sld [smem:$0x3F9B]  }
0x1a: {  	s8 =	sadd.s32 $0xFFFFE003, lr  }
0x1b: {  	s9 =	sadd.s32 $0xFFFFFEF7, lr;
	s5 =	simm.s32 $0xFFFFFFFF;
	p2 =	slt.u32 s8, $0xFFFFF086  }
0x1c: {  	p1 =	slt.u32 s9, $0xF7A;
	s5 =	simm.s32 @!p2 $0x0  }
0x1d: {  	s5 =	simm.s32 @p1 $0x1;
	p0 =	seq.s32 s7, s2  }
0x1e: {  	s7 =	smul.u32 @!p0 $0xF7A, s2;
	p2 =	seq.s32 @!p0 s5, $0x0  }
0x1f: {  	s9 =	smul.u32 $0xF7A, s1;
	s8 =	simm.s32 @!p0 $0x1BF5;
	p2 =	por !p2, p0  }
0x20: {  	[sflag:s8] =	ssyncset.s32 @!p0 $0xFFFFF086;
	s6 =	sadd.s32 @!p0 s3, s7;
	s7 =	simm.s32 @!p0 $0x108  }
0x21: {  	s3 =	sadd.s32 s3, s9;
	s6 =	sadd.s32 @!p0 $0x88, s6;
	s7 =	simm.s32 @p2 $0x1082  }
0x22: {  	[simem:s7], [sflag:s8] =	dma.local @!p0 [hbm:s6], $0xF7A  }
0x23: {  	s9 =	sor.u32 $0xD0000000, s2;
	s6 =	simm.s32 $0x108;
	_ =	swait.ge @!p0 [sflag:s8], $0x0  }
0x24: {  	s3 =	sadd.s32 $0x88, s3;
	s6 =	simm.s32 @!p1 $0x1082;
	[sflag:s4] =	ssyncset.s32 $0xFFFFF086  }
0x25: {  	[simem:s6], [sflag:s4] =	dma.local [hbm:s3], $0xF7A  }
0x26: {  	[smem:$0x3F9B] =	sst s1;
	(tag) =	ssettag s2;
	_ =	strace s9  }
0x27: {  	s1 =	sld [smem:$0x3FAB]  }
0x28: {  	s2 =	sld [smem:$0x3FAC]  }
0x29: {  	s4 =	sld [smem:$0x3FAE]  }
0x2a: {  	p0 =	seq.s32 s5, $0x0;
	s5 =	sld [smem:$0x3FAF]  }
0x2b: {  	s6 =	sld [smem:$0x3FB0]  }
0x2c: {  	s7 =	sld [smem:$0x3FB1]  }
0x2d: {  	s3 =	simm.s32 $0x108;
	s8 =	sld [smem:$0x3FB2]  }
0x2e: {  	s3 =	simm.s32 @!p0 $0x1082;
	s9 =	sld [smem:$0x3FB3]  }
0x2f: {  	lr =	sadd.s32 s0, s3;
	s0 =	sld [smem:$0x3FAA]  }
0x30: {  	s3 =	sld [smem:$0x3FAD]  }
0x31: {  	[smem:$0x3FB6] =	sst s10  }
0x32: {  	s10 =	sld [smem:$0x3FB4];
	_ =	sdelay $0x3  }
0x33: {  	p0 =	seq.s32 s10, $0x1;
	s10 =	sld [smem:$0x3FB6];
	_ =	sdelay $0x3  }
0x34: {  	[smem:$0x3FB6] =	sst s10  }
0x35: {  	s10 =	sld [smem:$0x3FB5];
	_ =	sdelay $0x3  }
0x36: {  	p1 =	seq.s32 s10, $0x1;
	s10 =	sld [smem:$0x3FB6];
	_ =	sdelay $0x3  }
0x37: {  	[smem:$0x3FB6] =	sst s10  }
0x38: {  	s10 =	sld [smem:$0x3FB7]  }
0x39: {  	_ = 	snop;
	(pc) =	sbr.ind lr, $3  }
0x3a: {  	_ = 	snop  }
0x3b: {  	_ = 	snop  }
0x3c: {  	p2 =	seq.s32 s10, $0x1;
	s10 =	sld [smem:$0x3FB6]  }
0x3d: {  	_ =	shalt  }
0x3e: {  	_ =	shalt  }
0x3f: {  	_ =	shalt  }
0x40: {  	_ =	shalt  }
0x41: {  	_ =	shalt  }
0x42: {  	_ =	shalt  }
0x43: {  	_ =	shalt  }
0x44: {  	_ =	shalt  }
0x45: {  	_ =	shalt  }
0x46: {  	_ =	shalt  }
0x47: {  	_ =	shalt  }
0x48: {  	_ =	shalt  }
0x49: {  	_ =	shalt  }
0x4a: {  	_ =	shalt  }
0x4b: {  	_ =	shalt  }
0x4c: {  	_ =	shalt  }
0x4d: {  	_ =	shalt  }
0x4e: {  	_ =	shalt  }
0x4f: {  	_ =	shalt  }
0x50: {  	_ =	shalt  }
0x51: {  	_ =	shalt  }
0x52: {  	_ =	shalt  }
0x53: {  	_ =	shalt  }
0x54: {  	_ =	shalt  }
0x55: {  	_ =	shalt  }
0x56: {  	_ =	shalt  }
0x57: {  	_ =	shalt  }
0x58: {  	_ =	shalt  }
0x59: {  	_ =	shalt  }
0x5a: {  	_ =	shalt  }
0x5b: {  	_ =	shalt  }
0x5c: {  	_ =	shalt  }
0x5d: {  	_ =	shalt  }
0x5e: {  	_ =	shalt  }
0x5f: {  	_ =	shalt  }
0x60: {  	_ =	shalt  }
0x61: {  	_ =	shalt  }
0x62: {  	_ =	shalt  }
0x63: {  	_ =	shalt  }
0x64: {  	_ =	shalt  }
0x65: {  	_ =	shalt  }
0x66: {  	_ =	shalt  }
0x67: {  	_ =	shalt  }
0x68: {  	_ =	shalt  }
0x69: {  	_ =	shalt  }
0x6a: {  	_ =	shalt  }
0x6b: {  	_ =	shalt  }
0x6c: {  	_ =	shalt  }
0x6d: {  	_ =	shalt  }
0x6e: {  	_ =	shalt  }
0x6f: {  	_ =	shalt  }
0x70: {  	_ =	shalt  }
0x71: {  	_ =	shalt  }
0x72: {  	_ =	shalt  }
0x73: {  	_ =	shalt  }
0x74: {  	_ =	shalt  }
0x75: {  	_ =	shalt  }
0x76: {  	_ =	shalt  }
0x77: {  	_ =	shalt  }
0x78: {  	_ =	shalt  }
0x79: {  	_ =	shalt  }
0x7a: {  	_ =	shalt  }
0x7b: {  	_ =	shalt  }
0x7c: {  	_ =	shalt  }
0x7d: {  	_ =	shalt  }
0x7e: {  	_ =	shalt  }
0x7f: {  	_ =	shalt  }
0x80: {  	_ =	shalt  }
0x81: {  	_ =	shalt  }
0x82: {  	_ =	shalt  }
0x83: {  	_ =	shalt  }
0x84: {  	_ =	shalt  }
0x85: {  	_ =	shalt  }
0x86: {  	_ =	shalt  }
0x87: {  	_ =	shalt  }
.Lfunc_end0:
.L_simem_size_0:
called_computation.1_lowered:
.L_overlay_start_0:
0x88: {  	s2 =	sld [smem:$0x3FD9]  }
0x89: {  	s3 =	sld [smem:$0x3FFE];
	_ =	sdelay $0x1  }
0x8a: {  	s1 =	srdreg.scid  }
0x8b: {  	s0 =	sand.u32 $0x1, s1  }
0x8c: {  	s17 =	sshll.u32 s0, $0xA;
	s2 =	sadd.s32 s3, s2  }
0x8d: {  	s2 =	sadd.s32 s2, s17  }
0x8e: {  	[smem:$0x3FC2] =	sst s2  }
0x8f: {  	_ = 	snop  }
0x90: {  	s2 =	sld [smem:$0x3FD0];
	(tm) =	ssettm $0x1  }
0x91: {  	s18 =	sld [smem:$0x3FFB];
	_ =	sdelay $0x3  }
0x92: {  	_ =	strace s18  }
0x93: {  	s3 =	sld [smem:$0x3FFC];
	_ =	sdelay $0x3  }
0x94: {  	_ =	strace s3  }
0x95: {  	s3 =	sld [smem:$0x3FFD];
	_ =	sdelay $0x3  }
0x96: {  	_ =	strace s3  }
0x97: {  	_ =	strace $0x8FFFFFFF  }
0x98: {  	s19 =	sld [smem:$0x3FDB];
	_ =	sdelay $0x1  }
0x99: {  	s4 =	simm.s32 $_scs_section_size  }
0x9a: {  	s5 =	simm.s32 $_size__tile_overlayer_lowered;
	s6 =	simm.s32 $_tile_overlayer_lowered  }
0x9b: {  	s22 =	simm.s32 $0x1BFF;
	s21 =	sshll.u32 s6, $0x1;
	s3 =	sadd.s32 s4, s19  }
0x9c: {  	s7 =	simm.s32 $0x0;
	s20 =	sshll.u32 s5, $0x1;
	s5 =	sadd.s32 s21, s3  }
0x9d: {  	[timem:s7], [sflag:s22] =	dma.local [hbm:s5], s20  }
0x9e: {  	_ =	swait.ge [sflag:s22], s20  }
0x9f: {  	s4 =	ssub.s32 $0x0, s20;
	[sflag:s22] =	ssyncset.done $0x0  }
0xa0: {  	[sflag:s22] =	ssyncadd.s32 s4;
	_ =	sdelay $0x1  }
0xa1: {  	s23 =	simm.s32 $0x1B8B  }
0xa2: {  	_ =	swait.ge [sflag:s23], $0x1  }
0xa3: {  	[sflag:s23] =	ssyncset.done $0x0  }
0xa4: {  	s25 =	simm.s32 $0x1B8E;
	s24 =	sld [smem:$0x3FFE];
	[sflag:s23] =	ssyncadd.s32 $0xFFFFFFFF  }
0xa5: {  	s26 =	simm.s32 $execute0_lowered;
	[smem:$0x3FD2] =	sst s25  }
0xa6: {  	s5 =	sshll.u32 s26, $0x1;
	_ =	strace $0x80000049;
	[dreg:$0x1] =	wrdreg $0xFFFFFFFF  }
0xa7: {  	s28 =	simm.s32 $_size_execute0_lowered;
	s3 =	sadd.s32 s3, s5;
	[dreg:$0x0] =	wrdreg $0x0  }
0xa8: {  	s5 =	sshll.u32 s28, $0x1;
	[dreg:$0x2] =	wrdreg s3  }
0xa9: {  	[dreg:$0x3] =	wrdreg s5  }
0xaa: {  	[dreg:$0x4] =	wrdreg $0xC0  }
0xab: {  	_ =	task [dreg:s7], $0x5FFFF  }
0xac: {  	[dreg:$0x1] =	wrdreg $0xFFFFFFFF  }
0xad: {  	[dreg:$0x0] =	wrdreg $0x60  }
0xae: {  	[dreg:$0x2] =	wrdreg s2  }
0xaf: {  	[dreg:$0x3] =	wrdreg s24  }
0xb0: {  	[dreg:$0x4] =	wrdreg $0xAF000  }
0xb1: {  	[dreg:$0x5] =	wrdreg $0x9  }
0xb2: {  	_ =	task.clear_ibuf [dreg:s7], $0x6FFFF;
	_ =	strace $0x90000049  }
0xb3: {  	s29 =	simm.s32 $0x9;
	_ =	strace $0x8000004B  }
0xb4: {  	_ =	swait.ge [sflag:s29], $0x1  }
0xb5: {  	[sflag:s29] =	ssyncadd.s32 $0xFFFFFFFF  }
0xb6: {  	_ =	strace $0x9000004B  }
0xb7: {  	_ =	sfence  }
0xb8: {  	s30 =	sld [smem:$0x0];
	_ =	sdelay $0x2  }
0xb9: {  	s31 =	sshll.u32 s1, $0xD;
	s1 =	sshrl.u32 s1, $0x2  }
0xba: {  	s3 =	sand.u32 $0x4000, s31;
	s1 =	sadd.s32 s1, s30  }
0xbb: {  	s0 =	sor.u32 s3, s0;
	s1 =	sshll.u32 s1, $0x11  }
0xbc: {  	s0 =	sor.u32 s1, s0  }
0xbd: {  	s0 =	sadd.s32 $0x8F2B, s0  }
0xbe: {  	[sflag:s0] =	ssyncadd.remote.s32 $0x1  }
0xbf: {  	_ =	sfence.sel $0xFFFF  }
0xc0: {  	[dreg:$0x0] =	wrdreg $0xFFFFFFFF;
	(pc) =	sbr.abs _section_cstart, $3  }
0xc1: {  	[dreg:$0x1] =	wrdreg $0xFFFFFFFF  }
0xc2: {  	_ =	task.clear_ibuf [dreg:s7], $0x2FFFF;
	_ =	strace $0x9FFFFFFF  }
0xc3: {  	(tm) =	ssettm $0x7FFFFFFF  }
tec
execute0_lowered:
.L_overlay_start_1:
0x0: {  	(tag) =	ssettag $0x1  }
0x1: {  	s1 =	rddreg [dreg:$0x0]  }
0x2: {  	s6 =	rddreg [dreg:$0x1]  }
0x3: {  	s2 =	rddreg [dreg:$0x2];
	s3 =	srdreg.scid  }
0x4: {  	s4 =	simm.s32 $0x0;
	s0 =	stileid.u32;
	s15 =	simm.s32 $0x1  }
0x5: {  	s16 =	simm.s32 $0x70;
	s18 =	simm.s32 $0x380;
	s19 =	simm.s32 $0x3F00  }
0x6: {  	s20 =	simm.s32 $0x200;
	s21 =	simm.s32 $0x500;
	s22 =	simm.s32 $0x400  }
0x7: {  	s28 =	simm.s32 $0x9;
	s29 =	simm.s32 $0x0;
	s9 =	smul.u32 $0x13C00, s0  }
0x8: {  	s8 =	sand.u32 $0x1, s3;
	[smem:$0x7FF] =	sst s4;
	s23 =	smul.u32 $0x4F000, s0  }
0x9: {  	s11 =	sadd.s32 $0x1A00, s6;
	s5 =	sadd.s32 $0xCE00, s6;
	s12 =	smul.u32 $0x5A00, s0  }
0xa: {  	s31 =	smul.u32 $0xB40, s0;
	_ =	strace $0x8000004A;
	[dreg:$0x4] =	wrdreg s18  }
0xb: {  	s30 =	sshll.u32 s0, $0x6;
	s7 =	smul.u32 $0x13C000, s8;
	[dreg:$0x5] =	wrdreg s19  }
0xc: {  	s10 =	ssub.s32 $0x2, s8;
	s18 =	simm.s32 $0x700;
	[dreg:$0x6] =	wrdreg s20  }
0xd: {  	s19 =	simm.s32 $0x2;
	s20 =	simm.s32 $0x4;
	[dreg:$0x7] =	wrdreg s21  }
0xe: {  	s21 =	simm.s32 $0x3;
	[dreg:$0x8] =	wrdreg s22;
	s22 =	simm.s32 $0x7700  }
0xf: {  	s24 =	sshrl.u32 s10, $0x1;
	s25 =	sshrl.u32 s23, $0x2;
	s26 =	sshrl.u32 s12, $0x3  }
0x10: {  	s23 =	simm.s32 $0x6;
	s7 =	sadd.s32 s9, s7;
	s10 =	ssub.s32 s10, s24  }
0x11: {  	s14 =	sadd.s32 s25, s2;
	s24 =	simm.s32 $0x600;
	s25 =	simm.s32 $0x7  }
0x12: {  	s7 =	sshrl.u32 s7, $0x3;
	s10 =	smax.u32 s10, $0x1;
	s12 =	sshrl.u32 s14, $0x3  }
0x13: {  	s13 =	sadd.s32 s7, s6;
	s6 =	sadd.s32 s11, s26;
	s26 =	smul.u32 $0x2710, s8  }
0x14: {  	s7 =	sor.u32 $0x1C0A, s30;
	s11 =	sadd.s32 s31, s11;
	s8 =	sadd.s32 $0x20, s6  }
0x15: {  	s9 =	sadd.s32 $0xF600, s13;
	s13 =	simm.s32 $0xA;
	v0 =	vmov s26;
	s26 =	simm.s32 $0x8  }
.LBB2_1:
0x16: {  	[spmem:s12], [sflag:s7] =	dma.local [hbm:s5], $0x2780  }
0x17: {  	_ =	swait.ge [sflag:s13], $0x2780  }
0x18: {  	[sflag:s13] =	ssyncset.done $0x0  }
0x19: {  	[sflag:s13] =	ssyncadd.s32 $0xFFFFD880  }
0x1a: {  	[bflag:$0x0] =	sbarrier.arrive $0xFFFF  }
0x1b: {  	[tilespmem:s4], [sflag:$0x1] =	stream.linear.gather [hbm4b:s6+s4], $0x100, $0x38;
	[tilespmem:$0x1EB00] =	vst v63  }
0x1c: {  	s0 =	simm.s32 $0x100  }
0x1d: {  	[tilespmem:s0], [sflag:$0x2] =	stream.linear.gather [hbm4b:s8+s4], $0x100, $0x38;
	[tilespmem:$0x1EB00] =	vst v63  }
0x1e: {  	_ =	swait.ge [sflag:s15], $0x100  }
0x1f: {  	[sflag:s15] =	ssyncset.done $0x0  }
0x20: {  	[sflag:s15] =	ssyncadd.s32 $0xFFFFFF00  }
0x21: {  	v1 =	vld [tilespmem:$0x0]  }
0x22: {  	v2 =	vld [tilespmem:$0x80]  }
0x23: {  	v3 =	vld [tilespmem:$0x10];
	_ =	sdelay $0x1  }
0x24: {  	v4 =	vld [tilespmem:$0x90]  }
0x25: {  	v6 =	vld [tilespmem:$0xA0]  }
0x26: {  	v61 =	vld [tilespmem:$0xC0];
	v1 =	vadd.s32 v0, v1;
	[tilespmem:$0x500] =	vst v2  }
0x27: {  	v2 =	vadd.s32 v0, v3;
	[tilespmem:$0x300] =	vst v1;
	v1 =	vld [tilespmem:$0x30]  }
0x28: {  	[tilespmem:$0x310] =	vst v2;
	v2 =	vld [tilespmem:$0x40]  }
0x29: {  	v5 =	vld [tilespmem:$0x20]  }
0x2a: {  	v63 =	vld [tilespmem:$0xD0];
	[tilespmem:$0x510] =	vst v4  }
0x2b: {  	v62 =	vld [tilespmem:$0x50];
	[tilespmem:$0x520] =	vst v6  }
0x2c: {  	v3 =	vld [tilespmem:$0xB0];
	[tilespmem:$0x540] =	vst v61;
	v1 =	vadd.s32 v0, v1  }
0x2d: {  	v2 =	vadd.s32 v0, v2;
	[tilespmem:$0x330] =	vst v1;
	v1 =	vld [tilespmem:$0x60]  }
0x2e: {  	[tilespmem:$0x340] =	vst v2;
	v2 =	vld [tilespmem:$0xE0]  }
0x2f: {  	v60 =	vadd.s32 v0, v5;
	[tilespmem:$0x550] =	vst v63  }
0x30: {  	[tilespmem:$0x320] =	vst v60  }
0x31: {  	[tilespmem:$0x530] =	vst v3;
	v3 =	vadd.s32 v0, v62  }
0x32: {  	[tilespmem:$0x350] =	vst v3  }
0x33: {  	v1 =	vadd.s32 v0, v1;
	[tilespmem:$0x560] =	vst v2  }
0x34: {  	s31 =	simm.s32 $0x300;
	s30 =	simm.s32 $0x0;
	[tilespmem:$0x360] =	vst v1  }
0x35: {  	[tilespmem:s18], [sflag:$0x4] =	stream.indirect.gather [hbm4b:s1+s16], $0x80, s31, s16, $0xb8;
	[tilespmem:$0x1EB00] =	vst v63  }
.LBB2_2:
0x36: {  	_ =	swait.ge [sflag:s19], $0x100  }
0x37: {  	p0 =	seq.s32 s30, $0x0;
	[sflag:s19] =	ssyncset.done $0x0  }
0x38: {  	s31 =	simm.s32 @!p0 $0x8;
	[sflag:s19] =	ssyncadd.s32 $0xFFFFFF00  }
0x39: {  	_ =	swait.ge @!p0 [sflag:s31], $0x3800  }
0x3a: {  	[sflag:s31] =	ssyncset.done @!p0 $0x0  }
0x3b: {  	[sflag:s31] =	ssyncadd.s32 @!p0 $0xFFFFC800  }
0x3c: {  	v1 =	vld [tilespmem:$0x100]  }
0x3d: {  	v2 =	vld [tilespmem:$0x180]  }
0x3e: {  	v3 =	vld [tilespmem:$0x110];
	_ =	sdelay $0x1  }
0x3f: {  	v4 =	vld [tilespmem:$0x190]  }
0x40: {  	v6 =	vld [tilespmem:$0x1A0]  }
0x41: {  	v54 =	vld [tilespmem:$0x1C0];
	v1 =	vadd.s32 v0, v1;
	[tilespmem:$0x580] =	vst v2  }
0x42: {  	v2 =	vadd.s32 v0, v3;
	[tilespmem:$0x380] =	vst v1;
	v1 =	vld [tilespmem:$0x130]  }
0x43: {  	[tilespmem:$0x390] =	vst v2;
	v2 =	vld [tilespmem:$0x140]  }
0x44: {  	v5 =	vld [tilespmem:$0x120]  }
0x45: {  	v56 =	vld [tilespmem:$0x1D0];
	[tilespmem:$0x590] =	vst v4  }
0x46: {  	v55 =	vld [tilespmem:$0x150];
	[tilespmem:$0x5A0] =	vst v6  }
0x47: {  	v3 =	vld [tilespmem:$0x1B0];
	[tilespmem:$0x5C0] =	vst v54;
	v1 =	vadd.s32 v0, v1  }
0x48: {  	v2 =	vadd.s32 v0, v2;
	[tilespmem:$0x3B0] =	vst v1;
	v1 =	vld [tilespmem:$0x160]  }
0x49: {  	[tilespmem:$0x3C0] =	vst v2;
	v2 =	vld [tilespmem:$0x1E0]  }
0x4a: {  	v53 =	vadd.s32 v0, v5;
	[tilespmem:$0x5D0] =	vst v56  }
0x4b: {  	[tilespmem:$0x3A0] =	vst v53  }
0x4c: {  	[tilespmem:$0x5B0] =	vst v3;
	v3 =	vadd.s32 v0, v55  }
0x4d: {  	[tilespmem:$0x3D0] =	vst v3  }
0x4e: {  	s17 =	rddreg [dreg:$0x4];
	v1 =	vadd.s32 v0, v1;
	[tilespmem:$0x5E0] =	vst v2  }
0x4f: {  	s14 =	sadd.s32 s30, s11;
	s0 =	rddreg [dreg:$0x5];
	[tilespmem:$0x3E0] =	vst v1  }
0x50: {  	[tilespmem:s0], [sflag:$0x5] =	stream.indirect.gather [hbm4b:s1+s16], $0x80, s17, s16, $0xb8;
	[tilespmem:$0x1EB00] =	vst v63  }
0x51: {  	s3 =	rddreg [dreg:$0x6];
	s31 =	sadd.s32 $0x40, s14  }
0x52: {  	[tilespmem:s3], [sflag:$0x3] =	stream.linear.gather [hbm4b:s31+s4], $0x100, $0x38;
	[tilespmem:$0x1EB00] =	vst v63  }
0x53: {  	_ =	swait.ge [sflag:s20], $0x3800  }
0x54: {  	[sflag:s20] =	ssyncset.done $0x0  }
0x55: {  	s17 =	rddreg [dreg:$0x7];
	[sflag:s20] =	ssyncadd.s32 $0xFFFFC800  }
0x56: {  	[spmem:s2] =	stream.indirect.scatter.add.f32 [tilespmem:s18], [sflag:$0x7], $0x80, s17, s16, $0xb8;
	[tilespmem:$0x1EB00] =	vst v63  }
0x57: {  	_ =	swait.ge [sflag:s21], $0x100  }
0x58: {  	[sflag:s21] =	ssyncset.done $0x0  }
0x59: {  	s0 =	simm.s32 @!p0 $0x9;
	[sflag:s21] =	ssyncadd.s32 $0xFFFFFF00  }
0x5a: {  	_ =	swait.ge @!p0 [sflag:s0], $0x3800  }
0x5b: {  	[sflag:s0] =	ssyncset.done @!p0 $0x0  }
0x5c: {  	[sflag:s0] =	ssyncadd.s32 @!p0 $0xFFFFC800  }
0x5d: {  	v1 =	vld [tilespmem:$0x200]  }
0x5e: {  	v2 =	vld [tilespmem:$0x280]  }
0x5f: {  	v3 =	vld [tilespmem:$0x210];
	_ =	sdelay $0x1  }
0x60: {  	v57 =	vld [tilespmem:$0x290]  }
0x61: {  	v59 =	vld [tilespmem:$0x2A0]  }
0x62: {  	v61 =	vld [tilespmem:$0x2C0];
	v1 =	vadd.s32 v0, v1;
	[tilespmem:$0x600] =	vst v2  }
0x63: {  	v2 =	vadd.s32 v0, v3;
	[tilespmem:$0x400] =	vst v1;
	v1 =	vld [tilespmem:$0x230]  }
0x64: {  	[tilespmem:$0x410] =	vst v2;
	v2 =	vld [tilespmem:$0x240]  }
0x65: {  	v58 =	vld [tilespmem:$0x220]  }
0x66: {  	v63 =	vld [tilespmem:$0x2D0];
	[tilespmem:$0x610] =	vst v57  }
0x67: {  	v62 =	vld [tilespmem:$0x250];
	[tilespmem:$0x620] =	vst v59  }
0x68: {  	v3 =	vld [tilespmem:$0x2B0];
	[tilespmem:$0x640] =	vst v61;
	v1 =	vadd.s32 v0, v1  }
0x69: {  	v2 =	vadd.s32 v0, v2;
	[tilespmem:$0x430] =	vst v1;
	v1 =	vld [tilespmem:$0x260]  }
0x6a: {  	[tilespmem:$0x440] =	vst v2;
	v2 =	vld [tilespmem:$0x2E0]  }
0x6b: {  	v60 =	vadd.s32 v0, v58;
	[tilespmem:$0x650] =	vst v63  }
0x6c: {  	[tilespmem:$0x420] =	vst v60  }
0x6d: {  	[tilespmem:$0x630] =	vst v3;
	v3 =	vadd.s32 v0, v62  }
0x6e: {  	[tilespmem:$0x450] =	vst v3  }
0x6f: {  	p0 =	sne.s32 s30, $0xAE0;
	v1 =	vadd.s32 v0, v1;
	[tilespmem:$0x660] =	vst v2  }
0x70: {  	s31 =	rddreg [dreg:$0x8];
	s0 =	sadd.s32 @p0 s30, s11;
	[tilespmem:$0x460] =	vst v1  }
0x71: {  	[tilespmem:s22], [sflag:$0x6] =	stream.indirect.gather [hbm4b:s1+s16], $0x80, s31, s16, $0xb8;
	[tilespmem:$0x1EB00] =	vst v63  }
0x72: {  	s3 =	simm.s32 @p0 $0x0;
	s31 =	sadd.s32 @p0 $0x60, s0  }
0x73: {  	[tilespmem:s3], [sflag:$0x1] =	stream.linear.gather @p0 [hbm4b:s31+s3], $0x100, $0x38;
	[tilespmem:$0x1EB00] =	vst v63  }
0x74: {  	s31 =	simm.s32 @p0 $0x5  }
0x75: {  	_ =	swait.ge @p0 [sflag:s31], $0x3800  }
0x76: {  	s14 =	simm.s32 @p0 $0x580;
	[sflag:s31] =	ssyncset.done @p0 $0x0  }
0x77: {  	s17 =	simm.s32 @p0 $0x3F00;
	[sflag:s31] =	ssyncadd.s32 @p0 $0xFFFFC800;
	s31 =	simm.s32 @p0 $0x70  }
0x78: {  	[spmem:s2] =	stream.indirect.scatter.add.f32 @p0 [tilespmem:s17], [sflag:$0x8], $0x80, s14, s31, $0xb8;
	[tilespmem:$0x1EB00] =	vst v63  }
0x79: {  	s14 =	simm.s32 @p0 $0x1  }
0x7a: {  	_ =	swait.ge @p0 [sflag:s14], $0x100  }
0x7b: {  	[sflag:s14] =	ssyncset.done @p0 $0x0  }
0x7c: {  	[sflag:s14] =	ssyncadd.s32 @p0 $0xFFFFFF00;
	s14 =	simm.s32 @p0 $0x7  }
0x7d: {  	_ =	swait.ge @p0 [sflag:s14], $0x3800  }
0x7e: {  	[sflag:s14] =	ssyncset.done @p0 $0x0  }
0x7f: {  	[sflag:s14] =	ssyncadd.s32 @p0 $0xFFFFC800  }
0x80: {  	v1 =	vld @p0 [tilespmem:$0x0]  }
0x81: {  	v2 =	vld @p0 [tilespmem:$0x80]  }
0x82: {  	v3 =	vld @p0 [tilespmem:$0x10];
	_ =	sdelay $0x1  }
0x83: {  	v4 =	vld @p0 [tilespmem:$0x90]  }
0x84: {  	v5 =	vld @p0 [tilespmem:$0x20]  }
0x85: {  	v6 =	vld @p0 [tilespmem:$0xA0];
	v1 =	vadd.s32 @p0 v0, v1;
	[tilespmem:$0x500] =	vst @p0 v2  }
0x86: {  	v2 =	vadd.s32 @p0 v0, v3;
	[tilespmem:$0x300] =	vst @p0 v1;
	v1 =	vld @p0 [tilespmem:$0x30]  }
0x87: {  	[tilespmem:$0x310] =	vst @p0 v2;
	v2 =	vld @p0 [tilespmem:$0x40]  }
0x88: {  	v3 =	vld @p0 [tilespmem:$0xB0]  }
0x89: {  	[tilespmem:$0x510] =	vst @p0 v4;
	v4 =	vadd.s32 @p0 v0, v5;
	v5 =	vld @p0 [tilespmem:$0xC0]  }
0x8a: {  	[tilespmem:$0x520] =	vst @p0 v6;
	v6 =	vld @p0 [tilespmem:$0xD0]  }
0x8b: {  	[tilespmem:$0x320] =	vst @p0 v4;
	v4 =	vld @p0 [tilespmem:$0x50];
	v1 =	vadd.s32 @p0 v0, v1  }
0x8c: {  	v2 =	vadd.s32 @p0 v0, v2;
	[tilespmem:$0x330] =	vst @p0 v1;
	v1 =	vld @p0 [tilespmem:$0x60]  }
0x8d: {  	[tilespmem:$0x340] =	vst @p0 v2;
	v2 =	vld @p0 [tilespmem:$0xE0]  }
0x8e: {  	[tilespmem:$0x530] =	vst @p0 v3  }
0x8f: {  	[tilespmem:$0x540] =	vst @p0 v5  }
0x90: {  	[tilespmem:$0x550] =	vst @p0 v6;
	v3 =	vadd.s32 @p0 v0, v4  }
0x91: {  	[tilespmem:$0x350] =	vst @p0 v3  }
0x92: {  	v1 =	vadd.s32 @p0 v0, v1;
	[tilespmem:$0x560] =	vst @p0 v2  }
0x93: {  	s17 =	simm.s32 @p0 $0x700;
	s14 =	simm.s32 @p0 $0x300;
	[tilespmem:$0x360] =	vst @p0 v1  }
0x94: {  	[tilespmem:s17], [sflag:$0x4] =	stream.indirect.gather @p0 [hbm4b:s1+s31], $0x80, s14, s31, $0xb8;
	[tilespmem:$0x1EB00] =	vst v63  }
0x95: {  	s0 =	sadd.s32 @p0 $0x80, s0;
	s14 =	simm.s32 @p0 $0x100  }
0x96: {  	[tilespmem:s14], [sflag:$0x2] =	stream.linear.gather @p0 [hbm4b:s0+s3], $0x100, $0x38;
	[tilespmem:$0x1EB00] =	vst v63  }
0x97: {  	s0 =	simm.s32 @!p0 $0x5  }
0x98: {  	_ =	swait.ge @!p0 [sflag:s0], $0x3800  }
0x99: {  	s30 =	sadd.s32 $0x60, s30;
	s3 =	simm.s32 @!p0 $0x580;
	[sflag:s0] =	ssyncset.done @!p0 $0x0  }
0x9a: {  	s14 =	simm.s32 @!p0 $0x3F00;
	[sflag:s0] =	ssyncadd.s32 @!p0 $0xFFFFC800;
	s0 =	simm.s32 @!p0 $0x70  }
0x9b: {  	[spmem:s2] =	stream.indirect.scatter.add.f32 @!p0 [tilespmem:s14], [sflag:$0x8], $0x80, s3, s0, $0xb8;
	[tilespmem:$0x1EB00] =	vst v63  }
0x9c: {  	p0 =	sne.s32 s30, $0xB40  }
.Ltmp0:
0x9d: {  	_ = 	snop;
	(pc) =	sbr.rel @p0 .LBB2_2-.Ltmp0, $4  }
0x9e: {  	_ =	swait.ge [sflag:s23], $0x3800  }
0x9f: {  	[sflag:s23] =	ssyncset.done $0x0  }
0xa0: {  	[sflag:s23] =	ssyncadd.s32 $0xFFFFC800  }
0xa1: {  	[spmem:s2] =	stream.indirect.scatter.add.f32 [tilespmem:s22], [sflag:$0x9], $0x80, s24, s16, $0xb8;
	[tilespmem:$0x1EB00] =	vst v63  }
0xa2: {  	_ =	swait.ge [sflag:s25], $0x3800  }
0xa3: {  	[sflag:s25] =	ssyncset.done $0x0  }
0xa4: {  	[sflag:s25] =	ssyncadd.s32 $0xFFFFC800  }
0xa5: {  	_ =	swait.ge [sflag:s26], $0x3800  }
0xa6: {  	[sflag:s26] =	ssyncset.done $0x0  }
0xa7: {  	[sflag:s26] =	ssyncadd.s32 $0xFFFFC800  }
0xa8: {  	_ =	swait.ge [sflag:s28], $0x3800  }
0xa9: {  	s29 =	sadd.s32 $0x1, s29;
	[sflag:s28] =	ssyncset.done $0x0  }
0xaa: {  	p0 =	sne.s32 s29, s10;
	[sflag:s28] =	ssyncadd.s32 $0xFFFFC800  }
.Ltmp1:
0xab: {  	[bflag:$0x0] =	sbarrier.arrive $0xFFFF;
	(pc) =	sbr.rel @p0 .LBB2_1-.Ltmp1, $4  }
0xac: {  	[hbm:s9], [sflag:s7] =	dma.local [spmem:s12], $0x2780  }
0xad: {  	_ =	swait.ge [sflag:s13], $0x2780  }
0xae: {  	[sflag:s13] =	ssyncset.done $0x0  }
0xaf: {  	[sflag:s13] =	ssyncadd.s32 $0xFFFFD880  }
0xb0: {  	_ =	sfence.sel $0x180000  }
0xb1: {  	[bflag:$0x0] =	sbarrier.arrive $0xFFFF  }
0xb2: {  	_ =	strace $0x9000004A  }
0xb3: {  	s0 =	stileid.u32;
	[bflag:$0x2] =	sbarrier.arrive $0xFFFF  }
0xb4: {  	p0 =	sne.s32 s0, $0x0;
	s0 =	rddreg [dreg:$0x3]  }
0xb5: {  	s0 =	sadd.s32 @!p0 $0x100000, s0  }
0xb6: {  	[sflag:s0] =	ssyncadd.tile.s32 @!p0 $0x1;
	_ =	shalt  }
.Lfunc_end2:
_tile_overlayer_lowered:
.L_overlay_start_2:
0xb7: {  	(tag) =	ssettag $0x2  }
0xb8: {  	s0 =	rddreg [dreg:$0x0];
	s2 =	stileid.u32  }
0xb9: {  	s1 =	rddreg [dreg:$0x1];
	p0 =	sne.s32 s2, $0x0  }
0xba: {  	s3 =	rddreg [dreg:$0x2];
	[bflag:$0x3] =	sbarrier.arrive $0xFFFF;
	s2 =	simm.s32 @!p0 $0x1C0A  }
0xbb: {  	[timem:s3], [sflag:s2] =	dma.local @!p0 [hbm:s0], s1  }
0xbc: {  	s0 =	simm.s32 @!p0 $0xA  }
0xbd: {  	_ =	swait.ge @!p0 [sflag:s0], s1  }
0xbe: {  	s1 =	ssub.s32 @!p0 $0x0, s1;
	[sflag:s0] =	ssyncset.done @!p0 $0x0  }
0xbf: {  	[sflag:s0] =	ssyncadd.s32 @!p0 s1  }
0xc0: {  	[bflag:$0x3] =	sbarrier.arrive $0xFFFF  }
0xc1: {  	_ =	shalt  }

</sc_bundles>
